<compile_context>
chip_gen: v7x
topology: tpu7x:2x2x1
jax: 0.10.2.dev20260603
libtpu: 0.0.44.dev20260713+nightly
codegen_flags: <defaults>
</compile_context>

<pallas_src>
import functools

import jax
import jax.numpy as jnp
from jax import lax
from jax.experimental import pallas as pl
from jax.experimental.pallas import tpu as pltpu
from jax.experimental.pallas import tpu_sc as plsc

N_USERS = 5000
N_ITEMS = 5000
N_NODES = 10000
D = 256
DH = 128
E = 160000

NP = 10240
SLAB = NP // 16
CH = 128
NCH = 80
IBLK = 16
NIB = NCH // IBLK
EP16 = NCH * CH
EP = EP16 * 16

_mesh = plsc.VectorSubcoreMesh(core_axis_name="c", subcore_axis_name="s")


@functools.partial(
    pl.kernel,
    out_type=jax.ShapeDtypeStruct((2, NP, DH), jnp.float32),
    mesh=_mesh,
    scratch_types=[
        pltpu.VMEM((NCH // 2, CH), jnp.int32),
        pltpu.VMEM((CH, DH), jnp.float32),
        pltpu.VMEM_SHARED((NP, DH), jnp.float32),
        pltpu.SemaphoreType.DMA,
    ],
)
def _deg_kernel(rows_hbm, ones_hbm, zeros8_hbm, deg_hbm, ridx, onesv, hist,
                sem):
    c = lax.axis_index("c")
    s = lax.axis_index("s")
    slab = pl.ds(s * SLAB, SLAB)
    pltpu.sync_copy(rows_hbm.at[0, s, pl.ds(c * (NCH // 2), NCH // 2)], ridx)
    pltpu.sync_copy(ones_hbm, onesv)
    pltpu.sync_copy(zeros8_hbm.at[slab], hist.at[slab])
    plsc.subcore_barrier()

    def body(g, carry):
        for t in range(8):
            pltpu.async_copy(onesv, hist.at[ridx.at[g * 8 + t]], sem,
                             add=True)
        for t in range(8):
            pltpu.make_async_copy(onesv, hist.at[ridx.at[g * 8]], sem).wait()
        return carry

    lax.fori_loop(0, NCH // 16, body, 0)
    plsc.subcore_barrier()
    pltpu.sync_copy(hist.at[slab], deg_hbm.at[c, slab])


def _mm_body(f_ref, wt_ref, b_ref, o_ref):
    o_ref[...] = jnp.dot(f_ref[...], wt_ref[...],
                         preferred_element_type=jnp.float32) + b_ref[...]


def _item_transform(features, W, b):
    return pl.pallas_call(
        _mm_body,
        out_shape=jax.ShapeDtypeStruct((N_ITEMS, D), jnp.float32),
        grid=(N_ITEMS // 1000,),
        in_specs=[
            pl.BlockSpec((1000, D), lambda i: (i, 0)),
            pl.BlockSpec((D, D), lambda i: (0, 0)),
            pl.BlockSpec((1, D), lambda i: (0, 0)),
        ],
        out_specs=pl.BlockSpec((1000, D), lambda i: (i, 0)),
    )(features, W.T, b[None, :])


def _norm_body(x_ref, dg_ref, dg2_ref, xs_ref, ys_ref, dis_ref):
    x = x_ref[...]
    deg = dg_ref[...] + dg2_ref[...]
    dis = jnp.where(deg > 0, lax.rsqrt(deg), 0.0)
    nrm = jnp.sqrt(jnp.sum(x * x, axis=1, keepdims=True))
    xn = x / jnp.maximum(nrm, 1e-12)
    y = dis * xn
    xs_ref[0] = xn[:, :DH]
    xs_ref[1] = xn[:, DH:]
    ys_ref[0] = y[:, :DH]
    ys_ref[1] = y[:, DH:]
    dis_ref[...] = dis


def _normalize_split(xraw_pad, deg_col, deg_col2):
    blk = 256
    return pl.pallas_call(
        _norm_body,
        out_shape=(
            jax.ShapeDtypeStruct((2, NP, DH), jnp.float32),
            jax.ShapeDtypeStruct((2, NP, DH), jnp.float32),
            jax.ShapeDtypeStruct((NP, 1), jnp.float32),
        ),
        grid=(NP // blk,),
        in_specs=[
            pl.BlockSpec((blk, D), lambda i: (i, 0)),
            pl.BlockSpec((blk, 1), lambda i: (i, 0)),
            pl.BlockSpec((blk, 1), lambda i: (i, 0)),
        ],
        out_specs=(
            pl.BlockSpec((2, blk, DH), lambda i: (0, i, 0)),
            pl.BlockSpec((2, blk, DH), lambda i: (0, i, 0)),
            pl.BlockSpec((blk, 1), lambda i: (i, 0)),
        ),
    )(xraw_pad, deg_col, deg_col2)


@functools.partial(
    pl.kernel,
    out_type=jax.ShapeDtypeStruct((2, NP, DH), jnp.float32),
    mesh=_mesh,
    scratch_types=[
        pltpu.VMEM((IBLK, CH), jnp.int32),
        pltpu.VMEM((IBLK, CH), jnp.int32),
        pltpu.VMEM((CH, DH), jnp.float32),
        pltpu.VMEM((CH, DH), jnp.float32),
        pltpu.VMEM_SHARED((NP, DH), jnp.float32),
        pltpu.SemaphoreType.DMA,
        pltpu.SemaphoreType.DMA,
        pltpu.SemaphoreType.DMA,
    ],
)
def _agg_kernel(rows_hbm, cols_hbm, ytab_hbm, zeros_hbm, acc_hbm,
                ridx, cidx, ga, gb, acc, sema, semb, semsc):
    c = lax.axis_index("c")
    s = lax.axis_index("s")
    slab = pl.ds(s * SLAB, SLAB)
    pltpu.sync_copy(zeros_hbm.at[slab], acc.at[slab])
    plsc.subcore_barrier()

    def outer(ib, carry):
        isl = pl.ds(ib * IBLK, IBLK)
        pltpu.sync_copy(rows_hbm.at[c, s, isl], ridx)
        pltpu.sync_copy(cols_hbm.at[s, isl], cidx)
        pltpu.async_copy(ytab_hbm.at[ridx.at[0]], ga, sema)
        pltpu.async_copy(ytab_hbm.at[ridx.at[1]], gb, semb)

        def pair(p, carry2):
            j = 2 * p
            last = p >= IBLK // 2 - 1
            pltpu.make_async_copy(ytab_hbm.at[ridx.at[j]], ga, sema).wait()
            pltpu.sync_copy(ga, acc.at[cidx.at[j]], add=True)

            @pl.when(jnp.logical_not(last))
            def _():
                pltpu.async_copy(ytab_hbm.at[ridx.at[j + 2]], ga, sema)

            pltpu.make_async_copy(ytab_hbm.at[ridx.at[j + 1]], gb, semb).wait()
            pltpu.sync_copy(gb, acc.at[cidx.at[j + 1]], add=True)

            @pl.when(jnp.logical_not(last))
            def _():
                pltpu.async_copy(ytab_hbm.at[ridx.at[j + 3]], gb, semb)

            return carry2

        lax.fori_loop(0, IBLK // 2, pair, 0)
        return carry

    lax.fori_loop(0, NIB, outer, 0)
    plsc.subcore_barrier()
    pltpu.sync_copy(acc.at[slab], acc_hbm.at[c, slab])


def _mid_body(a_ref, dis_ref, h1_ref, y2_ref):
    a = a_ref[0]
    dis = dis_ref[...]
    h1 = dis * a
    h1_ref[0] = h1
    y2_ref[0] = dis * h1


def _mid_scale(acc1, disv):
    blk = 512
    return pl.pallas_call(
        _mid_body,
        out_shape=(
            jax.ShapeDtypeStruct((2, NP, DH), jnp.float32),
            jax.ShapeDtypeStruct((2, NP, DH), jnp.float32),
        ),
        grid=(2, NP // blk),
        in_specs=[
            pl.BlockSpec((1, blk, DH), lambda c, i: (c, i, 0)),
            pl.BlockSpec((blk, 1), lambda c, i: (i, 0)),
        ],
        out_specs=(
            pl.BlockSpec((1, blk, DH), lambda c, i: (c, i, 0)),
            pl.BlockSpec((1, blk, DH), lambda c, i: (c, i, 0)),
        ),
    )(acc1, disv)


def _fin_body(x_ref, h1_ref, a_ref, dis_ref, o_ref):
    dis = dis_ref[...]
    o_ref[:, 0, :] = x_ref[0] + h1_ref[0] + dis * a_ref[0]
    o_ref[:, 1, :] = x_ref[1] + h1_ref[1] + dis * a_ref[1]


def _final_sum(xs, h1s, acc2, disv):
    blk = 512
    return pl.pallas_call(
        _fin_body,
        out_shape=jax.ShapeDtypeStruct((NP, 2, DH), jnp.float32),
        grid=(NP // blk,),
        in_specs=[
            pl.BlockSpec((2, blk, DH), lambda i: (0, i, 0)),
            pl.BlockSpec((2, blk, DH), lambda i: (0, i, 0)),
            pl.BlockSpec((2, blk, DH), lambda i: (0, i, 0)),
            pl.BlockSpec((blk, 1), lambda i: (i, 0)),
        ],
        out_specs=pl.BlockSpec((blk, 2, DH), lambda i: (i, 0, 0)),
    )(xs, h1s, acc2, disv)


def kernel(edge_index, user_preference, features, W, b):
    i32 = jnp.int32
    row = edge_index[0].astype(i32)
    col = edge_index[1].astype(i32)
    pad = jnp.full((EP - E,), N_NODES, dtype=i32)
    rows16 = jnp.concatenate([row, pad]).reshape(16, NCH, CH)
    cols16 = jnp.concatenate([col, pad]).reshape(16, NCH, CH)
    rowg = jnp.stack([rows16, rows16 + NP])

    ones_big = jnp.ones((CH, DH), jnp.float32)
    zeros_big = jnp.zeros((NP, DH), jnp.float32)

    deg8 = _deg_kernel(rowg, ones_big, zeros_big)
    deg_col = deg8[0, :, :1]
    deg_col2 = deg8[1, :, :1]

    item_features = _item_transform(features, W, b)
    xraw = jnp.concatenate([user_preference, item_features], axis=0)
    xraw_pad = jnp.pad(xraw, ((0, NP - N_NODES), (0, 0)))

    xs3, ys3, disv = _normalize_split(xraw_pad, deg_col, deg_col2)
    ys = ys3.reshape(2 * NP, DH)

    acc1 = _agg_kernel(rowg, cols16, ys, zeros_big)
    h1s, y2s = _mid_scale(acc1, disv)
    acc2 = _agg_kernel(rowg, cols16, y2s.reshape(2 * NP, DH), zeros_big)
    outs = _final_sum(xs3, h1s, acc2, disv)

    return outs.reshape(NP, D)[:N_NODES]

# --- scband reference (transcript-rebuilt; emitter-appended) ---
"""Pipeline reference for scband-gcn-4922032521373 (READ-ONLY COPY).

The authoritative reference and input builder live on the scoring server;
editing this copy changes nothing except your own understanding.
"""

import jax, jax.numpy as jnp
import numpy as np

N_USERS = 5000
N_ITEMS = 5000
N_NODES = N_USERS + N_ITEMS
FEAT_DIM = 256
EMBED_DIM = 256
N_EDGES = 160000


def setup_inputs(seed: int = 0) -> dict:
    key = jax.random.key(seed)
    ks = jax.random.split(key, 5)
    edge_index = jax.random.randint(ks[0], (2, N_EDGES), 0, N_NODES, dtype=jnp.int32)
    # learned parameters
    xav = (2.0 / (N_USERS + EMBED_DIM)) ** 0.5
    user_preference = jax.random.normal(ks[1], (N_USERS, EMBED_DIM), dtype=jnp.float32) * xav
    features = jax.random.normal(ks[2], (N_ITEMS, FEAT_DIM), dtype=jnp.float32)
    W = jax.random.normal(ks[3], (EMBED_DIM, FEAT_DIM), dtype=jnp.float32) * (1.0 / FEAT_DIM) ** 0.5
    b = jnp.zeros((EMBED_DIM,), dtype=jnp.float32)
    return {"edge_index": edge_index, "user_preference": user_preference,
            "features": features, "W": W, "b": b}


def _gcn_layer(x, edge_index):
    # Faithful to GraphConv.message: degree computed over `row` with
    # num_nodes = x_j.size(0) == number of edges (quirk of original code).
    row = edge_index[0]
    col = edge_index[1]
    E = row.shape[0]
    deg = jax.lax.stop_gradient(jnp.zeros((E,), dtype=x.dtype).at[row].add(1.0))
    deg_inv_sqrt = jnp.power(deg, -0.5)
    norm = deg_inv_sqrt[row] * deg_inv_sqrt[col]
    msg = norm[:, None] * x[row]           # gather (SparseCore)
    out = jnp.zeros_like(x).at[col].add(msg)  # scatter-add aggr='add'
    return out


def reference(edge_index, user_preference, features, W, b):
    # feat_transform: Linear(FEAT_DIM -> EMBED_DIM)
    item_features = features @ W.T + b
    x = jnp.concatenate([user_preference, item_features], axis=0)
    # F.normalize(x, dim=1)
    nrm = jnp.sqrt(jnp.sum(x * x, axis=1, keepdims=True))
    x = x / jnp.maximum(nrm, 1e-12)
    h1 = _gcn_layer(x, edge_index)
    h2 = _gcn_layer(h1, edge_index)
    return x + h1 + h2

if __name__ == "__main__":
    import jax
    _d = setup_inputs()
    print(jax.jit(kernel)(*tuple(_d.values())))

</pallas_src>

<mosaic_0001>
#map = affine_map<(d0, d1) -> (0, 0, 0, 0)>
#map1 = affine_map<(d0, d1) -> (0, 0, 0)>
#map2 = affine_map<(d0, d1) -> (0, 0)>
module attributes {stable_mosaic.version = 14 : i64} {
  func.func @_agg_kernel(%arg0: i32, %arg1: i32, %arg2: memref<2x16x80x128xi32, #tpu.memory_space<hbm>>, %arg3: memref<16x80x128xi32, #tpu.memory_space<hbm>>, %arg4: memref<20480x128xf32, #tpu.memory_space<hbm>>, %arg5: memref<10240x128xf32, #tpu.memory_space<hbm>>, %arg6: memref<2x10240x128xf32, #tpu.memory_space<hbm>>, %arg7: memref<16x128xi32, #tpu.memory_space<vmem>>, %arg8: memref<16x128xi32, #tpu.memory_space<vmem>>, %arg9: memref<128x128xf32, #tpu.memory_space<vmem>>, %arg10: memref<128x128xf32, #tpu.memory_space<vmem>>, %arg11: memref<10240x128xf32, #tpu.memory_space<vmem_shared>>, %arg12: memref<!tpu.dma_semaphore, #tpu.memory_space<semaphore_mem>>, %arg13: memref<!tpu.dma_semaphore, #tpu.memory_space<semaphore_mem>>, %arg14: memref<!tpu.dma_semaphore, #tpu.memory_space<semaphore_mem>>) attributes {dimension_semantics = [#tpu.dimension_semantics<core_parallel>, #tpu.dimension_semantics<subcore_parallel>], iteration_bounds = array<i64: 2, 16>, scalar_prefetch = 0 : i64, scratch_operands = 8 : i64, tpu.core_type = #tpu.core_type<sc_vector_subcore>, window_params = [{transform_indices = #map}, {transform_indices = #map1}, {transform_indices = #map2}, {transform_indices = #map2}, {transform_indices = #map1}]} {
    %mul3A = arith.constant 640 : i32
    %mul3A_0 = arith.muli %arg1, %mul3A : i32
    "tpu.region"() ({
      %run_scoped3A = tpu.sem_alloc : memref<!tpu.dma_semaphore, #tpu.memory_space<semaphore_mem>>
      %dma_start3A = arith.constant 0 : i32
      %dma_start3A_7 = tpu.memref_slice %arg11[%mul3A_0, %dma_start3A] : memref<10240x128xf32, #tpu.memory_space<vmem_shared>> -> memref<640x128xf32, #tpu.memory_space<vmem_shared>>
      %dma_start3A_8 = arith.constant 0 : i32
      %dma_start3A_9 = tpu.memref_slice %arg5[%mul3A_0, %dma_start3A_8] : memref<10240x128xf32, #tpu.memory_space<hbm>> -> memref<640x128xf32, #tpu.memory_space<hbm>>
      tpu.enqueue_dma source(%dma_start3A_9 : memref<640x128xf32, #tpu.memory_space<hbm>>) target(%dma_start3A_7 : memref<640x128xf32, #tpu.memory_space<vmem_shared>>) target_semaphore(%run_scoped3A : memref<!tpu.dma_semaphore, #tpu.memory_space<semaphore_mem>>)
      %dma_wait3A = arith.constant 0 : i32
      %dma_wait3A_10 = tpu.memref_slice %arg11[%mul3A_0, %dma_wait3A] : memref<10240x128xf32, #tpu.memory_space<vmem_shared>> -> memref<640x128xf32, #tpu.memory_space<vmem_shared>>
      %dma_wait3A_11 = arith.constant 0 : i32
      %dma_wait3A_12 = tpu.memref_slice %arg5[%mul3A_0, %dma_wait3A_11] : memref<10240x128xf32, #tpu.memory_space<hbm>> -> memref<640x128xf32, #tpu.memory_space<hbm>>
      tpu.wait_dma2 semaphore(%run_scoped3A : memref<!tpu.dma_semaphore, #tpu.memory_space<semaphore_mem>>) src(%dma_wait3A_12 : memref<640x128xf32, #tpu.memory_space<hbm>>) dst(%dma_wait3A_10 : memref<640x128xf32, #tpu.memory_space<vmem_shared>>)
      tpu.yield
    }) : () -> ()
    %barrier3A = arith.constant 0 : index
    tpu.barrier barrier_id(%barrier3A)
    %scan3A = arith.constant 0 : i32
    %scan3A_1 = arith.constant 0 : i32
    %scan3A_2 = arith.constant 5 : i32
    %scan3A_3 = arith.addi %scan3A_1, %scan3A_2 : i32
    %scan3A_4 = arith.constant 1 : i32
    scf.for %scan3A_7 = %scan3A_1 to %scan3A_3 step %scan3A_4  : i32 {
      %mul3A_8 = arith.constant 16 : i32
      %mul3A_9 = arith.muli %scan3A_7, %mul3A_8 : i32
      "tpu.region"() ({
        %run_scoped3A = tpu.sem_alloc : memref<!tpu.dma_semaphore, #tpu.memory_space<semaphore_mem>>
        %dma_start3A_29 = arith.constant 0 : i32
        %dma_start3A_30 = tpu.memref_slice %arg2[%arg0, %arg1, %mul3A_9, %dma_start3A_29] : memref<2x16x80x128xi32, #tpu.memory_space<hbm>> -> memref<1x1x16x128xi32, #tpu.memory_space<hbm>>
        %dma_start3A_31 = tpu.memref_squeeze %dma_start3A_30 : memref<1x1x16x128xi32, #tpu.memory_space<hbm>> -> memref<16x128xi32, #tpu.memory_space<hbm>>
        %dma_start3A_32 = arith.constant 0 : i32
        %dma_start3A_33 = tpu.memref_slice %arg2[%arg0, %arg1, %mul3A_9, %dma_start3A_32] : memref<2x16x80x128xi32, #tpu.memory_space<hbm>> -> memref<1x1x16x128xi32, #tpu.memory_space<hbm>>
        %dma_start3A_34 = tpu.memref_squeeze %dma_start3A_33 : memref<1x1x16x128xi32, #tpu.memory_space<hbm>> -> memref<16x128xi32, #tpu.memory_space<hbm>>
        tpu.enqueue_dma source(%dma_start3A_34 : memref<16x128xi32, #tpu.memory_space<hbm>>) target(%arg7 : memref<16x128xi32, #tpu.memory_space<vmem>>) target_semaphore(%run_scoped3A : memref<!tpu.dma_semaphore, #tpu.memory_space<semaphore_mem>>)
        %dma_wait3A = arith.constant 0 : i32
        %dma_wait3A_35 = tpu.memref_slice %arg2[%arg0, %arg1, %mul3A_9, %dma_wait3A] : memref<2x16x80x128xi32, #tpu.memory_space<hbm>> -> memref<1x1x16x128xi32, #tpu.memory_space<hbm>>
        %dma_wait3A_36 = tpu.memref_squeeze %dma_wait3A_35 : memref<1x1x16x128xi32, #tpu.memory_space<hbm>> -> memref<16x128xi32, #tpu.memory_space<hbm>>
        %dma_wait3A_37 = arith.constant 0 : i32
        %dma_wait3A_38 = tpu.memref_slice %arg2[%arg0, %arg1, %mul3A_9, %dma_wait3A_37] : memref<2x16x80x128xi32, #tpu.memory_space<hbm>> -> memref<1x1x16x128xi32, #tpu.memory_space<hbm>>
        %dma_wait3A_39 = tpu.memref_squeeze %dma_wait3A_38 : memref<1x1x16x128xi32, #tpu.memory_space<hbm>> -> memref<16x128xi32, #tpu.memory_space<hbm>>
        tpu.wait_dma2 semaphore(%run_scoped3A : memref<!tpu.dma_semaphore, #tpu.memory_space<semaphore_mem>>) src(%dma_wait3A_39 : memref<16x128xi32, #tpu.memory_space<hbm>>) dst(%arg7 : memref<16x128xi32, #tpu.memory_space<vmem>>)
        tpu.yield
      }) : () -> ()
      "tpu.region"() ({
        %run_scoped3A = tpu.sem_alloc : memref<!tpu.dma_semaphore, #tpu.memory_space<semaphore_mem>>
        %dma_start3A_29 = arith.constant 0 : i32
        %dma_start3A_30 = tpu.memref_slice %arg3[%arg1, %mul3A_9, %dma_start3A_29] : memref<16x80x128xi32, #tpu.memory_space<hbm>> -> memref<1x16x128xi32, #tpu.memory_space<hbm>>
        %dma_start3A_31 = tpu.memref_squeeze %dma_start3A_30 : memref<1x16x128xi32, #tpu.memory_space<hbm>> -> memref<16x128xi32, #tpu.memory_space<hbm>>
        %dma_start3A_32 = arith.constant 0 : i32
        %dma_start3A_33 = tpu.memref_slice %arg3[%arg1, %mul3A_9, %dma_start3A_32] : memref<16x80x128xi32, #tpu.memory_space<hbm>> -> memref<1x16x128xi32, #tpu.memory_space<hbm>>
        %dma_start3A_34 = tpu.memref_squeeze %dma_start3A_33 : memref<1x16x128xi32, #tpu.memory_space<hbm>> -> memref<16x128xi32, #tpu.memory_space<hbm>>
        tpu.enqueue_dma source(%dma_start3A_34 : memref<16x128xi32, #tpu.memory_space<hbm>>) target(%arg8 : memref<16x128xi32, #tpu.memory_space<vmem>>) target_semaphore(%run_scoped3A : memref<!tpu.dma_semaphore, #tpu.memory_space<semaphore_mem>>)
        %dma_wait3A = arith.constant 0 : i32
        %dma_wait3A_35 = tpu.memref_slice %arg3[%arg1, %mul3A_9, %dma_wait3A] : memref<16x80x128xi32, #tpu.memory_space<hbm>> -> memref<1x16x128xi32, #tpu.memory_space<hbm>>
        %dma_wait3A_36 = tpu.memref_squeeze %dma_wait3A_35 : memref<1x16x128xi32, #tpu.memory_space<hbm>> -> memref<16x128xi32, #tpu.memory_space<hbm>>
        %dma_wait3A_37 = arith.constant 0 : i32
        %dma_wait3A_38 = tpu.memref_slice %arg3[%arg1, %mul3A_9, %dma_wait3A_37] : memref<16x80x128xi32, #tpu.memory_space<hbm>> -> memref<1x16x128xi32, #tpu.memory_space<hbm>>
        %dma_wait3A_39 = tpu.memref_squeeze %dma_wait3A_38 : memref<1x16x128xi32, #tpu.memory_space<hbm>> -> memref<16x128xi32, #tpu.memory_space<hbm>>
        tpu.wait_dma2 semaphore(%run_scoped3A : memref<!tpu.dma_semaphore, #tpu.memory_space<semaphore_mem>>) src(%dma_wait3A_39 : memref<16x128xi32, #tpu.memory_space<hbm>>) dst(%arg8 : memref<16x128xi32, #tpu.memory_space<vmem>>)
        tpu.yield
      }) : () -> ()
      %dma_start3A = arith.constant 0 : i32
      %dma_start3A_10 = arith.constant 0 : i32
      %dma_start3A_11 = tpu.memref_slice %arg7[%dma_start3A, %dma_start3A_10] : memref<16x128xi32, #tpu.memory_space<vmem>> -> memref<1x128xi32, #tpu.memory_space<vmem>>
      %dma_start3A_12 = tpu.memref_squeeze %dma_start3A_11 : memref<1x128xi32, #tpu.memory_space<vmem>> -> memref<128xi32, #tpu.memory_space<vmem>>
      %dma_start3A_13 = arith.constant 0 : i32
      %dma_start3A_14 = arith.constant 0 : i32
      %dma_start3A_15 = tpu.memref_slice %arg4[%dma_start3A_13, %dma_start3A_14] : memref<20480x128xf32, #tpu.memory_space<hbm>> -> memref<20480x128xf32, #tpu.memory_space<hbm>>
      tpu.enqueue_indirect_dma source(%dma_start3A_15 : memref<20480x128xf32, #tpu.memory_space<hbm>>) target(%arg9 : memref<128x128xf32, #tpu.memory_space<vmem>>) offsets(%dma_start3A_12 : memref<128xi32, #tpu.memory_space<vmem>>) semaphore(%arg12 : memref<!tpu.dma_semaphore, #tpu.memory_space<semaphore_mem>>)
      %dma_start3A_16 = arith.constant 1 : i32
      %dma_start3A_17 = arith.constant 0 : i32
      %dma_start3A_18 = tpu.memref_slice %arg7[%dma_start3A_16, %dma_start3A_17] : memref<16x128xi32, #tpu.memory_space<vmem>> -> memref<1x128xi32, #tpu.memory_space<vmem>>
      %dma_start3A_19 = tpu.memref_squeeze %dma_start3A_18 : memref<1x128xi32, #tpu.memory_space<vmem>> -> memref<128xi32, #tpu.memory_space<vmem>>
      %dma_start3A_20 = arith.constant 0 : i32
      %dma_start3A_21 = arith.constant 0 : i32
      %dma_start3A_22 = tpu.memref_slice %arg4[%dma_start3A_20, %dma_start3A_21] : memref<20480x128xf32, #tpu.memory_space<hbm>> -> memref<20480x128xf32, #tpu.memory_space<hbm>>
      tpu.enqueue_indirect_dma source(%dma_start3A_22 : memref<20480x128xf32, #tpu.memory_space<hbm>>) target(%arg10 : memref<128x128xf32, #tpu.memory_space<vmem>>) offsets(%dma_start3A_19 : memref<128xi32, #tpu.memory_space<vmem>>) semaphore(%arg13 : memref<!tpu.dma_semaphore, #tpu.memory_space<semaphore_mem>>)
      %scan3A_23 = arith.constant 0 : i32
      %scan3A_24 = arith.constant 0 : i32
      %scan3A_25 = arith.constant 8 : i32
      %scan3A_26 = arith.addi %scan3A_24, %scan3A_25 : i32
      %scan3A_27 = arith.constant 1 : i32
      scf.for %scan3A_29 = %scan3A_24 to %scan3A_26 step %scan3A_27  : i32 {
        %mul3A_30 = arith.constant 2 : i32
        %mul3A_31 = arith.muli %mul3A_30, %scan3A_29 : i32
        %ge3A = arith.constant 7 : i32
        %ge3A_32 = arith.cmpi sge, %scan3A_29, %ge3A : i32
        %dma_wait3A = arith.constant 0 : i32
        %dma_wait3A_33 = tpu.memref_slice %arg7[%mul3A_31, %dma_wait3A] : memref<16x128xi32, #tpu.memory_space<vmem>> -> memref<1x128xi32, #tpu.memory_space<vmem>>
        %dma_wait3A_34 = tpu.memref_squeeze %dma_wait3A_33 : memref<1x128xi32, #tpu.memory_space<vmem>> -> memref<128xi32, #tpu.memory_space<vmem>>
        %dma_wait3A_35 = arith.constant 0 : i32
        %dma_wait3A_36 = arith.constant 0 : i32
        %dma_wait3A_37 = tpu.memref_slice %arg4[%dma_wait3A_35, %dma_wait3A_36] : memref<20480x128xf32, #tpu.memory_space<hbm>> -> memref<20480x128xf32, #tpu.memory_space<hbm>>
        tpu.wait_indirect_dma semaphore(%arg12 : memref<!tpu.dma_semaphore, #tpu.memory_space<semaphore_mem>>) src(%dma_wait3A_37 : memref<20480x128xf32, #tpu.memory_space<hbm>>) dst(%arg9 : memref<128x128xf32, #tpu.memory_space<vmem>>)
        "tpu.region"() ({
          %run_scoped3A = tpu.sem_alloc : memref<!tpu.dma_semaphore, #tpu.memory_space<semaphore_mem>>
          %dma_start3A_54 = arith.constant 0 : i32
          %dma_start3A_55 = tpu.memref_slice %arg8[%mul3A_31, %dma_start3A_54] : memref<16x128xi32, #tpu.memory_space<vmem>> -> memref<1x128xi32, #tpu.memory_space<vmem>>
          %dma_start3A_56 = tpu.memref_squeeze %dma_start3A_55 : memref<1x128xi32, #tpu.memory_space<vmem>> -> memref<128xi32, #tpu.memory_space<vmem>>
          %dma_start3A_57 = arith.constant 0 : i32
          %dma_start3A_58 = arith.constant 0 : i32
          %dma_start3A_59 = tpu.memref_slice %arg11[%dma_start3A_57, %dma_start3A_58] : memref<10240x128xf32, #tpu.memory_space<vmem_shared>> -> memref<10240x128xf32, #tpu.memory_space<vmem_shared>>
          tpu.enqueue_indirect_dma source(%arg9 : memref<128x128xf32, #tpu.memory_space<vmem>>) target(%dma_start3A_59 : memref<10240x128xf32, #tpu.memory_space<vmem_shared>>) offsets(%dma_start3A_56 : memref<128xi32, #tpu.memory_space<vmem>>) semaphore(%run_scoped3A : memref<!tpu.dma_semaphore, #tpu.memory_space<semaphore_mem>>) {add = true}
          %dma_wait3A_60 = arith.constant 0 : i32
          %dma_wait3A_61 = tpu.memref_slice %arg8[%mul3A_31, %dma_wait3A_60] : memref<16x128xi32, #tpu.memory_space<vmem>> -> memref<1x128xi32, #tpu.memory_space<vmem>>
          %dma_wait3A_62 = tpu.memref_squeeze %dma_wait3A_61 : memref<1x128xi32, #tpu.memory_space<vmem>> -> memref<128xi32, #tpu.memory_space<vmem>>
          %dma_wait3A_63 = arith.constant 0 : i32
          %dma_wait3A_64 = arith.constant 0 : i32
          %dma_wait3A_65 = tpu.memref_slice %arg11[%dma_wait3A_63, %dma_wait3A_64] : memref<10240x128xf32, #tpu.memory_space<vmem_shared>> -> memref<10240x128xf32, #tpu.memory_space<vmem_shared>>
          tpu.wait_indirect_dma semaphore(%run_scoped3A : memref<!tpu.dma_semaphore, #tpu.memory_space<semaphore_mem>>) src(%arg9 : memref<128x128xf32, #tpu.memory_space<vmem>>) dst(%dma_wait3A_65 : memref<10240x128xf32, #tpu.memory_space<vmem_shared>>)
          tpu.yield
        }) : () -> ()
        %not3A = arith.constant true
        %not3A_38 = arith.xori %ge3A_32, %not3A : i1
        %convert_element_type3A = arith.extui %not3A_38 : i1 to i32
        %cond3A = arith.constant 0 : i32
        %cond3A_39 = arith.cmpi ne, %convert_element_type3A, %cond3A : i32
        scf.if %cond3A_39 {
          %add3A_54 = arith.constant 2 : i32
          %add3A_55 = arith.addi %mul3A_31, %add3A_54 : i32
          %dma_start3A_56 = arith.constant 0 : i32
          %dma_start3A_57 = tpu.memref_slice %arg7[%add3A_55, %dma_start3A_56] : memref<16x128xi32, #tpu.memory_space<vmem>> -> memref<1x128xi32, #tpu.memory_space<vmem>>
          %dma_start3A_58 = tpu.memref_squeeze %dma_start3A_57 : memref<1x128xi32, #tpu.memory_space<vmem>> -> memref<128xi32, #tpu.memory_space<vmem>>
          %dma_start3A_59 = arith.constant 0 : i32
          %dma_start3A_60 = arith.constant 0 : i32
          %dma_start3A_61 = tpu.memref_slice %arg4[%dma_start3A_59, %dma_start3A_60] : memref<20480x128xf32, #tpu.memory_space<hbm>> -> memref<20480x128xf32, #tpu.memory_space<hbm>>
          tpu.enqueue_indirect_dma source(%dma_start3A_61 : memref<20480x128xf32, #tpu.memory_space<hbm>>) target(%arg9 : memref<128x128xf32, #tpu.memory_space<vmem>>) offsets(%dma_start3A_58 : memref<128xi32, #tpu.memory_space<vmem>>) semaphore(%arg12 : memref<!tpu.dma_semaphore, #tpu.memory_space<semaphore_mem>>)
        } else {
        }
        %add3A = arith.constant 1 : i32
        %add3A_40 = arith.addi %mul3A_31, %add3A : i32
        %dma_wait3A_41 = arith.constant 0 : i32
        %dma_wait3A_42 = tpu.memref_slice %arg7[%add3A_40, %dma_wait3A_41] : memref<16x128xi32, #tpu.memory_space<vmem>> -> memref<1x128xi32, #tpu.memory_space<vmem>>
        %dma_wait3A_43 = tpu.memref_squeeze %dma_wait3A_42 : memref<1x128xi32, #tpu.memory_space<vmem>> -> memref<128xi32, #tpu.memory_space<vmem>>
        %dma_wait3A_44 = arith.constant 0 : i32
        %dma_wait3A_45 = arith.constant 0 : i32
        %dma_wait3A_46 = tpu.memref_slice %arg4[%dma_wait3A_44, %dma_wait3A_45] : memref<20480x128xf32, #tpu.memory_space<hbm>> -> memref<20480x128xf32, #tpu.memory_space<hbm>>
        tpu.wait_indirect_dma semaphore(%arg13 : memref<!tpu.dma_semaphore, #tpu.memory_space<semaphore_mem>>) src(%dma_wait3A_46 : memref<20480x128xf32, #tpu.memory_space<hbm>>) dst(%arg10 : memref<128x128xf32, #tpu.memory_space<vmem>>)
        %add3A_47 = arith.constant 1 : i32
        %add3A_48 = arith.addi %mul3A_31, %add3A_47 : i32
        "tpu.region"() ({
          %run_scoped3A = tpu.sem_alloc : memref<!tpu.dma_semaphore, #tpu.memory_space<semaphore_mem>>
          %dma_start3A_54 = arith.constant 0 : i32
          %dma_start3A_55 = tpu.memref_slice %arg8[%add3A_48, %dma_start3A_54] : memref<16x128xi32, #tpu.memory_space<vmem>> -> memref<1x128xi32, #tpu.memory_space<vmem>>
          %dma_start3A_56 = tpu.memref_squeeze %dma_start3A_55 : memref<1x128xi32, #tpu.memory_space<vmem>> -> memref<128xi32, #tpu.memory_space<vmem>>
          %dma_start3A_57 = arith.constant 0 : i32
          %dma_start3A_58 = arith.constant 0 : i32
          %dma_start3A_59 = tpu.memref_slice %arg11[%dma_start3A_57, %dma_start3A_58] : memref<10240x128xf32, #tpu.memory_space<vmem_shared>> -> memref<10240x128xf32, #tpu.memory_space<vmem_shared>>
          tpu.enqueue_indirect_dma source(%arg10 : memref<128x128xf32, #tpu.memory_space<vmem>>) target(%dma_start3A_59 : memref<10240x128xf32, #tpu.memory_space<vmem_shared>>) offsets(%dma_start3A_56 : memref<128xi32, #tpu.memory_space<vmem>>) semaphore(%run_scoped3A : memref<!tpu.dma_semaphore, #tpu.memory_space<semaphore_mem>>) {add = true}
          %dma_wait3A_60 = arith.constant 0 : i32
          %dma_wait3A_61 = tpu.memref_slice %arg8[%add3A_48, %dma_wait3A_60] : memref<16x128xi32, #tpu.memory_space<vmem>> -> memref<1x128xi32, #tpu.memory_space<vmem>>
          %dma_wait3A_62 = tpu.memref_squeeze %dma_wait3A_61 : memref<1x128xi32, #tpu.memory_space<vmem>> -> memref<128xi32, #tpu.memory_space<vmem>>
          %dma_wait3A_63 = arith.constant 0 : i32
          %dma_wait3A_64 = arith.constant 0 : i32
          %dma_wait3A_65 = tpu.memref_slice %arg11[%dma_wait3A_63, %dma_wait3A_64] : memref<10240x128xf32, #tpu.memory_space<vmem_shared>> -> memref<10240x128xf32, #tpu.memory_space<vmem_shared>>
          tpu.wait_indirect_dma semaphore(%run_scoped3A : memref<!tpu.dma_semaphore, #tpu.memory_space<semaphore_mem>>) src(%arg10 : memref<128x128xf32, #tpu.memory_space<vmem>>) dst(%dma_wait3A_65 : memref<10240x128xf32, #tpu.memory_space<vmem_shared>>)
          tpu.yield
        }) : () -> ()
        %not3A_49 = arith.constant true
        %not3A_50 = arith.xori %ge3A_32, %not3A_49 : i1
        %convert_element_type3A_51 = arith.extui %not3A_50 : i1 to i32
        %cond3A_52 = arith.constant 0 : i32
        %cond3A_53 = arith.cmpi ne, %convert_element_type3A_51, %cond3A_52 : i32
        scf.if %cond3A_53 {
          %add3A_54 = arith.constant 3 : i32
          %add3A_55 = arith.addi %mul3A_31, %add3A_54 : i32
          %dma_start3A_56 = arith.constant 0 : i32
          %dma_start3A_57 = tpu.memref_slice %arg7[%add3A_55, %dma_start3A_56] : memref<16x128xi32, #tpu.memory_space<vmem>> -> memref<1x128xi32, #tpu.memory_space<vmem>>
          %dma_start3A_58 = tpu.memref_squeeze %dma_start3A_57 : memref<1x128xi32, #tpu.memory_space<vmem>> -> memref<128xi32, #tpu.memory_space<vmem>>
          %dma_start3A_59 = arith.constant 0 : i32
          %dma_start3A_60 = arith.constant 0 : i32
          %dma_start3A_61 = tpu.memref_slice %arg4[%dma_start3A_59, %dma_start3A_60] : memref<20480x128xf32, #tpu.memory_space<hbm>> -> memref<20480x128xf32, #tpu.memory_space<hbm>>
          tpu.enqueue_indirect_dma source(%dma_start3A_61 : memref<20480x128xf32, #tpu.memory_space<hbm>>) target(%arg10 : memref<128x128xf32, #tpu.memory_space<vmem>>) offsets(%dma_start3A_58 : memref<128xi32, #tpu.memory_space<vmem>>) semaphore(%arg13 : memref<!tpu.dma_semaphore, #tpu.memory_space<semaphore_mem>>)
        } else {
        }
      }
      %scan3A_28 = arith.constant 8 : i32
    }
    %scan3A_5 = arith.constant 5 : i32
    %barrier3A_6 = arith.constant 0 : index
    tpu.barrier barrier_id(%barrier3A_6)
    "tpu.region"() ({
      %run_scoped3A = tpu.sem_alloc : memref<!tpu.dma_semaphore, #tpu.memory_space<semaphore_mem>>
      %dma_start3A = arith.constant 0 : i32
      %dma_start3A_7 = tpu.memref_slice %arg6[%arg0, %mul3A_0, %dma_start3A] : memref<2x10240x128xf32, #tpu.memory_space<hbm>> -> memref<1x640x128xf32, #tpu.memory_space<hbm>>
      %dma_start3A_8 = tpu.memref_squeeze %dma_start3A_7 : memref<1x640x128xf32, #tpu.memory_space<hbm>> -> memref<640x128xf32, #tpu.memory_space<hbm>>
      %dma_start3A_9 = arith.constant 0 : i32
      %dma_start3A_10 = tpu.memref_slice %arg11[%mul3A_0, %dma_start3A_9] : memref<10240x128xf32, #tpu.memory_space<vmem_shared>> -> memref<640x128xf32, #tpu.memory_space<vmem_shared>>
      tpu.enqueue_dma source(%dma_start3A_10 : memref<640x128xf32, #tpu.memory_space<vmem_shared>>) target(%dma_start3A_8 : memref<640x128xf32, #tpu.memory_space<hbm>>) target_semaphore(%run_scoped3A : memref<!tpu.dma_semaphore, #tpu.memory_space<semaphore_mem>>)
      %dma_wait3A = arith.constant 0 : i32
      %dma_wait3A_11 = tpu.memref_slice %arg6[%arg0, %mul3A_0, %dma_wait3A] : memref<2x10240x128xf32, #tpu.memory_space<hbm>> -> memref<1x640x128xf32, #tpu.memory_space<hbm>>
      %dma_wait3A_12 = tpu.memref_squeeze %dma_wait3A_11 : memref<1x640x128xf32, #tpu.memory_space<hbm>> -> memref<640x128xf32, #tpu.memory_space<hbm>>
      %dma_wait3A_13 = arith.constant 0 : i32
      %dma_wait3A_14 = tpu.memref_slice %arg11[%mul3A_0, %dma_wait3A_13] : memref<10240x128xf32, #tpu.memory_space<vmem_shared>> -> memref<640x128xf32, #tpu.memory_space<vmem_shared>>
      tpu.wait_dma2 semaphore(%run_scoped3A : memref<!tpu.dma_semaphore, #tpu.memory_space<semaphore_mem>>) src(%dma_wait3A_14 : memref<640x128xf32, #tpu.memory_space<vmem_shared>>) dst(%dma_wait3A_12 : memref<640x128xf32, #tpu.memory_space<hbm>>)
      tpu.yield
    }) : () -> ()
    return
  }
}

#map = affine_map<(d0, d1) -> (0, 0, 0, 0)>
#map1 = affine_map<(d0, d1) -> (0, 0, 0)>
#map2 = affine_map<(d0, d1) -> (0, 0)>
module attributes {stable_mosaic.version = 14 : i64} {
  func.func @_agg_kernel(%arg0: i32, %arg1: i32, %arg2: memref<2x16x80x128xi32, #tpu.memory_space<hbm>>, %arg3: memref<16x80x128xi32, #tpu.memory_space<hbm>>, %arg4: memref<20480x128xf32, #tpu.memory_space<hbm>>, %arg5: memref<10240x128xf32, #tpu.memory_space<hbm>>, %arg6: memref<2x10240x128xf32, #tpu.memory_space<hbm>>, %arg7: memref<16x128xi32, #tpu.memory_space<vmem>>, %arg8: memref<16x128xi32, #tpu.memory_space<vmem>>, %arg9: memref<128x128xf32, #tpu.memory_space<vmem>>, %arg10: memref<128x128xf32, #tpu.memory_space<vmem>>, %arg11: memref<10240x128xf32, #tpu.memory_space<vmem_shared>>, %arg12: memref<!tpu.dma_semaphore, #tpu.memory_space<semaphore_mem>>, %arg13: memref<!tpu.dma_semaphore, #tpu.memory_space<semaphore_mem>>, %arg14: memref<!tpu.dma_semaphore, #tpu.memory_space<semaphore_mem>>) attributes {dimension_semantics = [#tpu.dimension_semantics<core_parallel>, #tpu.dimension_semantics<subcore_parallel>], iteration_bounds = array<i64: 2, 16>, scalar_prefetch = 0 : i64, scratch_operands = 8 : i64, tpu.core_type = #tpu.core_type<sc_vector_subcore>, window_params = [{transform_indices = #map}, {transform_indices = #map1}, {transform_indices = #map2}, {transform_indices = #map2}, {transform_indices = #map1}]} {
    %mul3A = arith.constant 640 : i32
    %mul3A_0 = arith.muli %arg1, %mul3A : i32
    "tpu.region"() ({
      %run_scoped3A = tpu.sem_alloc : memref<!tpu.dma_semaphore, #tpu.memory_space<semaphore_mem>>
      %dma_start3A = arith.constant 0 : i32
      %dma_start3A_7 = tpu.memref_slice %arg11[%mul3A_0, %dma_start3A] : memref<10240x128xf32, #tpu.memory_space<vmem_shared>> -> memref<640x128xf32, #tpu.memory_space<vmem_shared>>
      %dma_start3A_8 = arith.constant 0 : i32
      %dma_start3A_9 = tpu.memref_slice %arg5[%mul3A_0, %dma_start3A_8] : memref<10240x128xf32, #tpu.memory_space<hbm>> -> memref<640x128xf32, #tpu.memory_space<hbm>>
      tpu.enqueue_dma source(%dma_start3A_9 : memref<640x128xf32, #tpu.memory_space<hbm>>) target(%dma_start3A_7 : memref<640x128xf32, #tpu.memory_space<vmem_shared>>) target_semaphore(%run_scoped3A : memref<!tpu.dma_semaphore, #tpu.memory_space<semaphore_mem>>)
      %dma_wait3A = arith.constant 0 : i32
      %dma_wait3A_10 = tpu.memref_slice %arg11[%mul3A_0, %dma_wait3A] : memref<10240x128xf32, #tpu.memory_space<vmem_shared>> -> memref<640x128xf32, #tpu.memory_space<vmem_shared>>
      %dma_wait3A_11 = arith.constant 0 : i32
      %dma_wait3A_12 = tpu.memref_slice %arg5[%mul3A_0, %dma_wait3A_11] : memref<10240x128xf32, #tpu.memory_space<hbm>> -> memref<640x128xf32, #tpu.memory_space<hbm>>
      tpu.wait_dma2 semaphore(%run_scoped3A : memref<!tpu.dma_semaphore, #tpu.memory_space<semaphore_mem>>) src(%dma_wait3A_12 : memref<640x128xf32, #tpu.memory_space<hbm>>) dst(%dma_wait3A_10 : memref<640x128xf32, #tpu.memory_space<vmem_shared>>)
      tpu.yield
    }) : () -> ()
    %barrier3A = arith.constant 0 : index
    tpu.barrier barrier_id(%barrier3A)
    %scan3A = arith.constant 0 : i32
    %scan3A_1 = arith.constant 0 : i32
    %scan3A_2 = arith.constant 5 : i32
    %scan3A_3 = arith.addi %scan3A_1, %scan3A_2 : i32
    %scan3A_4 = arith.constant 1 : i32
    scf.for %scan3A_7 = %scan3A_1 to %scan3A_3 step %scan3A_4  : i32 {
      %mul3A_8 = arith.constant 16 : i32
      %mul3A_9 = arith.muli %scan3A_7, %mul3A_8 : i32
      "tpu.region"() ({
        %run_scoped3A = tpu.sem_alloc : memref<!tpu.dma_semaphore, #tpu.memory_space<semaphore_mem>>
        %dma_start3A_29 = arith.constant 0 : i32
        %dma_start3A_30 = tpu.memref_slice %arg2[%arg0, %arg1, %mul3A_9, %dma_start3A_29] : memref<2x16x80x128xi32, #tpu.memory_space<hbm>> -> memref<1x1x16x128xi32, #tpu.memory_space<hbm>>
        %dma_start3A_31 = tpu.memref_squeeze %dma_start3A_30 : memref<1x1x16x128xi32, #tpu.memory_space<hbm>> -> memref<16x128xi32, #tpu.memory_space<hbm>>
        %dma_start3A_32 = arith.constant 0 : i32
        %dma_start3A_33 = tpu.memref_slice %arg2[%arg0, %arg1, %mul3A_9, %dma_start3A_32] : memref<2x16x80x128xi32, #tpu.memory_space<hbm>> -> memref<1x1x16x128xi32, #tpu.memory_space<hbm>>
        %dma_start3A_34 = tpu.memref_squeeze %dma_start3A_33 : memref<1x1x16x128xi32, #tpu.memory_space<hbm>> -> memref<16x128xi32, #tpu.memory_space<hbm>>
        tpu.enqueue_dma source(%dma_start3A_34 : memref<16x128xi32, #tpu.memory_space<hbm>>) target(%arg7 : memref<16x128xi32, #tpu.memory_space<vmem>>) target_semaphore(%run_scoped3A : memref<!tpu.dma_semaphore, #tpu.memory_space<semaphore_mem>>)
        %dma_wait3A = arith.constant 0 : i32
        %dma_wait3A_35 = tpu.memref_slice %arg2[%arg0, %arg1, %mul3A_9, %dma_wait3A] : memref<2x16x80x128xi32, #tpu.memory_space<hbm>> -> memref<1x1x16x128xi32, #tpu.memory_space<hbm>>
        %dma_wait3A_36 = tpu.memref_squeeze %dma_wait3A_35 : memref<1x1x16x128xi32, #tpu.memory_space<hbm>> -> memref<16x128xi32, #tpu.memory_space<hbm>>
        %dma_wait3A_37 = arith.constant 0 : i32
        %dma_wait3A_38 = tpu.memref_slice %arg2[%arg0, %arg1, %mul3A_9, %dma_wait3A_37] : memref<2x16x80x128xi32, #tpu.memory_space<hbm>> -> memref<1x1x16x128xi32, #tpu.memory_space<hbm>>
        %dma_wait3A_39 = tpu.memref_squeeze %dma_wait3A_38 : memref<1x1x16x128xi32, #tpu.memory_space<hbm>> -> memref<16x128xi32, #tpu.memory_space<hbm>>
        tpu.wait_dma2 semaphore(%run_scoped3A : memref<!tpu.dma_semaphore, #tpu.memory_space<semaphore_mem>>) src(%dma_wait3A_39 : memref<16x128xi32, #tpu.memory_space<hbm>>) dst(%arg7 : memref<16x128xi32, #tpu.memory_space<vmem>>)
        tpu.yield
      }) : () -> ()
      "tpu.region"() ({
        %run_scoped3A = tpu.sem_alloc : memref<!tpu.dma_semaphore, #tpu.memory_space<semaphore_mem>>
        %dma_start3A_29 = arith.constant 0 : i32
        %dma_start3A_30 = tpu.memref_slice %arg3[%arg1, %mul3A_9, %dma_start3A_29] : memref<16x80x128xi32, #tpu.memory_space<hbm>> -> memref<1x16x128xi32, #tpu.memory_space<hbm>>
        %dma_start3A_31 = tpu.memref_squeeze %dma_start3A_30 : memref<1x16x128xi32, #tpu.memory_space<hbm>> -> memref<16x128xi32, #tpu.memory_space<hbm>>
        %dma_start3A_32 = arith.constant 0 : i32
        %dma_start3A_33 = tpu.memref_slice %arg3[%arg1, %mul3A_9, %dma_start3A_32] : memref<16x80x128xi32, #tpu.memory_space<hbm>> -> memref<1x16x128xi32, #tpu.memory_space<hbm>>
        %dma_start3A_34 = tpu.memref_squeeze %dma_start3A_33 : memref<1x16x128xi32, #tpu.memory_space<hbm>> -> memref<16x128xi32, #tpu.memory_space<hbm>>
        tpu.enqueue_dma source(%dma_start3A_34 : memref<16x128xi32, #tpu.memory_space<hbm>>) target(%arg8 : memref<16x128xi32, #tpu.memory_space<vmem>>) target_semaphore(%run_scoped3A : memref<!tpu.dma_semaphore, #tpu.memory_space<semaphore_mem>>)
        %dma_wait3A = arith.constant 0 : i32
        %dma_wait3A_35 = tpu.memref_slice %arg3[%arg1, %mul3A_9, %dma_wait3A] : memref<16x80x128xi32, #tpu.memory_space<hbm>> -> memref<1x16x128xi32, #tpu.memory_space<hbm>>
        %dma_wait3A_36 = tpu.memref_squeeze %dma_wait3A_35 : memref<1x16x128xi32, #tpu.memory_space<hbm>> -> memref<16x128xi32, #tpu.memory_space<hbm>>
        %dma_wait3A_37 = arith.constant 0 : i32
        %dma_wait3A_38 = tpu.memref_slice %arg3[%arg1, %mul3A_9, %dma_wait3A_37] : memref<16x80x128xi32, #tpu.memory_space<hbm>> -> memref<1x16x128xi32, #tpu.memory_space<hbm>>
        %dma_wait3A_39 = tpu.memref_squeeze %dma_wait3A_38 : memref<1x16x128xi32, #tpu.memory_space<hbm>> -> memref<16x128xi32, #tpu.memory_space<hbm>>
        tpu.wait_dma2 semaphore(%run_scoped3A : memref<!tpu.dma_semaphore, #tpu.memory_space<semaphore_mem>>) src(%dma_wait3A_39 : memref<16x128xi32, #tpu.memory_space<hbm>>) dst(%arg8 : memref<16x128xi32, #tpu.memory_space<vmem>>)
        tpu.yield
      }) : () -> ()
      %dma_start3A = arith.constant 0 : i32
      %dma_start3A_10 = arith.constant 0 : i32
      %dma_start3A_11 = tpu.memref_slice %arg7[%dma_start3A, %dma_start3A_10] : memref<16x128xi32, #tpu.memory_space<vmem>> -> memref<1x128xi32, #tpu.memory_space<vmem>>
      %dma_start3A_12 = tpu.memref_squeeze %dma_start3A_11 : memref<1x128xi32, #tpu.memory_space<vmem>> -> memref<128xi32, #tpu.memory_space<vmem>>
      %dma_start3A_13 = arith.constant 0 : i32
      %dma_start3A_14 = arith.constant 0 : i32
      %dma_start3A_15 = tpu.memref_slice %arg4[%dma_start3A_13, %dma_start3A_14] : memref<20480x128xf32, #tpu.memory_space<hbm>> -> memref<20480x128xf32, #tpu.memory_space<hbm>>
      tpu.enqueue_indirect_dma source(%dma_start3A_15 : memref<20480x128xf32, #tpu.memory_space<hbm>>) target(%arg9 : memref<128x128xf32, #tpu.memory_space<vmem>>) offsets(%dma_start3A_12 : memref<128xi32, #tpu.memory_space<vmem>>) semaphore(%arg12 : memref<!tpu.dma_semaphore, #tpu.memory_space<semaphore_mem>>)
      %dma_start3A_16 = arith.constant 1 : i32
      %dma_start3A_17 = arith.constant 0 : i32
      %dma_start3A_18 = tpu.memref_slice %arg7[%dma_start3A_16, %dma_start3A_17] : memref<16x128xi32, #tpu.memory_space<vmem>> -> memref<1x128xi32, #tpu.memory_space<vmem>>
      %dma_start3A_19 = tpu.memref_squeeze %dma_start3A_18 : memref<1x128xi32, #tpu.memory_space<vmem>> -> memref<128xi32, #tpu.memory_space<vmem>>
      %dma_start3A_20 = arith.constant 0 : i32
      %dma_start3A_21 = arith.constant 0 : i32
      %dma_start3A_22 = tpu.memref_slice %arg4[%dma_start3A_20, %dma_start3A_21] : memref<20480x128xf32, #tpu.memory_space<hbm>> -> memref<20480x128xf32, #tpu.memory_space<hbm>>
      tpu.enqueue_indirect_dma source(%dma_start3A_22 : memref<20480x128xf32, #tpu.memory_space<hbm>>) target(%arg10 : memref<128x128xf32, #tpu.memory_space<vmem>>) offsets(%dma_start3A_19 : memref<128xi32, #tpu.memory_space<vmem>>) semaphore(%arg13 : memref<!tpu.dma_semaphore, #tpu.memory_space<semaphore_mem>>)
      %scan3A_23 = arith.constant 0 : i32
      %scan3A_24 = arith.constant 0 : i32
      %scan3A_25 = arith.constant 8 : i32
      %scan3A_26 = arith.addi %scan3A_24, %scan3A_25 : i32
      %scan3A_27 = arith.constant 1 : i32
      scf.for %scan3A_29 = %scan3A_24 to %scan3A_26 step %scan3A_27  : i32 {
        %mul3A_30 = arith.constant 2 : i32
        %mul3A_31 = arith.muli %mul3A_30, %scan3A_29 : i32
        %ge3A = arith.constant 7 : i32
        %ge3A_32 = arith.cmpi sge, %scan3A_29, %ge3A : i32
        %dma_wait3A = arith.constant 0 : i32
        %dma_wait3A_33 = tpu.memref_slice %arg7[%mul3A_31, %dma_wait3A] : memref<16x128xi32, #tpu.memory_space<vmem>> -> memref<1x128xi32, #tpu.memory_space<vmem>>
        %dma_wait3A_34 = tpu.memref_squeeze %dma_wait3A_33 : memref<1x128xi32, #tpu.memory_space<vmem>> -> memref<128xi32, #tpu.memory_space<vmem>>
        %dma_wait3A_35 = arith.constant 0 : i32
        %dma_wait3A_36 = arith.constant 0 : i32
        %dma_wait3A_37 = tpu.memref_slice %arg4[%dma_wait3A_35, %dma_wait3A_36] : memref<20480x128xf32, #tpu.memory_space<hbm>> -> memref<20480x128xf32, #tpu.memory_space<hbm>>
        tpu.wait_indirect_dma semaphore(%arg12 : memref<!tpu.dma_semaphore, #tpu.memory_space<semaphore_mem>>) src(%dma_wait3A_37 : memref<20480x128xf32, #tpu.memory_space<hbm>>) dst(%arg9 : memref<128x128xf32, #tpu.memory_space<vmem>>)
        "tpu.region"() ({
          %run_scoped3A = tpu.sem_alloc : memref<!tpu.dma_semaphore, #tpu.memory_space<semaphore_mem>>
          %dma_start3A_54 = arith.constant 0 : i32
          %dma_start3A_55 = tpu.memref_slice %arg8[%mul3A_31, %dma_start3A_54] : memref<16x128xi32, #tpu.memory_space<vmem>> -> memref<1x128xi32, #tpu.memory_space<vmem>>
          %dma_start3A_56 = tpu.memref_squeeze %dma_start3A_55 : memref<1x128xi32, #tpu.memory_space<vmem>> -> memref<128xi32, #tpu.memory_space<vmem>>
          %dma_start3A_57 = arith.constant 0 : i32
          %dma_start3A_58 = arith.constant 0 : i32
          %dma_start3A_59 = tpu.memref_slice %arg11[%dma_start3A_57, %dma_start3A_58] : memref<10240x128xf32, #tpu.memory_space<vmem_shared>> -> memref<10240x128xf32, #tpu.memory_space<vmem_shared>>
          tpu.enqueue_indirect_dma source(%arg9 : memref<128x128xf32, #tpu.memory_space<vmem>>) target(%dma_start3A_59 : memref<10240x128xf32, #tpu.memory_space<vmem_shared>>) offsets(%dma_start3A_56 : memref<128xi32, #tpu.memory_space<vmem>>) semaphore(%run_scoped3A : memref<!tpu.dma_semaphore, #tpu.memory_space<semaphore_mem>>) {add = true}
          %dma_wait3A_60 = arith.constant 0 : i32
          %dma_wait3A_61 = tpu.memref_slice %arg8[%mul3A_31, %dma_wait3A_60] : memref<16x128xi32, #tpu.memory_space<vmem>> -> memref<1x128xi32, #tpu.memory_space<vmem>>
          %dma_wait3A_62 = tpu.memref_squeeze %dma_wait3A_61 : memref<1x128xi32, #tpu.memory_space<vmem>> -> memref<128xi32, #tpu.memory_space<vmem>>
          %dma_wait3A_63 = arith.constant 0 : i32
          %dma_wait3A_64 = arith.constant 0 : i32
          %dma_wait3A_65 = tpu.memref_slice %arg11[%dma_wait3A_63, %dma_wait3A_64] : memref<10240x128xf32, #tpu.memory_space<vmem_shared>> -> memref<10240x128xf32, #tpu.memory_space<vmem_shared>>
          tpu.wait_indirect_dma semaphore(%run_scoped3A : memref<!tpu.dma_semaphore, #tpu.memory_space<semaphore_mem>>) src(%arg9 : memref<128x128xf32, #tpu.memory_space<vmem>>) dst(%dma_wait3A_65 : memref<10240x128xf32, #tpu.memory_space<vmem_shared>>)
          tpu.yield
        }) : () -> ()
        %not3A = arith.constant true
        %not3A_38 = arith.xori %ge3A_32, %not3A : i1
        %convert_element_type3A = arith.extui %not3A_38 : i1 to i32
        %cond3A = arith.constant 0 : i32
        %cond3A_39 = arith.cmpi ne, %convert_element_type3A, %cond3A : i32
        scf.if %cond3A_39 {
          %add3A_54 = arith.constant 2 : i32
          %add3A_55 = arith.addi %mul3A_31, %add3A_54 : i32
          %dma_start3A_56 = arith.constant 0 : i32
          %dma_start3A_57 = tpu.memref_slice %arg7[%add3A_55, %dma_start3A_56] : memref<16x128xi32, #tpu.memory_space<vmem>> -> memref<1x128xi32, #tpu.memory_space<vmem>>
          %dma_start3A_58 = tpu.memref_squeeze %dma_start3A_57 : memref<1x128xi32, #tpu.memory_space<vmem>> -> memref<128xi32, #tpu.memory_space<vmem>>
          %dma_start3A_59 = arith.constant 0 : i32
          %dma_start3A_60 = arith.constant 0 : i32
          %dma_start3A_61 = tpu.memref_slice %arg4[%dma_start3A_59, %dma_start3A_60] : memref<20480x128xf32, #tpu.memory_space<hbm>> -> memref<20480x128xf32, #tpu.memory_space<hbm>>
          tpu.enqueue_indirect_dma source(%dma_start3A_61 : memref<20480x128xf32, #tpu.memory_space<hbm>>) target(%arg9 : memref<128x128xf32, #tpu.memory_space<vmem>>) offsets(%dma_start3A_58 : memref<128xi32, #tpu.memory_space<vmem>>) semaphore(%arg12 : memref<!tpu.dma_semaphore, #tpu.memory_space<semaphore_mem>>)
        } else {
        }
        %add3A = arith.constant 1 : i32
        %add3A_40 = arith.addi %mul3A_31, %add3A : i32
        %dma_wait3A_41 = arith.constant 0 : i32
        %dma_wait3A_42 = tpu.memref_slice %arg7[%add3A_40, %dma_wait3A_41] : memref<16x128xi32, #tpu.memory_space<vmem>> -> memref<1x128xi32, #tpu.memory_space<vmem>>
        %dma_wait3A_43 = tpu.memref_squeeze %dma_wait3A_42 : memref<1x128xi32, #tpu.memory_space<vmem>> -> memref<128xi32, #tpu.memory_space<vmem>>
        %dma_wait3A_44 = arith.constant 0 : i32
        %dma_wait3A_45 = arith.constant 0 : i32
        %dma_wait3A_46 = tpu.memref_slice %arg4[%dma_wait3A_44, %dma_wait3A_45] : memref<20480x128xf32, #tpu.memory_space<hbm>> -> memref<20480x128xf32, #tpu.memory_space<hbm>>
        tpu.wait_indirect_dma semaphore(%arg13 : memref<!tpu.dma_semaphore, #tpu.memory_space<semaphore_mem>>) src(%dma_wait3A_46 : memref<20480x128xf32, #tpu.memory_space<hbm>>) dst(%arg10 : memref<128x128xf32, #tpu.memory_space<vmem>>)
        %add3A_47 = arith.constant 1 : i32
        %add3A_48 = arith.addi %mul3A_31, %add3A_47 : i32
        "tpu.region"() ({
          %run_scoped3A = tpu.sem_alloc : memref<!tpu.dma_semaphore, #tpu.memory_space<semaphore_mem>>
          %dma_start3A_54 = arith.constant 0 : i32
          %dma_start3A_55 = tpu.memref_slice %arg8[%add3A_48, %dma_start3A_54] : memref<16x128xi32, #tpu.memory_space<vmem>> -> memref<1x128xi32, #tpu.memory_space<vmem>>
          %dma_start3A_56 = tpu.memref_squeeze %dma_start3A_55 : memref<1x128xi32, #tpu.memory_space<vmem>> -> memref<128xi32, #tpu.memory_space<vmem>>
          %dma_start3A_57 = arith.constant 0 : i32
          %dma_start3A_58 = arith.constant 0 : i32
          %dma_start3A_59 = tpu.memref_slice %arg11[%dma_start3A_57, %dma_start3A_58] : memref<10240x128xf32, #tpu.memory_space<vmem_shared>> -> memref<10240x128xf32, #tpu.memory_space<vmem_shared>>
          tpu.enqueue_indirect_dma source(%arg10 : memref<128x128xf32, #tpu.memory_space<vmem>>) target(%dma_start3A_59 : memref<10240x128xf32, #tpu.memory_space<vmem_shared>>) offsets(%dma_start3A_56 : memref<128xi32, #tpu.memory_space<vmem>>) semaphore(%run_scoped3A : memref<!tpu.dma_semaphore, #tpu.memory_space<semaphore_mem>>) {add = true}
          %dma_wait3A_60 = arith.constant 0 : i32
          %dma_wait3A_61 = tpu.memref_slice %arg8[%add3A_48, %dma_wait3A_60] : memref<16x128xi32, #tpu.memory_space<vmem>> -> memref<1x128xi32, #tpu.memory_space<vmem>>
          %dma_wait3A_62 = tpu.memref_squeeze %dma_wait3A_61 : memref<1x128xi32, #tpu.memory_space<vmem>> -> memref<128xi32, #tpu.memory_space<vmem>>
          %dma_wait3A_63 = arith.constant 0 : i32
          %dma_wait3A_64 = arith.constant 0 : i32
          %dma_wait3A_65 = tpu.memref_slice %arg11[%dma_wait3A_63, %dma_wait3A_64] : memref<10240x128xf32, #tpu.memory_space<vmem_shared>> -> memref<10240x128xf32, #tpu.memory_space<vmem_shared>>
          tpu.wait_indirect_dma semaphore(%run_scoped3A : memref<!tpu.dma_semaphore, #tpu.memory_space<semaphore_mem>>) src(%arg10 : memref<128x128xf32, #tpu.memory_space<vmem>>) dst(%dma_wait3A_65 : memref<10240x128xf32, #tpu.memory_space<vmem_shared>>)
          tpu.yield
        }) : () -> ()
        %not3A_49 = arith.constant true
        %not3A_50 = arith.xori %ge3A_32, %not3A_49 : i1
        %convert_element_type3A_51 = arith.extui %not3A_50 : i1 to i32
        %cond3A_52 = arith.constant 0 : i32
        %cond3A_53 = arith.cmpi ne, %convert_element_type3A_51, %cond3A_52 : i32
        scf.if %cond3A_53 {
          %add3A_54 = arith.constant 3 : i32
          %add3A_55 = arith.addi %mul3A_31, %add3A_54 : i32
          %dma_start3A_56 = arith.constant 0 : i32
          %dma_start3A_57 = tpu.memref_slice %arg7[%add3A_55, %dma_start3A_56] : memref<16x128xi32, #tpu.memory_space<vmem>> -> memref<1x128xi32, #tpu.memory_space<vmem>>
          %dma_start3A_58 = tpu.memref_squeeze %dma_start3A_57 : memref<1x128xi32, #tpu.memory_space<vmem>> -> memref<128xi32, #tpu.memory_space<vmem>>
          %dma_start3A_59 = arith.constant 0 : i32
          %dma_start3A_60 = arith.constant 0 : i32
          %dma_start3A_61 = tpu.memref_slice %arg4[%dma_start3A_59, %dma_start3A_60] : memref<20480x128xf32, #tpu.memory_space<hbm>> -> memref<20480x128xf32, #tpu.memory_space<hbm>>
          tpu.enqueue_indirect_dma source(%dma_start3A_61 : memref<20480x128xf32, #tpu.memory_space<hbm>>) target(%arg10 : memref<128x128xf32, #tpu.memory_space<vmem>>) offsets(%dma_start3A_58 : memref<128xi32, #tpu.memory_space<vmem>>) semaphore(%arg13 : memref<!tpu.dma_semaphore, #tpu.memory_space<semaphore_mem>>)
        } else {
        }
      }
      %scan3A_28 = arith.constant 8 : i32
    }
    %scan3A_5 = arith.constant 5 : i32
    %barrier3A_6 = arith.constant 0 : index
    tpu.barrier barrier_id(%barrier3A_6)
    "tpu.region"() ({
      %run_scoped3A = tpu.sem_alloc : memref<!tpu.dma_semaphore, #tpu.memory_space<semaphore_mem>>
      %dma_start3A = arith.constant 0 : i32
      %dma_start3A_7 = tpu.memref_slice %arg6[%arg0, %mul3A_0, %dma_start3A] : memref<2x10240x128xf32, #tpu.memory_space<hbm>> -> memref<1x640x128xf32, #tpu.memory_space<hbm>>
      %dma_start3A_8 = tpu.memref_squeeze %dma_start3A_7 : memref<1x640x128xf32, #tpu.memory_space<hbm>> -> memref<640x128xf32, #tpu.memory_space<hbm>>
      %dma_start3A_9 = arith.constant 0 : i32
      %dma_start3A_10 = tpu.memref_slice %arg11[%mul3A_0, %dma_start3A_9] : memref<10240x128xf32, #tpu.memory_space<vmem_shared>> -> memref<640x128xf32, #tpu.memory_space<vmem_shared>>
      tpu.enqueue_dma source(%dma_start3A_10 : memref<640x128xf32, #tpu.memory_space<vmem_shared>>) target(%dma_start3A_8 : memref<640x128xf32, #tpu.memory_space<hbm>>) target_semaphore(%run_scoped3A : memref<!tpu.dma_semaphore, #tpu.memory_space<semaphore_mem>>)
      %dma_wait3A = arith.constant 0 : i32
      %dma_wait3A_11 = tpu.memref_slice %arg6[%arg0, %mul3A_0, %dma_wait3A] : memref<2x10240x128xf32, #tpu.memory_space<hbm>> -> memref<1x640x128xf32, #tpu.memory_space<hbm>>
      %dma_wait3A_12 = tpu.memref_squeeze %dma_wait3A_11 : memref<1x640x128xf32, #tpu.memory_space<hbm>> -> memref<640x128xf32, #tpu.memory_space<hbm>>
      %dma_wait3A_13 = arith.constant 0 : i32
      %dma_wait3A_14 = tpu.memref_slice %arg11[%mul3A_0, %dma_wait3A_13] : memref<10240x128xf32, #tpu.memory_space<vmem_shared>> -> memref<640x128xf32, #tpu.memory_space<vmem_shared>>
      tpu.wait_dma2 semaphore(%run_scoped3A : memref<!tpu.dma_semaphore, #tpu.memory_space<semaphore_mem>>) src(%dma_wait3A_14 : memref<640x128xf32, #tpu.memory_space<vmem_shared>>) dst(%dma_wait3A_12 : memref<640x128xf32, #tpu.memory_space<hbm>>)
      tpu.yield
    }) : () -> ()
    return
  }
}

#map = affine_map<(d0, d1) -> (0, 0, 0, 0)>
#map1 = affine_map<(d0, d1) -> (0, 0)>
#map2 = affine_map<(d0, d1) -> (0, 0, 0)>
module attributes {stable_mosaic.version = 14 : i64} {
  func.func @_deg_kernel(%arg0: i32, %arg1: i32, %arg2: memref<2x16x80x128xi32, #tpu.memory_space<hbm>>, %arg3: memref<128x128xf32, #tpu.memory_space<hbm>>, %arg4: memref<10240x128xf32, #tpu.memory_space<hbm>>, %arg5: memref<2x10240x128xf32, #tpu.memory_space<hbm>>, %arg6: memref<40x128xi32, #tpu.memory_space<vmem>>, %arg7: memref<128x128xf32, #tpu.memory_space<vmem>>, %arg8: memref<10240x128xf32, #tpu.memory_space<vmem_shared>>, %arg9: memref<!tpu.dma_semaphore, #tpu.memory_space<semaphore_mem>>) attributes {dimension_semantics = [#tpu.dimension_semantics<core_parallel>, #tpu.dimension_semantics<subcore_parallel>], iteration_bounds = array<i64: 2, 16>, scalar_prefetch = 0 : i64, scratch_operands = 4 : i64, tpu.core_type = #tpu.core_type<sc_vector_subcore>, window_params = [{transform_indices = #map}, {transform_indices = #map1}, {transform_indices = #map1}, {transform_indices = #map2}]} {
    %mul3A = arith.constant 640 : i32
    %mul3A_0 = arith.muli %arg1, %mul3A : i32
    %mul3A_1 = arith.constant 40 : i32
    %mul3A_2 = arith.muli %arg0, %mul3A_1 : i32
    %run_scoped3A = arith.constant 0 : i32
    "tpu.region"() ({
      %run_scoped3A_9 = tpu.sem_alloc : memref<!tpu.dma_semaphore, #tpu.memory_space<semaphore_mem>>
      %dma_start3A = arith.constant 0 : i32
      %dma_start3A_10 = tpu.memref_slice %arg2[%run_scoped3A, %arg1, %mul3A_2, %dma_start3A] : memref<2x16x80x128xi32, #tpu.memory_space<hbm>> -> memref<1x1x40x128xi32, #tpu.memory_space<hbm>>
      %dma_start3A_11 = tpu.memref_squeeze %dma_start3A_10 : memref<1x1x40x128xi32, #tpu.memory_space<hbm>> -> memref<40x128xi32, #tpu.memory_space<hbm>>
      %dma_start3A_12 = arith.constant 0 : i32
      %dma_start3A_13 = tpu.memref_slice %arg2[%run_scoped3A, %arg1, %mul3A_2, %dma_start3A_12] : memref<2x16x80x128xi32, #tpu.memory_space<hbm>> -> memref<1x1x40x128xi32, #tpu.memory_space<hbm>>
      %dma_start3A_14 = tpu.memref_squeeze %dma_start3A_13 : memref<1x1x40x128xi32, #tpu.memory_space<hbm>> -> memref<40x128xi32, #tpu.memory_space<hbm>>
      tpu.enqueue_dma source(%dma_start3A_14 : memref<40x128xi32, #tpu.memory_space<hbm>>) target(%arg6 : memref<40x128xi32, #tpu.memory_space<vmem>>) target_semaphore(%run_scoped3A_9 : memref<!tpu.dma_semaphore, #tpu.memory_space<semaphore_mem>>)
      %dma_wait3A = arith.constant 0 : i32
      %dma_wait3A_15 = tpu.memref_slice %arg2[%run_scoped3A, %arg1, %mul3A_2, %dma_wait3A] : memref<2x16x80x128xi32, #tpu.memory_space<hbm>> -> memref<1x1x40x128xi32, #tpu.memory_space<hbm>>
      %dma_wait3A_16 = tpu.memref_squeeze %dma_wait3A_15 : memref<1x1x40x128xi32, #tpu.memory_space<hbm>> -> memref<40x128xi32, #tpu.memory_space<hbm>>
      %dma_wait3A_17 = arith.constant 0 : i32
      %dma_wait3A_18 = tpu.memref_slice %arg2[%run_scoped3A, %arg1, %mul3A_2, %dma_wait3A_17] : memref<2x16x80x128xi32, #tpu.memory_space<hbm>> -> memref<1x1x40x128xi32, #tpu.memory_space<hbm>>
      %dma_wait3A_19 = tpu.memref_squeeze %dma_wait3A_18 : memref<1x1x40x128xi32, #tpu.memory_space<hbm>> -> memref<40x128xi32, #tpu.memory_space<hbm>>
      tpu.wait_dma2 semaphore(%run_scoped3A_9 : memref<!tpu.dma_semaphore, #tpu.memory_space<semaphore_mem>>) src(%dma_wait3A_19 : memref<40x128xi32, #tpu.memory_space<hbm>>) dst(%arg6 : memref<40x128xi32, #tpu.memory_space<vmem>>)
      tpu.yield
    }) : () -> ()
    "tpu.region"() ({
      %run_scoped3A_9 = tpu.sem_alloc : memref<!tpu.dma_semaphore, #tpu.memory_space<semaphore_mem>>
      tpu.enqueue_dma source(%arg3 : memref<128x128xf32, #tpu.memory_space<hbm>>) target(%arg7 : memref<128x128xf32, #tpu.memory_space<vmem>>) target_semaphore(%run_scoped3A_9 : memref<!tpu.dma_semaphore, #tpu.memory_space<semaphore_mem>>)
      tpu.wait_dma2 semaphore(%run_scoped3A_9 : memref<!tpu.dma_semaphore, #tpu.memory_space<semaphore_mem>>) src(%arg3 : memref<128x128xf32, #tpu.memory_space<hbm>>) dst(%arg7 : memref<128x128xf32, #tpu.memory_space<vmem>>)
      tpu.yield
    }) : () -> ()
    "tpu.region"() ({
      %run_scoped3A_9 = tpu.sem_alloc : memref<!tpu.dma_semaphore, #tpu.memory_space<semaphore_mem>>
      %dma_start3A = arith.constant 0 : i32
      %dma_start3A_10 = tpu.memref_slice %arg8[%mul3A_0, %dma_start3A] : memref<10240x128xf32, #tpu.memory_space<vmem_shared>> -> memref<640x128xf32, #tpu.memory_space<vmem_shared>>
      %dma_start3A_11 = arith.constant 0 : i32
      %dma_start3A_12 = tpu.memref_slice %arg4[%mul3A_0, %dma_start3A_11] : memref<10240x128xf32, #tpu.memory_space<hbm>> -> memref<640x128xf32, #tpu.memory_space<hbm>>
      tpu.enqueue_dma source(%dma_start3A_12 : memref<640x128xf32, #tpu.memory_space<hbm>>) target(%dma_start3A_10 : memref<640x128xf32, #tpu.memory_space<vmem_shared>>) target_semaphore(%run_scoped3A_9 : memref<!tpu.dma_semaphore, #tpu.memory_space<semaphore_mem>>)
      %dma_wait3A = arith.constant 0 : i32
      %dma_wait3A_13 = tpu.memref_slice %arg8[%mul3A_0, %dma_wait3A] : memref<10240x128xf32, #tpu.memory_space<vmem_shared>> -> memref<640x128xf32, #tpu.memory_space<vmem_shared>>
      %dma_wait3A_14 = arith.constant 0 : i32
      %dma_wait3A_15 = tpu.memref_slice %arg4[%mul3A_0, %dma_wait3A_14] : memref<10240x128xf32, #tpu.memory_space<hbm>> -> memref<640x128xf32, #tpu.memory_space<hbm>>
      tpu.wait_dma2 semaphore(%run_scoped3A_9 : memref<!tpu.dma_semaphore, #tpu.memory_space<semaphore_mem>>) src(%dma_wait3A_15 : memref<640x128xf32, #tpu.memory_space<hbm>>) dst(%dma_wait3A_13 : memref<640x128xf32, #tpu.memory_space<vmem_shared>>)
      tpu.yield
    }) : () -> ()
    %barrier3A = arith.constant 0 : index
    tpu.barrier barrier_id(%barrier3A)
    %scan3A = arith.constant 0 : i32
    %scan3A_3 = arith.constant 0 : i32
    %scan3A_4 = arith.constant 5 : i32
    %scan3A_5 = arith.addi %scan3A_3, %scan3A_4 : i32
    %scan3A_6 = arith.constant 1 : i32
    scf.for %scan3A_9 = %scan3A_3 to %scan3A_5 step %scan3A_6  : i32 {
      %mul3A_10 = arith.constant 8 : i32
      %mul3A_11 = arith.muli %scan3A_9, %mul3A_10 : i32
      %add3A = arith.constant 0 : i32
      %add3A_12 = arith.addi %mul3A_11, %add3A : i32
      %dma_start3A = arith.constant 0 : i32
      %dma_start3A_13 = tpu.memref_slice %arg6[%add3A_12, %dma_start3A] : memref<40x128xi32, #tpu.memory_space<vmem>> -> memref<1x128xi32, #tpu.memory_space<vmem>>
      %dma_start3A_14 = tpu.memref_squeeze %dma_start3A_13 : memref<1x128xi32, #tpu.memory_space<vmem>> -> memref<128xi32, #tpu.memory_space<vmem>>
      %dma_start3A_15 = arith.constant 0 : i32
      %dma_start3A_16 = arith.constant 0 : i32
      %dma_start3A_17 = tpu.memref_slice %arg8[%dma_start3A_15, %dma_start3A_16] : memref<10240x128xf32, #tpu.memory_space<vmem_shared>> -> memref<10240x128xf32, #tpu.memory_space<vmem_shared>>
      tpu.enqueue_indirect_dma source(%arg7 : memref<128x128xf32, #tpu.memory_space<vmem>>) target(%dma_start3A_17 : memref<10240x128xf32, #tpu.memory_space<vmem_shared>>) offsets(%dma_start3A_14 : memref<128xi32, #tpu.memory_space<vmem>>) semaphore(%arg9 : memref<!tpu.dma_semaphore, #tpu.memory_space<semaphore_mem>>) {add = true}
      %mul3A_18 = arith.constant 8 : i32
      %mul3A_19 = arith.muli %scan3A_9, %mul3A_18 : i32
      %add3A_20 = arith.constant 1 : i32
      %add3A_21 = arith.addi %mul3A_19, %add3A_20 : i32
      %dma_start3A_22 = arith.constant 0 : i32
      %dma_start3A_23 = tpu.memref_slice %arg6[%add3A_21, %dma_start3A_22] : memref<40x128xi32, #tpu.memory_space<vmem>> -> memref<1x128xi32, #tpu.memory_space<vmem>>
      %dma_start3A_24 = tpu.memref_squeeze %dma_start3A_23 : memref<1x128xi32, #tpu.memory_space<vmem>> -> memref<128xi32, #tpu.memory_space<vmem>>
      %dma_start3A_25 = arith.constant 0 : i32
      %dma_start3A_26 = arith.constant 0 : i32
      %dma_start3A_27 = tpu.memref_slice %arg8[%dma_start3A_25, %dma_start3A_26] : memref<10240x128xf32, #tpu.memory_space<vmem_shared>> -> memref<10240x128xf32, #tpu.memory_space<vmem_shared>>
      tpu.enqueue_indirect_dma source(%arg7 : memref<128x128xf32, #tpu.memory_space<vmem>>) target(%dma_start3A_27 : memref<10240x128xf32, #tpu.memory_space<vmem_shared>>) offsets(%dma_start3A_24 : memref<128xi32, #tpu.memory_space<vmem>>) semaphore(%arg9 : memref<!tpu.dma_semaphore, #tpu.memory_space<semaphore_mem>>) {add = true}
      %mul3A_28 = arith.constant 8 : i32
      %mul3A_29 = arith.muli %scan3A_9, %mul3A_28 : i32
      %add3A_30 = arith.constant 2 : i32
      %add3A_31 = arith.addi %mul3A_29, %add3A_30 : i32
      %dma_start3A_32 = arith.constant 0 : i32
      %dma_start3A_33 = tpu.memref_slice %arg6[%add3A_31, %dma_start3A_32] : memref<40x128xi32, #tpu.memory_space<vmem>> -> memref<1x128xi32, #tpu.memory_space<vmem>>
      %dma_start3A_34 = tpu.memref_squeeze %dma_start3A_33 : memref<1x128xi32, #tpu.memory_space<vmem>> -> memref<128xi32, #tpu.memory_space<vmem>>
      %dma_start3A_35 = arith.constant 0 : i32
      %dma_start3A_36 = arith.constant 0 : i32
      %dma_start3A_37 = tpu.memref_slice %arg8[%dma_start3A_35, %dma_start3A_36] : memref<10240x128xf32, #tpu.memory_space<vmem_shared>> -> memref<10240x128xf32, #tpu.memory_space<vmem_shared>>
      tpu.enqueue_indirect_dma source(%arg7 : memref<128x128xf32, #tpu.memory_space<vmem>>) target(%dma_start3A_37 : memref<10240x128xf32, #tpu.memory_space<vmem_shared>>) offsets(%dma_start3A_34 : memref<128xi32, #tpu.memory_space<vmem>>) semaphore(%arg9 : memref<!tpu.dma_semaphore, #tpu.memory_space<semaphore_mem>>) {add = true}
      %mul3A_38 = arith.constant 8 : i32
      %mul3A_39 = arith.muli %scan3A_9, %mul3A_38 : i32
      %add3A_40 = arith.constant 3 : i32
      %add3A_41 = arith.addi %mul3A_39, %add3A_40 : i32
      %dma_start3A_42 = arith.constant 0 : i32
      %dma_start3A_43 = tpu.memref_slice %arg6[%add3A_41, %dma_start3A_42] : memref<40x128xi32, #tpu.memory_space<vmem>> -> memref<1x128xi32, #tpu.memory_space<vmem>>
      %dma_start3A_44 = tpu.memref_squeeze %dma_start3A_43 : memref<1x128xi32, #tpu.memory_space<vmem>> -> memref<128xi32, #tpu.memory_space<vmem>>
      %dma_start3A_45 = arith.constant 0 : i32
      %dma_start3A_46 = arith.constant 0 : i32
      %dma_start3A_47 = tpu.memref_slice %arg8[%dma_start3A_45, %dma_start3A_46] : memref<10240x128xf32, #tpu.memory_space<vmem_shared>> -> memref<10240x128xf32, #tpu.memory_space<vmem_shared>>
      tpu.enqueue_indirect_dma source(%arg7 : memref<128x128xf32, #tpu.memory_space<vmem>>) target(%dma_start3A_47 : memref<10240x128xf32, #tpu.memory_space<vmem_shared>>) offsets(%dma_start3A_44 : memref<128xi32, #tpu.memory_space<vmem>>) semaphore(%arg9 : memref<!tpu.dma_semaphore, #tpu.memory_space<semaphore_mem>>) {add = true}
      %mul3A_48 = arith.constant 8 : i32
      %mul3A_49 = arith.muli %scan3A_9, %mul3A_48 : i32
      %add3A_50 = arith.constant 4 : i32
      %add3A_51 = arith.addi %mul3A_49, %add3A_50 : i32
      %dma_start3A_52 = arith.constant 0 : i32
      %dma_start3A_53 = tpu.memref_slice %arg6[%add3A_51, %dma_start3A_52] : memref<40x128xi32, #tpu.memory_space<vmem>> -> memref<1x128xi32, #tpu.memory_space<vmem>>
      %dma_start3A_54 = tpu.memref_squeeze %dma_start3A_53 : memref<1x128xi32, #tpu.memory_space<vmem>> -> memref<128xi32, #tpu.memory_space<vmem>>
      %dma_start3A_55 = arith.constant 0 : i32
      %dma_start3A_56 = arith.constant 0 : i32
      %dma_start3A_57 = tpu.memref_slice %arg8[%dma_start3A_55, %dma_start3A_56] : memref<10240x128xf32, #tpu.memory_space<vmem_shared>> -> memref<10240x128xf32, #tpu.memory_space<vmem_shared>>
      tpu.enqueue_indirect_dma source(%arg7 : memref<128x128xf32, #tpu.memory_space<vmem>>) target(%dma_start3A_57 : memref<10240x128xf32, #tpu.memory_space<vmem_shared>>) offsets(%dma_start3A_54 : memref<128xi32, #tpu.memory_space<vmem>>) semaphore(%arg9 : memref<!tpu.dma_semaphore, #tpu.memory_space<semaphore_mem>>) {add = true}
      %mul3A_58 = arith.constant 8 : i32
      %mul3A_59 = arith.muli %scan3A_9, %mul3A_58 : i32
      %add3A_60 = arith.constant 5 : i32
      %add3A_61 = arith.addi %mul3A_59, %add3A_60 : i32
      %dma_start3A_62 = arith.constant 0 : i32
      %dma_start3A_63 = tpu.memref_slice %arg6[%add3A_61, %dma_start3A_62] : memref<40x128xi32, #tpu.memory_space<vmem>> -> memref<1x128xi32, #tpu.memory_space<vmem>>
      %dma_start3A_64 = tpu.memref_squeeze %dma_start3A_63 : memref<1x128xi32, #tpu.memory_space<vmem>> -> memref<128xi32, #tpu.memory_space<vmem>>
      %dma_start3A_65 = arith.constant 0 : i32
      %dma_start3A_66 = arith.constant 0 : i32
      %dma_start3A_67 = tpu.memref_slice %arg8[%dma_start3A_65, %dma_start3A_66] : memref<10240x128xf32, #tpu.memory_space<vmem_shared>> -> memref<10240x128xf32, #tpu.memory_space<vmem_shared>>
      tpu.enqueue_indirect_dma source(%arg7 : memref<128x128xf32, #tpu.memory_space<vmem>>) target(%dma_start3A_67 : memref<10240x128xf32, #tpu.memory_space<vmem_shared>>) offsets(%dma_start3A_64 : memref<128xi32, #tpu.memory_space<vmem>>) semaphore(%arg9 : memref<!tpu.dma_semaphore, #tpu.memory_space<semaphore_mem>>) {add = true}
      %mul3A_68 = arith.constant 8 : i32
      %mul3A_69 = arith.muli %scan3A_9, %mul3A_68 : i32
      %add3A_70 = arith.constant 6 : i32
      %add3A_71 = arith.addi %mul3A_69, %add3A_70 : i32
      %dma_start3A_72 = arith.constant 0 : i32
      %dma_start3A_73 = tpu.memref_slice %arg6[%add3A_71, %dma_start3A_72] : memref<40x128xi32, #tpu.memory_space<vmem>> -> memref<1x128xi32, #tpu.memory_space<vmem>>
      %dma_start3A_74 = tpu.memref_squeeze %dma_start3A_73 : memref<1x128xi32, #tpu.memory_space<vmem>> -> memref<128xi32, #tpu.memory_space<vmem>>
      %dma_start3A_75 = arith.constant 0 : i32
      %dma_start3A_76 = arith.constant 0 : i32
      %dma_start3A_77 = tpu.memref_slice %arg8[%dma_start3A_75, %dma_start3A_76] : memref<10240x128xf32, #tpu.memory_space<vmem_shared>> -> memref<10240x128xf32, #tpu.memory_space<vmem_shared>>
      tpu.enqueue_indirect_dma source(%arg7 : memref<128x128xf32, #tpu.memory_space<vmem>>) target(%dma_start3A_77 : memref<10240x128xf32, #tpu.memory_space<vmem_shared>>) offsets(%dma_start3A_74 : memref<128xi32, #tpu.memory_space<vmem>>) semaphore(%arg9 : memref<!tpu.dma_semaphore, #tpu.memory_space<semaphore_mem>>) {add = true}
      %mul3A_78 = arith.constant 8 : i32
      %mul3A_79 = arith.muli %scan3A_9, %mul3A_78 : i32
      %add3A_80 = arith.constant 7 : i32
      %add3A_81 = arith.addi %mul3A_79, %add3A_80 : i32
      %dma_start3A_82 = arith.constant 0 : i32
      %dma_start3A_83 = tpu.memref_slice %arg6[%add3A_81, %dma_start3A_82] : memref<40x128xi32, #tpu.memory_space<vmem>> -> memref<1x128xi32, #tpu.memory_space<vmem>>
      %dma_start3A_84 = tpu.memref_squeeze %dma_start3A_83 : memref<1x128xi32, #tpu.memory_space<vmem>> -> memref<128xi32, #tpu.memory_space<vmem>>
      %dma_start3A_85 = arith.constant 0 : i32
      %dma_start3A_86 = arith.constant 0 : i32
      %dma_start3A_87 = tpu.memref_slice %arg8[%dma_start3A_85, %dma_start3A_86] : memref<10240x128xf32, #tpu.memory_space<vmem_shared>> -> memref<10240x128xf32, #tpu.memory_space<vmem_shared>>
      tpu.enqueue_indirect_dma source(%arg7 : memref<128x128xf32, #tpu.memory_space<vmem>>) target(%dma_start3A_87 : memref<10240x128xf32, #tpu.memory_space<vmem_shared>>) offsets(%dma_start3A_84 : memref<128xi32, #tpu.memory_space<vmem>>) semaphore(%arg9 : memref<!tpu.dma_semaphore, #tpu.memory_space<semaphore_mem>>) {add = true}
      %mul3A_88 = arith.constant 8 : i32
      %mul3A_89 = arith.muli %scan3A_9, %mul3A_88 : i32
      %dma_wait3A = arith.constant 0 : i32
      %dma_wait3A_90 = tpu.memref_slice %arg6[%mul3A_89, %dma_wait3A] : memref<40x128xi32, #tpu.memory_space<vmem>> -> memref<1x128xi32, #tpu.memory_space<vmem>>
      %dma_wait3A_91 = tpu.memref_squeeze %dma_wait3A_90 : memref<1x128xi32, #tpu.memory_space<vmem>> -> memref<128xi32, #tpu.memory_space<vmem>>
      %dma_wait3A_92 = arith.constant 0 : i32
      %dma_wait3A_93 = arith.constant 0 : i32
      %dma_wait3A_94 = tpu.memref_slice %arg8[%dma_wait3A_92, %dma_wait3A_93] : memref<10240x128xf32, #tpu.memory_space<vmem_shared>> -> memref<10240x128xf32, #tpu.memory_space<vmem_shared>>
      tpu.wait_indirect_dma semaphore(%arg9 : memref<!tpu.dma_semaphore, #tpu.memory_space<semaphore_mem>>) src(%arg7 : memref<128x128xf32, #tpu.memory_space<vmem>>) dst(%dma_wait3A_94 : memref<10240x128xf32, #tpu.memory_space<vmem_shared>>)
      %mul3A_95 = arith.constant 8 : i32
      %mul3A_96 = arith.muli %scan3A_9, %mul3A_95 : i32
      %dma_wait3A_97 = arith.constant 0 : i32
      %dma_wait3A_98 = tpu.memref_slice %arg6[%mul3A_96, %dma_wait3A_97] : memref<40x128xi32, #tpu.memory_space<vmem>> -> memref<1x128xi32, #tpu.memory_space<vmem>>
      %dma_wait3A_99 = tpu.memref_squeeze %dma_wait3A_98 : memref<1x128xi32, #tpu.memory_space<vmem>> -> memref<128xi32, #tpu.memory_space<vmem>>
      %dma_wait3A_100 = arith.constant 0 : i32
      %dma_wait3A_101 = arith.constant 0 : i32
      %dma_wait3A_102 = tpu.memref_slice %arg8[%dma_wait3A_100, %dma_wait3A_101] : memref<10240x128xf32, #tpu.memory_space<vmem_shared>> -> memref<10240x128xf32, #tpu.memory_space<vmem_shared>>
      tpu.wait_indirect_dma semaphore(%arg9 : memref<!tpu.dma_semaphore, #tpu.memory_space<semaphore_mem>>) src(%arg7 : memref<128x128xf32, #tpu.memory_space<vmem>>) dst(%dma_wait3A_102 : memref<10240x128xf32, #tpu.memory_space<vmem_shared>>)
      %mul3A_103 = arith.constant 8 : i32
      %mul3A_104 = arith.muli %scan3A_9, %mul3A_103 : i32
      %dma_wait3A_105 = arith.constant 0 : i32
      %dma_wait3A_106 = tpu.memref_slice %arg6[%mul3A_104, %dma_wait3A_105] : memref<40x128xi32, #tpu.memory_space<vmem>> -> memref<1x128xi32, #tpu.memory_space<vmem>>
      %dma_wait3A_107 = tpu.memref_squeeze %dma_wait3A_106 : memref<1x128xi32, #tpu.memory_space<vmem>> -> memref<128xi32, #tpu.memory_space<vmem>>
      %dma_wait3A_108 = arith.constant 0 : i32
      %dma_wait3A_109 = arith.constant 0 : i32
      %dma_wait3A_110 = tpu.memref_slice %arg8[%dma_wait3A_108, %dma_wait3A_109] : memref<10240x128xf32, #tpu.memory_space<vmem_shared>> -> memref<10240x128xf32, #tpu.memory_space<vmem_shared>>
      tpu.wait_indirect_dma semaphore(%arg9 : memref<!tpu.dma_semaphore, #tpu.memory_space<semaphore_mem>>) src(%arg7 : memref<128x128xf32, #tpu.memory_space<vmem>>) dst(%dma_wait3A_110 : memref<10240x128xf32, #tpu.memory_space<vmem_shared>>)
      %mul3A_111 = arith.constant 8 : i32
      %mul3A_112 = arith.muli %scan3A_9, %mul3A_111 : i32
      %dma_wait3A_113 = arith.constant 0 : i32
      %dma_wait3A_114 = tpu.memref_slice %arg6[%mul3A_112, %dma_wait3A_113] : memref<40x128xi32, #tpu.memory_space<vmem>> -> memref<1x128xi32, #tpu.memory_space<vmem>>
      %dma_wait3A_115 = tpu.memref_squeeze %dma_wait3A_114 : memref<1x128xi32, #tpu.memory_space<vmem>> -> memref<128xi32, #tpu.memory_space<vmem>>
      %dma_wait3A_116 = arith.constant 0 : i32
      %dma_wait3A_117 = arith.constant 0 : i32
      %dma_wait3A_118 = tpu.memref_slice %arg8[%dma_wait3A_116, %dma_wait3A_117] : memref<10240x128xf32, #tpu.memory_space<vmem_shared>> -> memref<10240x128xf32, #tpu.memory_space<vmem_shared>>
      tpu.wait_indirect_dma semaphore(%arg9 : memref<!tpu.dma_semaphore, #tpu.memory_space<semaphore_mem>>) src(%arg7 : memref<128x128xf32, #tpu.memory_space<vmem>>) dst(%dma_wait3A_118 : memref<10240x128xf32, #tpu.memory_space<vmem_shared>>)
      %mul3A_119 = arith.constant 8 : i32
      %mul3A_120 = arith.muli %scan3A_9, %mul3A_119 : i32
      %dma_wait3A_121 = arith.constant 0 : i32
      %dma_wait3A_122 = tpu.memref_slice %arg6[%mul3A_120, %dma_wait3A_121] : memref<40x128xi32, #tpu.memory_space<vmem>> -> memref<1x128xi32, #tpu.memory_space<vmem>>
      %dma_wait3A_123 = tpu.memref_squeeze %dma_wait3A_122 : memref<1x128xi32, #tpu.memory_space<vmem>> -> memref<128xi32, #tpu.memory_space<vmem>>
      %dma_wait3A_124 = arith.constant 0 : i32
      %dma_wait3A_125 = arith.constant 0 : i32
      %dma_wait3A_126 = tpu.memref_slice %arg8[%dma_wait3A_124, %dma_wait3A_125] : memref<10240x128xf32, #tpu.memory_space<vmem_shared>> -> memref<10240x128xf32, #tpu.memory_space<vmem_shared>>
      tpu.wait_indirect_dma semaphore(%arg9 : memref<!tpu.dma_semaphore, #tpu.memory_space<semaphore_mem>>) src(%arg7 : memref<128x128xf32, #tpu.memory_space<vmem>>) dst(%dma_wait3A_126 : memref<10240x128xf32, #tpu.memory_space<vmem_shared>>)
      %mul3A_127 = arith.constant 8 : i32
      %mul3A_128 = arith.muli %scan3A_9, %mul3A_127 : i32
      %dma_wait3A_129 = arith.constant 0 : i32
      %dma_wait3A_130 = tpu.memref_slice %arg6[%mul3A_128, %dma_wait3A_129] : memref<40x128xi32, #tpu.memory_space<vmem>> -> memref<1x128xi32, #tpu.memory_space<vmem>>
      %dma_wait3A_131 = tpu.memref_squeeze %dma_wait3A_130 : memref<1x128xi32, #tpu.memory_space<vmem>> -> memref<128xi32, #tpu.memory_space<vmem>>
      %dma_wait3A_132 = arith.constant 0 : i32
      %dma_wait3A_133 = arith.constant 0 : i32
      %dma_wait3A_134 = tpu.memref_slice %arg8[%dma_wait3A_132, %dma_wait3A_133] : memref<10240x128xf32, #tpu.memory_space<vmem_shared>> -> memref<10240x128xf32, #tpu.memory_space<vmem_shared>>
      tpu.wait_indirect_dma semaphore(%arg9 : memref<!tpu.dma_semaphore, #tpu.memory_space<semaphore_mem>>) src(%arg7 : memref<128x128xf32, #tpu.memory_space<vmem>>) dst(%dma_wait3A_134 : memref<10240x128xf32, #tpu.memory_space<vmem_shared>>)
      %mul3A_135 = arith.constant 8 : i32
      %mul3A_136 = arith.muli %scan3A_9, %mul3A_135 : i32
      %dma_wait3A_137 = arith.constant 0 : i32
      %dma_wait3A_138 = tpu.memref_slice %arg6[%mul3A_136, %dma_wait3A_137] : memref<40x128xi32, #tpu.memory_space<vmem>> -> memref<1x128xi32, #tpu.memory_space<vmem>>
      %dma_wait3A_139 = tpu.memref_squeeze %dma_wait3A_138 : memref<1x128xi32, #tpu.memory_space<vmem>> -> memref<128xi32, #tpu.memory_space<vmem>>
      %dma_wait3A_140 = arith.constant 0 : i32
      %dma_wait3A_141 = arith.constant 0 : i32
      %dma_wait3A_142 = tpu.memref_slice %arg8[%dma_wait3A_140, %dma_wait3A_141] : memref<10240x128xf32, #tpu.memory_space<vmem_shared>> -> memref<10240x128xf32, #tpu.memory_space<vmem_shared>>
      tpu.wait_indirect_dma semaphore(%arg9 : memref<!tpu.dma_semaphore, #tpu.memory_space<semaphore_mem>>) src(%arg7 : memref<128x128xf32, #tpu.memory_space<vmem>>) dst(%dma_wait3A_142 : memref<10240x128xf32, #tpu.memory_space<vmem_shared>>)
      %mul3A_143 = arith.constant 8 : i32
      %mul3A_144 = arith.muli %scan3A_9, %mul3A_143 : i32
      %dma_wait3A_145 = arith.constant 0 : i32
      %dma_wait3A_146 = tpu.memref_slice %arg6[%mul3A_144, %dma_wait3A_145] : memref<40x128xi32, #tpu.memory_space<vmem>> -> memref<1x128xi32, #tpu.memory_space<vmem>>
      %dma_wait3A_147 = tpu.memref_squeeze %dma_wait3A_146 : memref<1x128xi32, #tpu.memory_space<vmem>> -> memref<128xi32, #tpu.memory_space<vmem>>
      %dma_wait3A_148 = arith.constant 0 : i32
      %dma_wait3A_149 = arith.constant 0 : i32
      %dma_wait3A_150 = tpu.memref_slice %arg8[%dma_wait3A_148, %dma_wait3A_149] : memref<10240x128xf32, #tpu.memory_space<vmem_shared>> -> memref<10240x128xf32, #tpu.memory_space<vmem_shared>>
      tpu.wait_indirect_dma semaphore(%arg9 : memref<!tpu.dma_semaphore, #tpu.memory_space<semaphore_mem>>) src(%arg7 : memref<128x128xf32, #tpu.memory_space<vmem>>) dst(%dma_wait3A_150 : memref<10240x128xf32, #tpu.memory_space<vmem_shared>>)
    }
    %scan3A_7 = arith.constant 5 : i32
    %barrier3A_8 = arith.constant 0 : index
    tpu.barrier barrier_id(%barrier3A_8)
    "tpu.region"() ({
      %run_scoped3A_9 = tpu.sem_alloc : memref<!tpu.dma_semaphore, #tpu.memory_space<semaphore_mem>>
      %dma_start3A = arith.constant 0 : i32
      %dma_start3A_10 = tpu.memref_slice %arg5[%arg0, %mul3A_0, %dma_start3A] : memref<2x10240x128xf32, #tpu.memory_space<hbm>> -> memref<1x640x128xf32, #tpu.memory_space<hbm>>
      %dma_start3A_11 = tpu.memref_squeeze %dma_start3A_10 : memref<1x640x128xf32, #tpu.memory_space<hbm>> -> memref<640x128xf32, #tpu.memory_space<hbm>>
      %dma_start3A_12 = arith.constant 0 : i32
      %dma_start3A_13 = tpu.memref_slice %arg8[%mul3A_0, %dma_start3A_12] : memref<10240x128xf32, #tpu.memory_space<vmem_shared>> -> memref<640x128xf32, #tpu.memory_space<vmem_shared>>
      tpu.enqueue_dma source(%dma_start3A_13 : memref<640x128xf32, #tpu.memory_space<vmem_shared>>) target(%dma_start3A_11 : memref<640x128xf32, #tpu.memory_space<hbm>>) target_semaphore(%run_scoped3A_9 : memref<!tpu.dma_semaphore, #tpu.memory_space<semaphore_mem>>)
      %dma_wait3A = arith.constant 0 : i32
      %dma_wait3A_14 = tpu.memref_slice %arg5[%arg0, %mul3A_0, %dma_wait3A] : memref<2x10240x128xf32, #tpu.memory_space<hbm>> -> memref<1x640x128xf32, #tpu.memory_space<hbm>>
      %dma_wait3A_15 = tpu.memref_squeeze %dma_wait3A_14 : memref<1x640x128xf32, #tpu.memory_space<hbm>> -> memref<640x128xf32, #tpu.memory_space<hbm>>
      %dma_wait3A_16 = arith.constant 0 : i32
      %dma_wait3A_17 = tpu.memref_slice %arg8[%mul3A_0, %dma_wait3A_16] : memref<10240x128xf32, #tpu.memory_space<vmem_shared>> -> memref<640x128xf32, #tpu.memory_space<vmem_shared>>
      tpu.wait_dma2 semaphore(%run_scoped3A_9 : memref<!tpu.dma_semaphore, #tpu.memory_space<semaphore_mem>>) src(%dma_wait3A_17 : memref<640x128xf32, #tpu.memory_space<vmem_shared>>) dst(%dma_wait3A_15 : memref<640x128xf32, #tpu.memory_space<hbm>>)
      tpu.yield
    }) : () -> ()
    return
  }
}

module attributes {stable_mosaic.version = 14 : i64} {
  func.func @_mm_body(%arg0: i32, %arg1: memref<1000x256xf32, #tpu.memory_space<vmem>>, %arg2: memref<256x256xf32, #tpu.memory_space<vmem>>, %arg3: memref<1x256xf32, #tpu.memory_space<vmem>>, %arg4: memref<1000x256xf32, #tpu.memory_space<vmem>>) attributes {dimension_semantics = [#tpu.dimension_semantics<arbitrary>], iteration_bounds = array<i64: 5>, scalar_prefetch = 0 : i64, scratch_operands = 0 : i64, tpu.core_type = #tpu.core_type<tc>, window_params = [{transform_indices = @transform_0, window_bounds = array<i64: 1000, 256>}, {pipeline_mode = #tpu.pipeline_mode<synchronous>, transform_indices = @transform_1, window_bounds = array<i64: 256, 256>}, {pipeline_mode = #tpu.pipeline_mode<synchronous>, transform_indices = @transform_2, window_bounds = array<i64: 1, 256>}, {transform_indices = @transform_3, window_bounds = array<i64: 1000, 256>}]} {
    %get3A = arith.constant 0 : index
    %get3A_0 = arith.constant 0 : index
    %get3A_1 = vector.load %arg1[%get3A, %get3A_0] : memref<1000x256xf32, #tpu.memory_space<vmem>>, vector<1000x256xf32>
    %get3A_2 = arith.constant 0 : index
    %get3A_3 = arith.constant 0 : index
    %get3A_4 = vector.load %arg2[%get3A_2, %get3A_3] : memref<256x256xf32, #tpu.memory_space<vmem>>, vector<256x256xf32>
    %dot_general3A = arith.constant dense<0.000000e+00> : vector<1000x256xf32>
    %dot_general3A_5 = tpu.matmul %get3A_1, %get3A_4, %dot_general3A {dimension_numbers = #tpu.dot_dimension_numbers<[1], [0], [0], [1], [0, 0, 1, 1], [], []>, transpose_lhs_hint = false} : vector<1000x256xf32>, vector<256x256xf32>, vector<1000x256xf32> -> vector<1000x256xf32>
    %get3A_6 = arith.constant 0 : index
    %get3A_7 = arith.constant 0 : index
    %get3A_8 = vector.load %arg3[%get3A_6, %get3A_7] : memref<1x256xf32, #tpu.memory_space<vmem>>, vector<1x256xf32>
    %add3A = vector.broadcast %get3A_8 : vector<1x256xf32> to vector<1000x256xf32>
    %add3A_9 = arith.addf %dot_general3A_5, %add3A : vector<1000x256xf32>
    %swap3A = arith.constant 0 : index
    %swap3A_10 = arith.constant 0 : index
    %swap3A_11 = vector.load %arg4[%swap3A, %swap3A_10] : memref<1000x256xf32, #tpu.memory_space<vmem>>, vector<1000x256xf32>
    tpu.vector_store %arg4[%swap3A, %swap3A_10], %add3A_9 {strides = array<i32>} : memref<1000x256xf32, #tpu.memory_space<vmem>>, vector<1000x256xf32>,
    return
  }
  func.func @transform_0(%arg0: i32) -> (i32, i32) {
    %c0_i32 = arith.constant 0 : i32
    %c0_i32_0 = arith.constant 0 : i32
    return %arg0, %c0_i32 : i32, i32
  }
  func.func @transform_1(%arg0: i32) -> (i32, i32) {
    %c0_i32 = arith.constant 0 : i32
    %c0_i32_0 = arith.constant 0 : i32
    %c0_i32_1 = arith.constant 0 : i32
    return %c0_i32, %c0_i32_0 : i32, i32
  }
  func.func @transform_2(%arg0: i32) -> (i32, i32) {
    %c0_i32 = arith.constant 0 : i32
    %c0_i32_0 = arith.constant 0 : i32
    %c0_i32_1 = arith.constant 0 : i32
    return %c0_i32, %c0_i32_0 : i32, i32
  }
  func.func @transform_3(%arg0: i32) -> (i32, i32) {
    %c0_i32 = arith.constant 0 : i32
    %c0_i32_0 = arith.constant 0 : i32
    return %arg0, %c0_i32 : i32, i32
  }
}

module attributes {stable_mosaic.version = 14 : i64} {
  func.func @_norm_body(%arg0: i32, %arg1: memref<256x256xf32, #tpu.memory_space<vmem>>, %arg2: memref<256x1xf32, #tpu.memory_space<vmem>>, %arg3: memref<256x1xf32, #tpu.memory_space<vmem>>, %arg4: memref<2x256x128xf32, #tpu.memory_space<vmem>>, %arg5: memref<2x256x128xf32, #tpu.memory_space<vmem>>, %arg6: memref<256x1xf32, #tpu.memory_space<vmem>>) attributes {dimension_semantics = [#tpu.dimension_semantics<arbitrary>], iteration_bounds = array<i64: 40>, scalar_prefetch = 0 : i64, scratch_operands = 0 : i64, tpu.core_type = #tpu.core_type<tc>, window_params = [{transform_indices = @transform_0, window_bounds = array<i64: 256, 256>}, {transform_indices = @transform_1, window_bounds = array<i64: 256, 1>}, {transform_indices = @transform_2, window_bounds = array<i64: 256, 1>}, {transform_indices = @transform_3, window_bounds = array<i64: 2, 256, 128>}, {transform_indices = @transform_4, window_bounds = array<i64: 2, 256, 128>}, {transform_indices = @transform_5, window_bounds = array<i64: 256, 1>}]} {
    %get3A = arith.constant 0 : index
    %get3A_0 = arith.constant 0 : index
    %get3A_1 = vector.load %arg1[%get3A, %get3A_0] : memref<256x256xf32, #tpu.memory_space<vmem>>, vector<256x256xf32>
    %get3A_2 = arith.constant 0 : index
    %get3A_3 = arith.constant 0 : index
    %get3A_4 = vector.load %arg2[%get3A_2, %get3A_3] : memref<256x1xf32, #tpu.memory_space<vmem>>, vector<256x1xf32>
    %get3A_5 = arith.constant 0 : index
    %get3A_6 = arith.constant 0 : index
    %get3A_7 = vector.load %arg3[%get3A_5, %get3A_6] : memref<256x1xf32, #tpu.memory_space<vmem>>, vector<256x1xf32>
    %add3A = arith.addf %get3A_4, %get3A_7 : vector<256x1xf32>
    %gt3A = arith.constant 0.000000e+00 : f32
    %gt3A_8 = vector.broadcast %gt3A : f32 to vector<256x1xf32>
    %gt3A_9 = arith.cmpf ogt, %add3A, %gt3A_8 : vector<256x1xf32>
    %rsqrt3A = math.rsqrt %add3A : vector<256x1xf32>
    %jit3A = arith.constant 0.000000e+00 : f32
    %broadcast_in_dim3A = vector.broadcast %jit3A : f32 to vector<256x1xf32>
    %select_n3A = arith.select %gt3A_9, %rsqrt3A, %broadcast_in_dim3A : vector<256x1xi1>, vector<256x1xf32>
    %mul3A = arith.mulf %get3A_1, %get3A_1 : vector<256x256xf32>
    %reduce_sum3A = arith.constant dense<0.000000e+00> : vector<256xf32>
    %reduce_sum3A_10 = vector.multi_reduction <add>, %mul3A, %reduce_sum3A [1] : vector<256x256xf32> to vector<256xf32>
    %broadcast_in_dim3A_11 = vector.shape_cast %reduce_sum3A_10 : vector<256xf32> to vector<256x1xf32>
    %sqrt3A = math.sqrt %broadcast_in_dim3A_11 : vector<256x1xf32>
    %max3A = arith.constant 9.99999996E-13 : f32
    %max3A_12 = vector.broadcast %max3A : f32 to vector<256x1xf32>
    %max3A_13 = arith.maximumf %sqrt3A, %max3A_12 : vector<256x1xf32>
    %div3A = vector.broadcast %max3A_13 : vector<256x1xf32> to vector<256x256xf32>
    %div3A_14 = arith.divf %get3A_1, %div3A : vector<256x256xf32>
    %mul3A_15 = vector.broadcast %select_n3A : vector<256x1xf32> to vector<256x256xf32>
    %mul3A_16 = arith.mulf %mul3A_15, %div3A_14 : vector<256x256xf32>
    %slice3A = vector.extract_strided_slice %div3A_14 {offsets = [0, 0], sizes = [256, 128], strides = [1, 1]} : vector<256x256xf32> to vector<256x128xf32>
    %swap3A = arith.constant 0 : index
    %swap3A_17 = arith.constant 0 : index
    %swap3A_18 = arith.constant 0 : index
    %swap3A_19 = vector.load %arg4[%swap3A, %swap3A_17, %swap3A_18] : memref<2x256x128xf32, #tpu.memory_space<vmem>>, vector<1x256x128xf32>
    %swap3A_20 = vector.shape_cast %swap3A_19 : vector<1x256x128xf32> to vector<256x128xf32>
    %swap3A_21 = vector.shape_cast %slice3A : vector<256x128xf32> to vector<1x256x128xf32>
    tpu.vector_store %arg4[%swap3A, %swap3A_17, %swap3A_18], %swap3A_21 {strides = array<i32>} : memref<2x256x128xf32, #tpu.memory_space<vmem>>, vector<1x256x128xf32>,
    %slice3A_22 = vector.extract_strided_slice %div3A_14 {offsets = [0, 128], sizes = [256, 128], strides = [1, 1]} : vector<256x256xf32> to vector<256x128xf32>
    %swap3A_23 = arith.constant 1 : index
    %swap3A_24 = arith.constant 0 : index
    %swap3A_25 = arith.constant 0 : index
    %swap3A_26 = vector.load %arg4[%swap3A_23, %swap3A_24, %swap3A_25] : memref<2x256x128xf32, #tpu.memory_space<vmem>>, vector<1x256x128xf32>
    %swap3A_27 = vector.shape_cast %swap3A_26 : vector<1x256x128xf32> to vector<256x128xf32>
    %swap3A_28 = vector.shape_cast %slice3A_22 : vector<256x128xf32> to vector<1x256x128xf32>
    tpu.vector_store %arg4[%swap3A_23, %swap3A_24, %swap3A_25], %swap3A_28 {strides = array<i32>} : memref<2x256x128xf32, #tpu.memory_space<vmem>>, vector<1x256x128xf32>,
    %slice3A_29 = vector.extract_strided_slice %mul3A_16 {offsets = [0, 0], sizes = [256, 128], strides = [1, 1]} : vector<256x256xf32> to vector<256x128xf32>
    %swap3A_30 = arith.constant 0 : index
    %swap3A_31 = arith.constant 0 : index
    %swap3A_32 = arith.constant 0 : index
    %swap3A_33 = vector.load %arg5[%swap3A_30, %swap3A_31, %swap3A_32] : memref<2x256x128xf32, #tpu.memory_space<vmem>>, vector<1x256x128xf32>
    %swap3A_34 = vector.shape_cast %swap3A_33 : vector<1x256x128xf32> to vector<256x128xf32>
    %swap3A_35 = vector.shape_cast %slice3A_29 : vector<256x128xf32> to vector<1x256x128xf32>
    tpu.vector_store %arg5[%swap3A_30, %swap3A_31, %swap3A_32], %swap3A_35 {strides = array<i32>} : memref<2x256x128xf32, #tpu.memory_space<vmem>>, vector<1x256x128xf32>,
    %slice3A_36 = vector.extract_strided_slice %mul3A_16 {offsets = [0, 128], sizes = [256, 128], strides = [1, 1]} : vector<256x256xf32> to vector<256x128xf32>
    %swap3A_37 = arith.constant 1 : index
    %swap3A_38 = arith.constant 0 : index
    %swap3A_39 = arith.constant 0 : index
    %swap3A_40 = vector.load %arg5[%swap3A_37, %swap3A_38, %swap3A_39] : memref<2x256x128xf32, #tpu.memory_space<vmem>>, vector<1x256x128xf32>
    %swap3A_41 = vector.shape_cast %swap3A_40 : vector<1x256x128xf32> to vector<256x128xf32>
    %swap3A_42 = vector.shape_cast %slice3A_36 : vector<256x128xf32> to vector<1x256x128xf32>
    tpu.vector_store %arg5[%swap3A_37, %swap3A_38, %swap3A_39], %swap3A_42 {strides = array<i32>} : memref<2x256x128xf32, #tpu.memory_space<vmem>>, vector<1x256x128xf32>,
    %swap3A_43 = arith.constant 0 : index
    %swap3A_44 = arith.constant 0 : index
    %swap3A_45 = vector.load %arg6[%swap3A_43, %swap3A_44] : memref<256x1xf32, #tpu.memory_space<vmem>>, vector<256x1xf32>
    tpu.vector_store %arg6[%swap3A_43, %swap3A_44], %select_n3A {strides = array<i32>} : memref<256x1xf32, #tpu.memory_space<vmem>>, vector<256x1xf32>,
    return
  }
  func.func @transform_0(%arg0: i32) -> (i32, i32) {
    %c0_i32 = arith.constant 0 : i32
    %c0_i32_0 = arith.constant 0 : i32
    return %arg0, %c0_i32 : i32, i32
  }
  func.func @transform_1(%arg0: i32) -> (i32, i32) {
    %c0_i32 = arith.constant 0 : i32
    %c0_i32_0 = arith.constant 0 : i32
    return %arg0, %c0_i32 : i32, i32
  }
  func.func @transform_2(%arg0: i32) -> (i32, i32) {
    %c0_i32 = arith.constant 0 : i32
    %c0_i32_0 = arith.constant 0 : i32
    return %arg0, %c0_i32 : i32, i32
  }
  func.func @transform_3(%arg0: i32) -> (i32, i32, i32) {
    %c0_i32 = arith.constant 0 : i32
    %c0_i32_0 = arith.constant 0 : i32
    %c0_i32_1 = arith.constant 0 : i32
    return %c0_i32, %arg0, %c0_i32_0 : i32, i32, i32
  }
  func.func @transform_4(%arg0: i32) -> (i32, i32, i32) {
    %c0_i32 = arith.constant 0 : i32
    %c0_i32_0 = arith.constant 0 : i32
    %c0_i32_1 = arith.constant 0 : i32
    return %c0_i32, %arg0, %c0_i32_0 : i32, i32, i32
  }
  func.func @transform_5(%arg0: i32) -> (i32, i32) {
    %c0_i32 = arith.constant 0 : i32
    %c0_i32_0 = arith.constant 0 : i32
    return %arg0, %c0_i32 : i32, i32
  }
}

module attributes {stable_mosaic.version = 14 : i64} {
  func.func @_mid_body(%arg0: i32, %arg1: i32, %arg2: memref<1x512x128xf32, #tpu.memory_space<vmem>>, %arg3: memref<512x1xf32, #tpu.memory_space<vmem>>, %arg4: memref<1x512x128xf32, #tpu.memory_space<vmem>>, %arg5: memref<1x512x128xf32, #tpu.memory_space<vmem>>) attributes {dimension_semantics = [#tpu.dimension_semantics<arbitrary>, #tpu.dimension_semantics<arbitrary>], iteration_bounds = array<i64: 2, 20>, scalar_prefetch = 0 : i64, scratch_operands = 0 : i64, tpu.core_type = #tpu.core_type<tc>, window_params = [{transform_indices = @transform_0, window_bounds = array<i64: 1, 512, 128>}, {transform_indices = @transform_1, window_bounds = array<i64: 512, 1>}, {transform_indices = @transform_2, window_bounds = array<i64: 1, 512, 128>}, {transform_indices = @transform_3, window_bounds = array<i64: 1, 512, 128>}]} {
    %get3A = arith.constant 0 : index
    %get3A_0 = arith.constant 0 : index
    %get3A_1 = arith.constant 0 : index
    %get3A_2 = vector.load %arg2[%get3A, %get3A_0, %get3A_1] : memref<1x512x128xf32, #tpu.memory_space<vmem>>, vector<1x512x128xf32>
    %get3A_3 = vector.shape_cast %get3A_2 : vector<1x512x128xf32> to vector<512x128xf32>
    %get3A_4 = arith.constant 0 : index
    %get3A_5 = arith.constant 0 : index
    %get3A_6 = vector.load %arg3[%get3A_4, %get3A_5] : memref<512x1xf32, #tpu.memory_space<vmem>>, vector<512x1xf32>
    %mul3A = vector.broadcast %get3A_6 : vector<512x1xf32> to vector<512x128xf32>
    %mul3A_7 = arith.mulf %mul3A, %get3A_3 : vector<512x128xf32>
    %swap3A = arith.constant 0 : index
    %swap3A_8 = arith.constant 0 : index
    %swap3A_9 = arith.constant 0 : index
    %swap3A_10 = vector.load %arg4[%swap3A, %swap3A_8, %swap3A_9] : memref<1x512x128xf32, #tpu.memory_space<vmem>>, vector<1x512x128xf32>
    %swap3A_11 = vector.shape_cast %swap3A_10 : vector<1x512x128xf32> to vector<512x128xf32>
    %swap3A_12 = vector.shape_cast %mul3A_7 : vector<512x128xf32> to vector<1x512x128xf32>
    tpu.vector_store %arg4[%swap3A, %swap3A_8, %swap3A_9], %swap3A_12 {strides = array<i32>} : memref<1x512x128xf32, #tpu.memory_space<vmem>>, vector<1x512x128xf32>,
    %mul3A_13 = vector.broadcast %get3A_6 : vector<512x1xf32> to vector<512x128xf32>
    %mul3A_14 = arith.mulf %mul3A_13, %mul3A_7 : vector<512x128xf32>
    %swap3A_15 = arith.constant 0 : index
    %swap3A_16 = arith.constant 0 : index
    %swap3A_17 = arith.constant 0 : index
    %swap3A_18 = vector.load %arg5[%swap3A_15, %swap3A_16, %swap3A_17] : memref<1x512x128xf32, #tpu.memory_space<vmem>>, vector<1x512x128xf32>
    %swap3A_19 = vector.shape_cast %swap3A_18 : vector<1x512x128xf32> to vector<512x128xf32>
    %swap3A_20 = vector.shape_cast %mul3A_14 : vector<512x128xf32> to vector<1x512x128xf32>
    tpu.vector_store %arg5[%swap3A_15, %swap3A_16, %swap3A_17], %swap3A_20 {strides = array<i32>} : memref<1x512x128xf32, #tpu.memory_space<vmem>>, vector<1x512x128xf32>,
    return
  }
  func.func @transform_0(%arg0: i32, %arg1: i32) -> (i32, i32, i32) {
    %c0_i32 = arith.constant 0 : i32
    %c0_i32_0 = arith.constant 0 : i32
    return %arg0, %arg1, %c0_i32 : i32, i32, i32
  }
  func.func @transform_1(%arg0: i32, %arg1: i32) -> (i32, i32) {
    %c0_i32 = arith.constant 0 : i32
    %c0_i32_0 = arith.constant 0 : i32
    return %arg1, %c0_i32 : i32, i32
  }
  func.func @transform_2(%arg0: i32, %arg1: i32) -> (i32, i32, i32) {
    %c0_i32 = arith.constant 0 : i32
    %c0_i32_0 = arith.constant 0 : i32
    return %arg0, %arg1, %c0_i32 : i32, i32, i32
  }
  func.func @transform_3(%arg0: i32, %arg1: i32) -> (i32, i32, i32) {
    %c0_i32 = arith.constant 0 : i32
    %c0_i32_0 = arith.constant 0 : i32
    return %arg0, %arg1, %c0_i32 : i32, i32, i32
  }
}

module attributes {stable_mosaic.version = 14 : i64} {
  func.func @_fin_body(%arg0: i32, %arg1: memref<2x512x128xf32, #tpu.memory_space<vmem>>, %arg2: memref<2x512x128xf32, #tpu.memory_space<vmem>>, %arg3: memref<2x512x128xf32, #tpu.memory_space<vmem>>, %arg4: memref<512x1xf32, #tpu.memory_space<vmem>>, %arg5: memref<512x2x128xf32, #tpu.memory_space<vmem>>) attributes {dimension_semantics = [#tpu.dimension_semantics<arbitrary>], iteration_bounds = array<i64: 20>, scalar_prefetch = 0 : i64, scratch_operands = 0 : i64, tpu.core_type = #tpu.core_type<tc>, window_params = [{transform_indices = @transform_0, window_bounds = array<i64: 2, 512, 128>}, {transform_indices = @transform_1, window_bounds = array<i64: 2, 512, 128>}, {transform_indices = @transform_2, window_bounds = array<i64: 2, 512, 128>}, {transform_indices = @transform_3, window_bounds = array<i64: 512, 1>}, {transform_indices = @transform_4, window_bounds = array<i64: 512, 2, 128>}]} {
    %get3A = arith.constant 0 : index
    %get3A_0 = arith.constant 0 : index
    %get3A_1 = vector.load %arg4[%get3A, %get3A_0] : memref<512x1xf32, #tpu.memory_space<vmem>>, vector<512x1xf32>
    %get3A_2 = arith.constant 0 : index
    %get3A_3 = arith.constant 0 : index
    %get3A_4 = arith.constant 0 : index
    %get3A_5 = vector.load %arg1[%get3A_2, %get3A_3, %get3A_4] : memref<2x512x128xf32, #tpu.memory_space<vmem>>, vector<1x512x128xf32>
    %get3A_6 = vector.shape_cast %get3A_5 : vector<1x512x128xf32> to vector<512x128xf32>
    %get3A_7 = arith.constant 0 : index
    %get3A_8 = arith.constant 0 : index
    %get3A_9 = arith.constant 0 : index
    %get3A_10 = vector.load %arg2[%get3A_7, %get3A_8, %get3A_9] : memref<2x512x128xf32, #tpu.memory_space<vmem>>, vector<1x512x128xf32>
    %get3A_11 = vector.shape_cast %get3A_10 : vector<1x512x128xf32> to vector<512x128xf32>
    %add3A = arith.addf %get3A_6, %get3A_11 : vector<512x128xf32>
    %get3A_12 = arith.constant 0 : index
    %get3A_13 = arith.constant 0 : index
    %get3A_14 = arith.constant 0 : index
    %get3A_15 = vector.load %arg3[%get3A_12, %get3A_13, %get3A_14] : memref<2x512x128xf32, #tpu.memory_space<vmem>>, vector<1x512x128xf32>
    %get3A_16 = vector.shape_cast %get3A_15 : vector<1x512x128xf32> to vector<512x128xf32>
    %mul3A = vector.broadcast %get3A_1 : vector<512x1xf32> to vector<512x128xf32>
    %mul3A_17 = arith.mulf %mul3A, %get3A_16 : vector<512x128xf32>
    %add3A_18 = arith.addf %add3A, %mul3A_17 : vector<512x128xf32>
    %swap3A = arith.constant 0 : index
    %swap3A_19 = arith.constant 0 : index
    %swap3A_20 = arith.constant 0 : index
    %swap3A_21 = vector.load %arg5[%swap3A, %swap3A_19, %swap3A_20] : memref<512x2x128xf32, #tpu.memory_space<vmem>>, vector<512x1x128xf32>
    %swap3A_22 = vector.shape_cast %swap3A_21 : vector<512x1x128xf32> to vector<512x128xf32>
    %swap3A_23 = vector.shape_cast %add3A_18 : vector<512x128xf32> to vector<512x1x128xf32>
    tpu.vector_store %arg5[%swap3A, %swap3A_19, %swap3A_20], %swap3A_23 {strides = array<i32>} : memref<512x2x128xf32, #tpu.memory_space<vmem>>, vector<512x1x128xf32>,
    %get3A_24 = arith.constant 1 : index
    %get3A_25 = arith.constant 0 : index
    %get3A_26 = arith.constant 0 : index
    %get3A_27 = vector.load %arg1[%get3A_24, %get3A_25, %get3A_26] : memref<2x512x128xf32, #tpu.memory_space<vmem>>, vector<1x512x128xf32>
    %get3A_28 = vector.shape_cast %get3A_27 : vector<1x512x128xf32> to vector<512x128xf32>
    %get3A_29 = arith.constant 1 : index
    %get3A_30 = arith.constant 0 : index
    %get3A_31 = arith.constant 0 : index
    %get3A_32 = vector.load %arg2[%get3A_29, %get3A_30, %get3A_31] : memref<2x512x128xf32, #tpu.memory_space<vmem>>, vector<1x512x128xf32>
    %get3A_33 = vector.shape_cast %get3A_32 : vector<1x512x128xf32> to vector<512x128xf32>
    %add3A_34 = arith.addf %get3A_28, %get3A_33 : vector<512x128xf32>
    %get3A_35 = arith.constant 1 : index
    %get3A_36 = arith.constant 0 : index
    %get3A_37 = arith.constant 0 : index
    %get3A_38 = vector.load %arg3[%get3A_35, %get3A_36, %get3A_37] : memref<2x512x128xf32, #tpu.memory_space<vmem>>, vector<1x512x128xf32>
    %get3A_39 = vector.shape_cast %get3A_38 : vector<1x512x128xf32> to vector<512x128xf32>
    %mul3A_40 = vector.broadcast %get3A_1 : vector<512x1xf32> to vector<512x128xf32>
    %mul3A_41 = arith.mulf %mul3A_40, %get3A_39 : vector<512x128xf32>
    %add3A_42 = arith.addf %add3A_34, %mul3A_41 : vector<512x128xf32>
    %swap3A_43 = arith.constant 0 : index
    %swap3A_44 = arith.constant 1 : index
    %swap3A_45 = arith.constant 0 : index
    %swap3A_46 = vector.load %arg5[%swap3A_43, %swap3A_44, %swap3A_45] : memref<512x2x128xf32, #tpu.memory_space<vmem>>, vector<512x1x128xf32>
    %swap3A_47 = vector.shape_cast %swap3A_46 : vector<512x1x128xf32> to vector<512x128xf32>
    %swap3A_48 = vector.shape_cast %add3A_42 : vector<512x128xf32> to vector<512x1x128xf32>
    tpu.vector_store %arg5[%swap3A_43, %swap3A_44, %swap3A_45], %swap3A_48 {strides = array<i32>} : memref<512x2x128xf32, #tpu.memory_space<vmem>>, vector<512x1x128xf32>,
    return
  }
  func.func @transform_0(%arg0: i32) -> (i32, i32, i32) {
    %c0_i32 = arith.constant 0 : i32
    %c0_i32_0 = arith.constant 0 : i32
    %c0_i32_1 = arith.constant 0 : i32
    return %c0_i32, %arg0, %c0_i32_0 : i32, i32, i32
  }
  func.func @transform_1(%arg0: i32) -> (i32, i32, i32) {
    %c0_i32 = arith.constant 0 : i32
    %c0_i32_0 = arith.constant 0 : i32
    %c0_i32_1 = arith.constant 0 : i32
    return %c0_i32, %arg0, %c0_i32_0 : i32, i32, i32
  }
  func.func @transform_2(%arg0: i32) -> (i32, i32, i32) {
    %c0_i32 = arith.constant 0 : i32
    %c0_i32_0 = arith.constant 0 : i32
    %c0_i32_1 = arith.constant 0 : i32
    return %c0_i32, %arg0, %c0_i32_0 : i32, i32, i32
  }
  func.func @transform_3(%arg0: i32) -> (i32, i32) {
    %c0_i32 = arith.constant 0 : i32
    %c0_i32_0 = arith.constant 0 : i32
    return %arg0, %c0_i32 : i32, i32
  }
  func.func @transform_4(%arg0: i32) -> (i32, i32, i32) {
    %c0_i32 = arith.constant 0 : i32
    %c0_i32_0 = arith.constant 0 : i32
    %c0_i32_1 = arith.constant 0 : i32
    return %arg0, %c0_i32, %c0_i32_0 : i32, i32, i32
  }
}

</mosaic_0001>

<sc_bundles>
// kernel: kernel.12.cloned.1.call-start
scs
__scs_entry_jumppad:
0x0: {  	(pc) =	sbr.rel $0x88, $3  }
0x1: {  	(tag) =	ssettag $0x0;
	lr =	simm.s32 $0x1  }
0x2: {  	[smem:$0x3F9C] =	sst lr;
	_ =	strace $0xD0000000  }
0x3: {  	_ = 	snop  }
0x4: {  	_ = 	snop  }
0x5: {  	_ = 	snop  }
0x6: {  	_ = 	snop  }
0x7: {  	_ = 	snop  }
__scs_overlays_trampoline_lowered:
0x8: {  	[smem:$0x3FAB] =	sst s0  }
0x9: {  	[smem:$0x3FAC] =	sst s1  }
0xa: {  	[smem:$0x3FAD] =	sst s2  }
0xb: {  	[smem:$0x3FAE] =	sst s3  }
0xc: {  	[smem:$0x3FAF] =	sst s4  }
0xd: {  	[smem:$0x3FB0] =	sst s5  }
0xe: {  	[smem:$0x3FB1] =	sst s6  }
0xf: {  	[smem:$0x3FB2] =	sst s7  }
0x10: {  	[smem:$0x3FB3] =	sst s8  }
0x11: {  	[smem:$0x3FB4] =	sst s9;
	s0 =	simm.s32 @!p0 $0x0  }
0x12: {  	s1 =	sld [smem:$0x3F9A];
	s0 =	simm.s32 @p0 $0x1  }
0x13: {  	[smem:$0x3FB5] =	sst s0;
	s0 =	simm.s32 @!p1 $0x0  }
0x14: {  	s2 =	sld [smem:$0x3F99];
	s0 =	simm.s32 @p1 $0x1  }
0x15: {  	[smem:$0x3FB6] =	sst s0;
	s0 =	simm.s32 @!p2 $0x0  }
0x16: {  	s3 =	sld [smem:$0x3FDB];
	s0 =	simm.s32 @p2 $0x1  }
0x17: {  	s4 =	simm.s32 $0x1BF5;
	[smem:$0x3FB8] =	sst s0  }
0x18: {  	s0 =	sld [smem:$0x3F9B];
	_ =	swait.ge [sflag:s4], $0x0  }
0x19: {  	s7 =	sld [smem:$0x3F9C]  }
0x1a: {  	s8 =	sadd.s32 $0xFFFFE003, lr  }
0x1b: {  	s9 =	sadd.s32 $0xFFFFFEF7, lr;
	s5 =	simm.s32 $0xFFFFFFFF;
	p2 =	slt.u32 s8, $0xFFFFF086  }
0x1c: {  	p1 =	slt.u32 s9, $0xF7A;
	s5 =	simm.s32 @!p2 $0x0  }
0x1d: {  	s5 =	simm.s32 @p1 $0x1;
	p0 =	seq.s32 s7, s2  }
0x1e: {  	s7 =	smul.u32 @!p0 $0xF7A, s2;
	p2 =	seq.s32 @!p0 s5, $0x0  }
0x1f: {  	s9 =	smul.u32 $0xF7A, s1;
	s8 =	simm.s32 @!p0 $0x1BF5;
	p2 =	por !p2, p0  }
0x20: {  	[sflag:s8] =	ssyncset.s32 @!p0 $0xFFFFF086;
	s6 =	sadd.s32 @!p0 s3, s7;
	s7 =	simm.s32 @!p0 $0x108  }
0x21: {  	s3 =	sadd.s32 s3, s9;
	s6 =	sadd.s32 @!p0 $0x88, s6;
	s7 =	simm.s32 @p2 $0x1082  }
0x22: {  	[simem:s7], [sflag:s8] =	dma.local @!p0 [hbm:s6], $0xF7A  }
0x23: {  	s9 =	sor.u32 $0xD0000000, s2;
	s6 =	simm.s32 $0x108;
	_ =	swait.ge @!p0 [sflag:s8], $0x0  }
0x24: {  	s3 =	sadd.s32 $0x88, s3;
	s6 =	simm.s32 @!p1 $0x1082;
	[sflag:s4] =	ssyncset.s32 $0xFFFFF086  }
0x25: {  	[simem:s6], [sflag:s4] =	dma.local [hbm:s3], $0xF7A  }
0x26: {  	[smem:$0x3F9C] =	sst s1;
	(tag) =	ssettag s2;
	_ =	strace s9  }
0x27: {  	s1 =	sld [smem:$0x3FAC]  }
0x28: {  	s2 =	sld [smem:$0x3FAD]  }
0x29: {  	s4 =	sld [smem:$0x3FAF]  }
0x2a: {  	p0 =	seq.s32 s5, $0x0;
	s5 =	sld [smem:$0x3FB0]  }
0x2b: {  	s6 =	sld [smem:$0x3FB1]  }
0x2c: {  	s7 =	sld [smem:$0x3FB2]  }
0x2d: {  	s3 =	simm.s32 $0x108;
	s8 =	sld [smem:$0x3FB3]  }
0x2e: {  	s3 =	simm.s32 @!p0 $0x1082;
	s9 =	sld [smem:$0x3FB4]  }
0x2f: {  	lr =	sadd.s32 s0, s3;
	s0 =	sld [smem:$0x3FAB]  }
0x30: {  	s3 =	sld [smem:$0x3FAE]  }
0x31: {  	[smem:$0x3FB7] =	sst s10  }
0x32: {  	s10 =	sld [smem:$0x3FB5];
	_ =	sdelay $0x3  }
0x33: {  	p0 =	seq.s32 s10, $0x1;
	s10 =	sld [smem:$0x3FB7];
	_ =	sdelay $0x3  }
0x34: {  	[smem:$0x3FB7] =	sst s10  }
0x35: {  	s10 =	sld [smem:$0x3FB6];
	_ =	sdelay $0x3  }
0x36: {  	p1 =	seq.s32 s10, $0x1;
	s10 =	sld [smem:$0x3FB7];
	_ =	sdelay $0x3  }
0x37: {  	[smem:$0x3FB7] =	sst s10  }
0x38: {  	s10 =	sld [smem:$0x3FB8]  }
0x39: {  	_ = 	snop;
	(pc) =	sbr.ind lr, $3  }
0x3a: {  	_ = 	snop  }
0x3b: {  	_ = 	snop  }
0x3c: {  	p2 =	seq.s32 s10, $0x1;
	s10 =	sld [smem:$0x3FB7]  }
0x3d: {  	_ =	shalt  }
0x3e: {  	_ =	shalt  }
0x3f: {  	_ =	shalt  }
0x40: {  	_ =	shalt  }
0x41: {  	_ =	shalt  }
0x42: {  	_ =	shalt  }
0x43: {  	_ =	shalt  }
0x44: {  	_ =	shalt  }
0x45: {  	_ =	shalt  }
0x46: {  	_ =	shalt  }
0x47: {  	_ =	shalt  }
0x48: {  	_ =	shalt  }
0x49: {  	_ =	shalt  }
0x4a: {  	_ =	shalt  }
0x4b: {  	_ =	shalt  }
0x4c: {  	_ =	shalt  }
0x4d: {  	_ =	shalt  }
0x4e: {  	_ =	shalt  }
0x4f: {  	_ =	shalt  }
0x50: {  	_ =	shalt  }
0x51: {  	_ =	shalt  }
0x52: {  	_ =	shalt  }
0x53: {  	_ =	shalt  }
0x54: {  	_ =	shalt  }
0x55: {  	_ =	shalt  }
0x56: {  	_ =	shalt  }
0x57: {  	_ =	shalt  }
0x58: {  	_ =	shalt  }
0x59: {  	_ =	shalt  }
0x5a: {  	_ =	shalt  }
0x5b: {  	_ =	shalt  }
0x5c: {  	_ =	shalt  }
0x5d: {  	_ =	shalt  }
0x5e: {  	_ =	shalt  }
0x5f: {  	_ =	shalt  }
0x60: {  	_ =	shalt  }
0x61: {  	_ =	shalt  }
0x62: {  	_ =	shalt  }
0x63: {  	_ =	shalt  }
0x64: {  	_ =	shalt  }
0x65: {  	_ =	shalt  }
0x66: {  	_ =	shalt  }
0x67: {  	_ =	shalt  }
0x68: {  	_ =	shalt  }
0x69: {  	_ =	shalt  }
0x6a: {  	_ =	shalt  }
0x6b: {  	_ =	shalt  }
0x6c: {  	_ =	shalt  }
0x6d: {  	_ =	shalt  }
0x6e: {  	_ =	shalt  }
0x6f: {  	_ =	shalt  }
0x70: {  	_ =	shalt  }
0x71: {  	_ =	shalt  }
0x72: {  	_ =	shalt  }
0x73: {  	_ =	shalt  }
0x74: {  	_ =	shalt  }
0x75: {  	_ =	shalt  }
0x76: {  	_ =	shalt  }
0x77: {  	_ =	shalt  }
0x78: {  	_ =	shalt  }
0x79: {  	_ =	shalt  }
0x7a: {  	_ =	shalt  }
0x7b: {  	_ =	shalt  }
0x7c: {  	_ =	shalt  }
0x7d: {  	_ =	shalt  }
0x7e: {  	_ =	shalt  }
0x7f: {  	_ =	shalt  }
0x80: {  	_ =	shalt  }
0x81: {  	_ =	shalt  }
0x82: {  	_ =	shalt  }
0x83: {  	_ =	shalt  }
0x84: {  	_ =	shalt  }
0x85: {  	_ =	shalt  }
0x86: {  	_ =	shalt  }
0x87: {  	_ =	shalt  }
.Lfunc_end0:
.L_simem_size_0:
called_computation.1_lowered:
.L_overlay_start_0:
0x88: {  	s2 =	sld [smem:$0x3FD9]  }
0x89: {  	s3 =	sld [smem:$0x3FFE];
	_ =	sdelay $0x1  }
0x8a: {  	s1 =	srdreg.scid  }
0x8b: {  	s0 =	sand.u32 $0x1, s1  }
0x8c: {  	s17 =	sshll.u32 s0, $0xA;
	s2 =	sadd.s32 s3, s2  }
0x8d: {  	s2 =	sadd.s32 s2, s17  }
0x8e: {  	[smem:$0x3FC3] =	sst s2  }
0x8f: {  	_ = 	snop  }
0x90: {  	s2 =	sld [smem:$0x3FD0];
	(tm) =	ssettm $0x1  }
0x91: {  	s18 =	sld [smem:$0x3FFB];
	_ =	sdelay $0x3  }
0x92: {  	_ =	strace s18  }
0x93: {  	s3 =	sld [smem:$0x3FFC];
	_ =	sdelay $0x3  }
0x94: {  	_ =	strace s3  }
0x95: {  	s3 =	sld [smem:$0x3FFD];
	_ =	sdelay $0x3  }
0x96: {  	_ =	strace s3  }
0x97: {  	_ =	strace $0x8FFFFFFF  }
0x98: {  	s19 =	sld [smem:$0x3FDB];
	_ =	sdelay $0x1  }
0x99: {  	s4 =	simm.s32 $_scs_section_size  }
0x9a: {  	s5 =	simm.s32 $_size__tile_overlayer_lowered;
	s6 =	simm.s32 $_tile_overlayer_lowered  }
0x9b: {  	s22 =	simm.s32 $0x1BFF;
	s21 =	sshll.u32 s6, $0x1;
	s3 =	sadd.s32 s4, s19  }
0x9c: {  	s7 =	simm.s32 $0x0;
	s20 =	sshll.u32 s5, $0x1;
	s5 =	sadd.s32 s21, s3  }
0x9d: {  	[timem:s7], [sflag:s22] =	dma.local [hbm:s5], s20  }
0x9e: {  	_ =	swait.ge [sflag:s22], s20  }
0x9f: {  	s4 =	ssub.s32 $0x0, s20;
	[sflag:s22] =	ssyncset.done $0x0  }
0xa0: {  	[sflag:s22] =	ssyncadd.s32 s4;
	_ =	sdelay $0x1  }
0xa1: {  	s23 =	simm.s32 $0x1B8B  }
0xa2: {  	_ =	swait.ge [sflag:s23], $0x1  }
0xa3: {  	[sflag:s23] =	ssyncset.done $0x0  }
0xa4: {  	s25 =	simm.s32 $0x1B8E;
	s24 =	sld [smem:$0x3FFE];
	[sflag:s23] =	ssyncadd.s32 $0xFFFFFFFF  }
0xa5: {  	s26 =	simm.s32 $execute0_lowered;
	[smem:$0x3FD2] =	sst s25  }
0xa6: {  	s5 =	sshll.u32 s26, $0x1;
	_ =	strace $0x80000049;
	[dreg:$0x1] =	wrdreg $0xFFFFFFFF  }
0xa7: {  	s28 =	simm.s32 $_size_execute0_lowered;
	s3 =	sadd.s32 s3, s5;
	[dreg:$0x0] =	wrdreg $0x0  }
0xa8: {  	s5 =	sshll.u32 s28, $0x1;
	[dreg:$0x2] =	wrdreg s3  }
0xa9: {  	[dreg:$0x3] =	wrdreg s5  }
0xaa: {  	[dreg:$0x4] =	wrdreg $0xC0  }
0xab: {  	_ =	task [dreg:s7], $0x5FFFF  }
0xac: {  	[dreg:$0x1] =	wrdreg $0xFFFFFFFF  }
0xad: {  	[dreg:$0x0] =	wrdreg $0x60  }
0xae: {  	[dreg:$0x2] =	wrdreg s24  }
0xaf: {  	[dreg:$0x3] =	wrdreg s2  }
0xb0: {  	[dreg:$0x4] =	wrdreg $0x90000  }
0xb1: {  	[dreg:$0x5] =	wrdreg $0x9  }
0xb2: {  	_ =	task.clear_ibuf [dreg:s7], $0x6FFFF;
	_ =	strace $0x90000049  }
0xb3: {  	s29 =	simm.s32 $0x9;
	_ =	strace $0x8000004B  }
0xb4: {  	_ =	swait.ge [sflag:s29], $0x1  }
0xb5: {  	[sflag:s29] =	ssyncadd.s32 $0xFFFFFFFF  }
0xb6: {  	_ =	strace $0x9000004B  }
0xb7: {  	_ =	sfence  }
0xb8: {  	s30 =	sld [smem:$0x0];
	_ =	sdelay $0x2  }
0xb9: {  	s31 =	sshll.u32 s1, $0xD;
	s1 =	sshrl.u32 s1, $0x2  }
0xba: {  	s3 =	sand.u32 $0x4000, s31;
	s1 =	sadd.s32 s1, s30  }
0xbb: {  	s0 =	sor.u32 s3, s0;
	s1 =	sshll.u32 s1, $0x11  }
0xbc: {  	s0 =	sor.u32 s1, s0  }
0xbd: {  	s0 =	sadd.s32 $0x8F2B, s0  }
0xbe: {  	[sflag:s0] =	ssyncadd.remote.s32 $0x1  }
0xbf: {  	_ =	sfence.sel $0xFFFF  }
0xc0: {  	[dreg:$0x0] =	wrdreg $0xFFFFFFFF;
	(pc) =	sbr.abs _section_cstart, $3  }
0xc1: {  	[dreg:$0x1] =	wrdreg $0xFFFFFFFF  }
0xc2: {  	_ =	task.clear_ibuf [dreg:s7], $0x2FFFF;
	_ =	strace $0x9FFFFFFF  }
0xc3: {  	(tm) =	ssettm $0x7FFFFFFF  }
tec
execute0_lowered:
.L_overlay_start_1:
0x0: {  	(tag) =	ssettag $0x1  }
0x1: {  	s1 =	rddreg [dreg:$0x0]  }
0x2: {  	s0 =	srdreg.scid;
	s5 =	rddreg [dreg:$0x1]  }
0x3: {  	s11 =	stileid.u32;
	s2 =	rddreg [dreg:$0x2];
	s3 =	simm.s32 $0x0  }
0x4: {  	s14 =	simm.s32 $0x100;
	s15 =	simm.s32 $0x880;
	s17 =	simm.s32 $0x180  }
0x5: {  	s18 =	simm.s32 $0x900;
	s19 =	simm.s32 $0x200;
	[smem:$0x7FF] =	sst s3  }
0x6: {  	s20 =	simm.s32 $0x980;
	_ =	strace $0x8000004A;
	[dreg:$0x6] =	wrdreg s14  }
0x7: {  	s21 =	simm.s32 $0x280;
	s22 =	simm.s32 $0xA00;
	[dreg:$0x7] =	wrdreg s15  }
0x8: {  	s23 =	simm.s32 $0x300;
	s24 =	simm.s32 $0xA80;
	[dreg:$0x8] =	wrdreg s17  }
0x9: {  	s25 =	simm.s32 $0x380;
	s28 =	simm.s32 $0x680;
	[dreg:$0x9] =	wrdreg s18  }
0xa: {  	s29 =	simm.s32 $0xE00;
	s6 =	smul.u32 $0x2800, s11;
	[dreg:$0xa] =	wrdreg s19  }
0xb: {  	s30 =	simm.s32 $0x700;
	s7 =	smul.u32 $0x500, s11;
	[dreg:$0xb] =	wrdreg s20  }
0xc: {  	s0 =	sand.u32 $0x1, s0;
	s8 =	smul.u32 $0x14000, s11;
	[dreg:$0xc] =	wrdreg s21  }
0xd: {  	s31 =	simm.s32 $0xE80;
	s4 =	smul.u32 $0x28000, s0;
	[dreg:$0xd] =	wrdreg s22  }
0xe: {  	s16 =	sshll.u32 s11, $0x6;
	s26 =	smul.u32 $0x140000, s0;
	[dreg:$0xe] =	wrdreg s23  }
0xf: {  	s0 =	ssub.s32 $0x2, s0;
	[dreg:$0xf] =	wrdreg s24;
	s14 =	simm.s32 $0x5000  }
0x10: {  	[dreg:$0x10] =	wrdreg s25;
	s15 =	simm.s32 $0x1;
	s17 =	simm.s32 $0x400  }
0x11: {  	s18 =	simm.s32 $0xB80;
	s19 =	simm.s32 $0x480;
	s20 =	simm.s32 $0xC00  }
0x12: {  	s21 =	simm.s32 $0x500;
	s22 =	simm.s32 $0xC80;
	s23 =	simm.s32 $0x580  }
0x13: {  	s24 =	simm.s32 $0xD00;
	s25 =	simm.s32 $0x600;
	s7 =	sadd.s32 s7, s1  }
0x14: {  	s12 =	sshrl.u32 s0, $0x1;
	s4 =	sadd.s32 s4, s6;
	s10 =	sadd.s32 s8, s26  }
0x15: {  	s0 =	ssub.s32 s0, s12;
	s7 =	sadd.s32 $0x5C800, s7;
	s8 =	sshrl.u32 s8, $0x3  }
0x16: {  	s12 =	simm.s32 $0x80;
	s26 =	simm.s32 $0xB00;
	s4 =	sshrl.u32 s4, $0x3  }
0x17: {  	s6 =	sshrl.u32 s10, $0x3;
	s10 =	smul.u32 $0x50000, s11;
	[dreg:$0x5] =	wrdreg s7  }
0x18: {  	s5 =	sadd.s32 s5, s8;
	s7 =	sor.u32 $0x1C03, s16;
	s0 =	smax.u32 s0, $0x1  }
0x19: {  	s11 =	simm.s32 $0x800;
	s16 =	simm.s32 $0x2;
	[dreg:$0x11] =	wrdreg s26  }
0x1a: {  	s26 =	simm.s32 $0xD80;
	s9 =	sadd.s32 s4, s1;
	[dreg:$0x12] =	wrdreg s5  }
0x1b: {  	s4 =	sadd.s32 $0xC000, s1;
	s1 =	sadd.s32 s6, s1;
	[dreg:$0x15] =	wrdreg s0  }
0x1c: {  	s0 =	simm.s32 $0xF00;
	s5 =	simm.s32 $0xF80;
	[dreg:$0x13] =	wrdreg s7  }
0x1d: {  	s13 =	sshrl.u32 s10, $0x2;
	s9 =	sadd.s32 $0x2000, s9;
	s1 =	sadd.s32 $0x61800, s1  }
0x1e: {  	s10 =	simm.s32 $0x3;
	s6 =	sadd.s32 s13, s2;
	[dreg:$0x4] =	wrdreg s9  }
0x1f: {  	[dreg:$0x14] =	wrdreg s1;
	s13 =	simm.s32 $0x1000;
	s8 =	sshrl.u32 s6, $0x3  }
0x20: {  	s1 =	simm.s32 $0x780;
	s9 =	simm.s32 $0x0;
	[dreg:$0x16] =	wrdreg s8  }
.LBB2_1:
0x21: {  	[dreg:$0x17] =	wrdreg s9  }
0x22: {  	s6 =	rddreg [dreg:$0x12]  }
0x23: {  	[spmem:s8], [sflag:s7] =	dma.local [hbm:s6], $0x2800  }
0x24: {  	_ =	swait.ge [sflag:s10], $0x2800  }
0x25: {  	[sflag:s10] =	ssyncset.done $0x0  }
0x26: {  	[sflag:s10] =	ssyncadd.s32 $0xFFFFD800  }
0x27: {  	[bflag:$0x0] =	sbarrier.arrive $0xFFFF  }
0x28: {  	s8 =	rddreg [dreg:$0x4]  }
0x29: {  	s6 =	sadd.s32 $0x0, s8  }
0x2a: {  	[tilespmem:s3], [sflag:$0x3] =	stream.linear.gather [hbm4b:s6+s3], $0x800, $0x38;
	[tilespmem:$0x1D000] =	vst v63  }
0x2b: {  	_ =	swait.ge [sflag:s10], $0x800  }
0x2c: {  	s9 =	rddreg [dreg:$0x5];
	[sflag:s10] =	ssyncset.done $0x0  }
0x2d: {  	[sflag:s10] =	ssyncadd.s32 $0xFFFFF800;
	s6 =	sadd.s32 $0x0, s9  }
0x2e: {  	[tilespmem:s11], [sflag:$0x3] =	stream.linear.gather [hbm4b:s6+s3], $0x800, $0x38;
	[tilespmem:$0x1D000] =	vst v63  }
0x2f: {  	_ =	swait.ge [sflag:s10], $0x800  }
0x30: {  	[sflag:s10] =	ssyncset.done $0x0  }
0x31: {  	[sflag:s10] =	ssyncadd.s32 $0xFFFFF800  }
0x32: {  	[tilespmem:s13], [sflag:$0x1] =	stream.indirect.gather [hbm4b:s4+s12], $0x80, s3, s12, $0xb8;
	[tilespmem:$0x1D000] =	vst v63  }
0x33: {  	_ = 	snop  }
0x34: {  	[tilespmem:s14], [sflag:$0x2] =	stream.indirect.gather [hbm4b:s4+s12], $0x80, s12, s12, $0xb8;
	[tilespmem:$0x1D000] =	vst v63  }
0x35: {  	_ =	swait.ge [sflag:s15], $0x4000  }
0x36: {  	[sflag:s15] =	ssyncset.done $0x0  }
0x37: {  	[sflag:s15] =	ssyncadd.s32 $0xFFFFC000  }
0x38: {  	[spmem:s2] =	stream.indirect.scatter.add.f32 [tilespmem:s13], [sflag:$0x3], $0x80, s11, s12, $0xb8;
	[tilespmem:$0x1D000] =	vst v63  }
0x39: {  	_ =	swait.ge [sflag:s10], $0x4000  }
0x3a: {  	[sflag:s10] =	ssyncset.done $0x0  }
0x3b: {  	s7 =	rddreg [dreg:$0x6];
	[sflag:s10] =	ssyncadd.s32 $0xFFFFC000  }
0x3c: {  	[tilespmem:s13], [sflag:$0x1] =	stream.indirect.gather [hbm4b:s4+s12], $0x80, s7, s12, $0xb8;
	[tilespmem:$0x1D000] =	vst v63  }
0x3d: {  	_ =	swait.ge [sflag:s16], $0x4000  }
0x3e: {  	[sflag:s16] =	ssyncset.done $0x0  }
0x3f: {  	s8 =	rddreg [dreg:$0x7];
	[sflag:s16] =	ssyncadd.s32 $0xFFFFC000  }
0x40: {  	[spmem:s2] =	stream.indirect.scatter.add.f32 [tilespmem:s14], [sflag:$0x3], $0x80, s8, s12, $0xb8;
	[tilespmem:$0x1D000] =	vst v63  }
0x41: {  	_ =	swait.ge [sflag:s10], $0x4000  }
0x42: {  	[sflag:s10] =	ssyncset.done $0x0  }
0x43: {  	s9 =	rddreg [dreg:$0x8];
	[sflag:s10] =	ssyncadd.s32 $0xFFFFC000  }
0x44: {  	[tilespmem:s14], [sflag:$0x2] =	stream.indirect.gather [hbm4b:s4+s12], $0x80, s9, s12, $0xb8;
	[tilespmem:$0x1D000] =	vst v63  }
0x45: {  	_ =	swait.ge [sflag:s15], $0x4000  }
0x46: {  	[sflag:s15] =	ssyncset.done $0x0  }
0x47: {  	s7 =	rddreg [dreg:$0x9];
	[sflag:s15] =	ssyncadd.s32 $0xFFFFC000  }
0x48: {  	[spmem:s2] =	stream.indirect.scatter.add.f32 [tilespmem:s13], [sflag:$0x3], $0x80, s7, s12, $0xb8;
	[tilespmem:$0x1D000] =	vst v63  }
0x49: {  	_ =	swait.ge [sflag:s10], $0x4000  }
0x4a: {  	[sflag:s10] =	ssyncset.done $0x0  }
0x4b: {  	s8 =	rddreg [dreg:$0xa];
	[sflag:s10] =	ssyncadd.s32 $0xFFFFC000  }
0x4c: {  	[tilespmem:s13], [sflag:$0x1] =	stream.indirect.gather [hbm4b:s4+s12], $0x80, s8, s12, $0xb8;
	[tilespmem:$0x1D000] =	vst v63  }
0x4d: {  	_ =	swait.ge [sflag:s16], $0x4000  }
0x4e: {  	[sflag:s16] =	ssyncset.done $0x0  }
0x4f: {  	s9 =	rddreg [dreg:$0xb];
	[sflag:s16] =	ssyncadd.s32 $0xFFFFC000  }
0x50: {  	[spmem:s2] =	stream.indirect.scatter.add.f32 [tilespmem:s14], [sflag:$0x3], $0x80, s9, s12, $0xb8;
	[tilespmem:$0x1D000] =	vst v63  }
0x51: {  	_ =	swait.ge [sflag:s10], $0x4000  }
0x52: {  	[sflag:s10] =	ssyncset.done $0x0  }
0x53: {  	s7 =	rddreg [dreg:$0xc];
	[sflag:s10] =	ssyncadd.s32 $0xFFFFC000  }
0x54: {  	[tilespmem:s14], [sflag:$0x2] =	stream.indirect.gather [hbm4b:s4+s12], $0x80, s7, s12, $0xb8;
	[tilespmem:$0x1D000] =	vst v63  }
0x55: {  	_ =	swait.ge [sflag:s15], $0x4000  }
0x56: {  	[sflag:s15] =	ssyncset.done $0x0  }
0x57: {  	s8 =	rddreg [dreg:$0xd];
	[sflag:s15] =	ssyncadd.s32 $0xFFFFC000  }
0x58: {  	[spmem:s2] =	stream.indirect.scatter.add.f32 [tilespmem:s13], [sflag:$0x3], $0x80, s8, s12, $0xb8;
	[tilespmem:$0x1D000] =	vst v63  }
0x59: {  	_ =	swait.ge [sflag:s10], $0x4000  }
0x5a: {  	[sflag:s10] =	ssyncset.done $0x0  }
0x5b: {  	s9 =	rddreg [dreg:$0xe];
	[sflag:s10] =	ssyncadd.s32 $0xFFFFC000  }
0x5c: {  	[tilespmem:s13], [sflag:$0x1] =	stream.indirect.gather [hbm4b:s4+s12], $0x80, s9, s12, $0xb8;
	[tilespmem:$0x1D000] =	vst v63  }
0x5d: {  	_ =	swait.ge [sflag:s16], $0x4000  }
0x5e: {  	[sflag:s16] =	ssyncset.done $0x0  }
0x5f: {  	s7 =	rddreg [dreg:$0xf];
	[sflag:s16] =	ssyncadd.s32 $0xFFFFC000  }
0x60: {  	[spmem:s2] =	stream.indirect.scatter.add.f32 [tilespmem:s14], [sflag:$0x3], $0x80, s7, s12, $0xb8;
	[tilespmem:$0x1D000] =	vst v63  }
0x61: {  	_ =	swait.ge [sflag:s10], $0x4000  }
0x62: {  	[sflag:s10] =	ssyncset.done $0x0  }
0x63: {  	s8 =	rddreg [dreg:$0x10];
	[sflag:s10] =	ssyncadd.s32 $0xFFFFC000  }
0x64: {  	[tilespmem:s14], [sflag:$0x2] =	stream.indirect.gather [hbm4b:s4+s12], $0x80, s8, s12, $0xb8;
	[tilespmem:$0x1D000] =	vst v63  }
0x65: {  	_ =	swait.ge [sflag:s15], $0x4000  }
0x66: {  	[sflag:s15] =	ssyncset.done $0x0  }
0x67: {  	s9 =	rddreg [dreg:$0x11];
	[sflag:s15] =	ssyncadd.s32 $0xFFFFC000  }
0x68: {  	[spmem:s2] =	stream.indirect.scatter.add.f32 [tilespmem:s13], [sflag:$0x3], $0x80, s9, s12, $0xb8;
	[tilespmem:$0x1D000] =	vst v63  }
0x69: {  	_ =	swait.ge [sflag:s10], $0x4000  }
0x6a: {  	[sflag:s10] =	ssyncset.done $0x0  }
0x6b: {  	[sflag:s10] =	ssyncadd.s32 $0xFFFFC000  }
0x6c: {  	[tilespmem:s13], [sflag:$0x1] =	stream.indirect.gather [hbm4b:s4+s12], $0x80, s17, s12, $0xb8;
	[tilespmem:$0x1D000] =	vst v63  }
0x6d: {  	_ =	swait.ge [sflag:s16], $0x4000  }
0x6e: {  	[sflag:s16] =	ssyncset.done $0x0  }
0x6f: {  	[sflag:s16] =	ssyncadd.s32 $0xFFFFC000  }
0x70: {  	[spmem:s2] =	stream.indirect.scatter.add.f32 [tilespmem:s14], [sflag:$0x3], $0x80, s18, s12, $0xb8;
	[tilespmem:$0x1D000] =	vst v63  }
0x71: {  	_ =	swait.ge [sflag:s10], $0x4000  }
0x72: {  	[sflag:s10] =	ssyncset.done $0x0  }
0x73: {  	[sflag:s10] =	ssyncadd.s32 $0xFFFFC000  }
0x74: {  	[tilespmem:s14], [sflag:$0x2] =	stream.indirect.gather [hbm4b:s4+s12], $0x80, s19, s12, $0xb8;
	[tilespmem:$0x1D000] =	vst v63  }
0x75: {  	_ =	swait.ge [sflag:s15], $0x4000  }
0x76: {  	[sflag:s15] =	ssyncset.done $0x0  }
0x77: {  	[sflag:s15] =	ssyncadd.s32 $0xFFFFC000  }
0x78: {  	[spmem:s2] =	stream.indirect.scatter.add.f32 [tilespmem:s13], [sflag:$0x3], $0x80, s20, s12, $0xb8;
	[tilespmem:$0x1D000] =	vst v63  }
0x79: {  	_ =	swait.ge [sflag:s10], $0x4000  }
0x7a: {  	[sflag:s10] =	ssyncset.done $0x0  }
0x7b: {  	[sflag:s10] =	ssyncadd.s32 $0xFFFFC000  }
0x7c: {  	[tilespmem:s13], [sflag:$0x1] =	stream.indirect.gather [hbm4b:s4+s12], $0x80, s21, s12, $0xb8;
	[tilespmem:$0x1D000] =	vst v63  }
0x7d: {  	_ =	swait.ge [sflag:s16], $0x4000  }
0x7e: {  	[sflag:s16] =	ssyncset.done $0x0  }
0x7f: {  	[sflag:s16] =	ssyncadd.s32 $0xFFFFC000  }
0x80: {  	[spmem:s2] =	stream.indirect.scatter.add.f32 [tilespmem:s14], [sflag:$0x3], $0x80, s22, s12, $0xb8;
	[tilespmem:$0x1D000] =	vst v63  }
0x81: {  	_ =	swait.ge [sflag:s10], $0x4000  }
0x82: {  	[sflag:s10] =	ssyncset.done $0x0  }
0x83: {  	[sflag:s10] =	ssyncadd.s32 $0xFFFFC000  }
0x84: {  	[tilespmem:s14], [sflag:$0x2] =	stream.indirect.gather [hbm4b:s4+s12], $0x80, s23, s12, $0xb8;
	[tilespmem:$0x1D000] =	vst v63  }
0x85: {  	_ =	swait.ge [sflag:s15], $0x4000  }
0x86: {  	[sflag:s15] =	ssyncset.done $0x0  }
0x87: {  	[sflag:s15] =	ssyncadd.s32 $0xFFFFC000  }
0x88: {  	[spmem:s2] =	stream.indirect.scatter.add.f32 [tilespmem:s13], [sflag:$0x3], $0x80, s24, s12, $0xb8;
	[tilespmem:$0x1D000] =	vst v63  }
0x89: {  	_ =	swait.ge [sflag:s10], $0x4000  }
0x8a: {  	[sflag:s10] =	ssyncset.done $0x0  }
0x8b: {  	[sflag:s10] =	ssyncadd.s32 $0xFFFFC000  }
0x8c: {  	[tilespmem:s13], [sflag:$0x1] =	stream.indirect.gather [hbm4b:s4+s12], $0x80, s25, s12, $0xb8;
	[tilespmem:$0x1D000] =	vst v63  }
0x8d: {  	_ =	swait.ge [sflag:s16], $0x4000  }
0x8e: {  	[sflag:s16] =	ssyncset.done $0x0  }
0x8f: {  	[sflag:s16] =	ssyncadd.s32 $0xFFFFC000  }
0x90: {  	[spmem:s2] =	stream.indirect.scatter.add.f32 [tilespmem:s14], [sflag:$0x3], $0x80, s26, s12, $0xb8;
	[tilespmem:$0x1D000] =	vst v63  }
0x91: {  	_ =	swait.ge [sflag:s10], $0x4000  }
0x92: {  	[sflag:s10] =	ssyncset.done $0x0  }
0x93: {  	[sflag:s10] =	ssyncadd.s32 $0xFFFFC000  }
0x94: {  	[tilespmem:s14], [sflag:$0x2] =	stream.indirect.gather [hbm4b:s4+s12], $0x80, s28, s12, $0xb8;
	[tilespmem:$0x1D000] =	vst v63  }
0x95: {  	_ =	swait.ge [sflag:s15], $0x4000  }
0x96: {  	[sflag:s15] =	ssyncset.done $0x0  }
0x97: {  	[sflag:s15] =	ssyncadd.s32 $0xFFFFC000  }
0x98: {  	[spmem:s2] =	stream.indirect.scatter.add.f32 [tilespmem:s13], [sflag:$0x3], $0x80, s29, s12, $0xb8;
	[tilespmem:$0x1D000] =	vst v63  }
0x99: {  	_ =	swait.ge [sflag:s10], $0x4000  }
0x9a: {  	[sflag:s10] =	ssyncset.done $0x0  }
0x9b: {  	[sflag:s10] =	ssyncadd.s32 $0xFFFFC000  }
0x9c: {  	[tilespmem:s13], [sflag:$0x1] =	stream.indirect.gather [hbm4b:s4+s12], $0x80, s30, s12, $0xb8;
	[tilespmem:$0x1D000] =	vst v63  }
0x9d: {  	_ =	swait.ge [sflag:s16], $0x4000  }
0x9e: {  	[sflag:s16] =	ssyncset.done $0x0  }
0x9f: {  	[sflag:s16] =	ssyncadd.s32 $0xFFFFC000  }
0xa0: {  	[spmem:s2] =	stream.indirect.scatter.add.f32 [tilespmem:s14], [sflag:$0x3], $0x80, s31, s12, $0xb8;
	[tilespmem:$0x1D000] =	vst v63  }
0xa1: {  	_ =	swait.ge [sflag:s10], $0x4000  }
0xa2: {  	[sflag:s10] =	ssyncset.done $0x0  }
0xa3: {  	[sflag:s10] =	ssyncadd.s32 $0xFFFFC000  }
0xa4: {  	[tilespmem:s14], [sflag:$0x2] =	stream.indirect.gather [hbm4b:s4+s12], $0x80, s1, s12, $0xb8;
	[tilespmem:$0x1D000] =	vst v63  }
0xa5: {  	_ =	swait.ge [sflag:s15], $0x4000  }
0xa6: {  	[sflag:s15] =	ssyncset.done $0x0  }
0xa7: {  	[sflag:s15] =	ssyncadd.s32 $0xFFFFC000  }
0xa8: {  	[spmem:s2] =	stream.indirect.scatter.add.f32 [tilespmem:s13], [sflag:$0x3], $0x80, s0, s12, $0xb8;
	[tilespmem:$0x1D000] =	vst v63  }
0xa9: {  	_ =	swait.ge [sflag:s10], $0x4000  }
0xaa: {  	[sflag:s10] =	ssyncset.done $0x0  }
0xab: {  	[sflag:s10] =	ssyncadd.s32 $0xFFFFC000  }
0xac: {  	_ =	swait.ge [sflag:s16], $0x4000  }
0xad: {  	[sflag:s16] =	ssyncset.done $0x0  }
0xae: {  	[sflag:s16] =	ssyncadd.s32 $0xFFFFC000  }
0xaf: {  	[spmem:s2] =	stream.indirect.scatter.add.f32 [tilespmem:s14], [sflag:$0x3], $0x80, s5, s12, $0xb8;
	[tilespmem:$0x1D000] =	vst v63  }
0xb0: {  	s6 =	simm.s32 $0x200;
	_ =	swait.ge [sflag:s10], $0x4000  }
0xb1: {  	s8 =	simm.s32 $0x100;
	s9 =	rddreg [dreg:$0x4];
	[sflag:s10] =	ssyncset.done $0x0  }
.LBB2_2:
0xb2: {  	[sflag:s10] =	ssyncadd.s32 $0xFFFFC000;
	s9 =	sadd.s32 s8, s9  }
0xb3: {  	[tilespmem:s3], [sflag:$0x3] =	stream.linear.gather [hbm4b:s9+s3], $0x800, $0x38;
	[tilespmem:$0x1D000] =	vst v63  }
0xb4: {  	_ =	swait.ge [sflag:s10], $0x800  }
0xb5: {  	s9 =	rddreg [dreg:$0x5];
	[sflag:s10] =	ssyncset.done $0x0  }
0xb6: {  	[sflag:s10] =	ssyncadd.s32 $0xFFFFF800;
	s9 =	sadd.s32 s8, s9  }
0xb7: {  	[tilespmem:s11], [sflag:$0x3] =	stream.linear.gather [hbm4b:s9+s3], $0x800, $0x38;
	[tilespmem:$0x1D000] =	vst v63  }
0xb8: {  	_ =	swait.ge [sflag:s10], $0x800  }
0xb9: {  	[sflag:s10] =	ssyncset.done $0x0  }
0xba: {  	[sflag:s10] =	ssyncadd.s32 $0xFFFFF800  }
0xbb: {  	[tilespmem:s13], [sflag:$0x1] =	stream.indirect.gather [hbm4b:s4+s12], $0x80, s3, s12, $0xb8;
	[tilespmem:$0x1D000] =	vst v63  }
0xbc: {  	_ = 	snop  }
0xbd: {  	[tilespmem:s14], [sflag:$0x2] =	stream.indirect.gather [hbm4b:s4+s12], $0x80, s12, s12, $0xb8;
	[tilespmem:$0x1D000] =	vst v63  }
0xbe: {  	_ =	swait.ge [sflag:s15], $0x4000  }
0xbf: {  	[sflag:s15] =	ssyncset.done $0x0  }
0xc0: {  	[sflag:s15] =	ssyncadd.s32 $0xFFFFC000  }
0xc1: {  	[spmem:s2] =	stream.indirect.scatter.add.f32 [tilespmem:s13], [sflag:$0x3], $0x80, s11, s12, $0xb8;
	[tilespmem:$0x1D000] =	vst v63  }
0xc2: {  	_ =	swait.ge [sflag:s10], $0x4000  }
0xc3: {  	[sflag:s10] =	ssyncset.done $0x0  }
0xc4: {  	s9 =	rddreg [dreg:$0x6];
	[sflag:s10] =	ssyncadd.s32 $0xFFFFC000  }
0xc5: {  	[tilespmem:s13], [sflag:$0x1] =	stream.indirect.gather [hbm4b:s4+s12], $0x80, s9, s12, $0xb8;
	[tilespmem:$0x1D000] =	vst v63  }
0xc6: {  	_ =	swait.ge [sflag:s16], $0x4000  }
0xc7: {  	[sflag:s16] =	ssyncset.done $0x0  }
0xc8: {  	s9 =	rddreg [dreg:$0x7];
	[sflag:s16] =	ssyncadd.s32 $0xFFFFC000  }
0xc9: {  	[spmem:s2] =	stream.indirect.scatter.add.f32 [tilespmem:s14], [sflag:$0x3], $0x80, s9, s12, $0xb8;
	[tilespmem:$0x1D000] =	vst v63  }
0xca: {  	_ =	swait.ge [sflag:s10], $0x4000  }
0xcb: {  	[sflag:s10] =	ssyncset.done $0x0  }
0xcc: {  	s9 =	rddreg [dreg:$0x8];
	[sflag:s10] =	ssyncadd.s32 $0xFFFFC000  }
0xcd: {  	[tilespmem:s14], [sflag:$0x2] =	stream.indirect.gather [hbm4b:s4+s12], $0x80, s9, s12, $0xb8;
	[tilespmem:$0x1D000] =	vst v63  }
0xce: {  	_ =	swait.ge [sflag:s15], $0x4000  }
0xcf: {  	[sflag:s15] =	ssyncset.done $0x0  }
0xd0: {  	s9 =	rddreg [dreg:$0x9];
	[sflag:s15] =	ssyncadd.s32 $0xFFFFC000  }
0xd1: {  	[spmem:s2] =	stream.indirect.scatter.add.f32 [tilespmem:s13], [sflag:$0x3], $0x80, s9, s12, $0xb8;
	[tilespmem:$0x1D000] =	vst v63  }
0xd2: {  	_ =	swait.ge [sflag:s10], $0x4000  }
0xd3: {  	[sflag:s10] =	ssyncset.done $0x0  }
0xd4: {  	s9 =	rddreg [dreg:$0xa];
	[sflag:s10] =	ssyncadd.s32 $0xFFFFC000  }
0xd5: {  	[tilespmem:s13], [sflag:$0x1] =	stream.indirect.gather [hbm4b:s4+s12], $0x80, s9, s12, $0xb8;
	[tilespmem:$0x1D000] =	vst v63  }
0xd6: {  	_ =	swait.ge [sflag:s16], $0x4000  }
0xd7: {  	[sflag:s16] =	ssyncset.done $0x0  }
0xd8: {  	s9 =	rddreg [dreg:$0xb];
	[sflag:s16] =	ssyncadd.s32 $0xFFFFC000  }
0xd9: {  	[spmem:s2] =	stream.indirect.scatter.add.f32 [tilespmem:s14], [sflag:$0x3], $0x80, s9, s12, $0xb8;
	[tilespmem:$0x1D000] =	vst v63  }
0xda: {  	_ =	swait.ge [sflag:s10], $0x4000  }
0xdb: {  	[sflag:s10] =	ssyncset.done $0x0  }
0xdc: {  	s9 =	rddreg [dreg:$0xc];
	[sflag:s10] =	ssyncadd.s32 $0xFFFFC000  }
0xdd: {  	[tilespmem:s14], [sflag:$0x2] =	stream.indirect.gather [hbm4b:s4+s12], $0x80, s9, s12, $0xb8;
	[tilespmem:$0x1D000] =	vst v63  }
0xde: {  	_ =	swait.ge [sflag:s15], $0x4000  }
0xdf: {  	[sflag:s15] =	ssyncset.done $0x0  }
0xe0: {  	s9 =	rddreg [dreg:$0xd];
	[sflag:s15] =	ssyncadd.s32 $0xFFFFC000  }
0xe1: {  	[spmem:s2] =	stream.indirect.scatter.add.f32 [tilespmem:s13], [sflag:$0x3], $0x80, s9, s12, $0xb8;
	[tilespmem:$0x1D000] =	vst v63  }
0xe2: {  	_ =	swait.ge [sflag:s10], $0x4000  }
0xe3: {  	[sflag:s10] =	ssyncset.done $0x0  }
0xe4: {  	s9 =	rddreg [dreg:$0xe];
	[sflag:s10] =	ssyncadd.s32 $0xFFFFC000  }
0xe5: {  	[tilespmem:s13], [sflag:$0x1] =	stream.indirect.gather [hbm4b:s4+s12], $0x80, s9, s12, $0xb8;
	[tilespmem:$0x1D000] =	vst v63  }
0xe6: {  	_ =	swait.ge [sflag:s16], $0x4000  }
0xe7: {  	[sflag:s16] =	ssyncset.done $0x0  }
0xe8: {  	s9 =	rddreg [dreg:$0xf];
	[sflag:s16] =	ssyncadd.s32 $0xFFFFC000  }
0xe9: {  	[spmem:s2] =	stream.indirect.scatter.add.f32 [tilespmem:s14], [sflag:$0x3], $0x80, s9, s12, $0xb8;
	[tilespmem:$0x1D000] =	vst v63  }
0xea: {  	_ =	swait.ge [sflag:s10], $0x4000  }
0xeb: {  	[sflag:s10] =	ssyncset.done $0x0  }
0xec: {  	s9 =	rddreg [dreg:$0x10];
	[sflag:s10] =	ssyncadd.s32 $0xFFFFC000  }
0xed: {  	[tilespmem:s14], [sflag:$0x2] =	stream.indirect.gather [hbm4b:s4+s12], $0x80, s9, s12, $0xb8;
	[tilespmem:$0x1D000] =	vst v63  }
0xee: {  	_ =	swait.ge [sflag:s15], $0x4000  }
0xef: {  	[sflag:s15] =	ssyncset.done $0x0  }
0xf0: {  	s9 =	rddreg [dreg:$0x11];
	[sflag:s15] =	ssyncadd.s32 $0xFFFFC000  }
0xf1: {  	[spmem:s2] =	stream.indirect.scatter.add.f32 [tilespmem:s13], [sflag:$0x3], $0x80, s9, s12, $0xb8;
	[tilespmem:$0x1D000] =	vst v63  }
0xf2: {  	_ =	swait.ge [sflag:s10], $0x4000  }
0xf3: {  	[sflag:s10] =	ssyncset.done $0x0  }
0xf4: {  	[sflag:s10] =	ssyncadd.s32 $0xFFFFC000  }
0xf5: {  	[tilespmem:s13], [sflag:$0x1] =	stream.indirect.gather [hbm4b:s4+s12], $0x80, s17, s12, $0xb8;
	[tilespmem:$0x1D000] =	vst v63  }
0xf6: {  	_ =	swait.ge [sflag:s16], $0x4000  }
0xf7: {  	[sflag:s16] =	ssyncset.done $0x0  }
0xf8: {  	[sflag:s16] =	ssyncadd.s32 $0xFFFFC000  }
0xf9: {  	[spmem:s2] =	stream.indirect.scatter.add.f32 [tilespmem:s14], [sflag:$0x3], $0x80, s18, s12, $0xb8;
	[tilespmem:$0x1D000] =	vst v63  }
0xfa: {  	_ =	swait.ge [sflag:s10], $0x4000  }
0xfb: {  	[sflag:s10] =	ssyncset.done $0x0  }
0xfc: {  	[sflag:s10] =	ssyncadd.s32 $0xFFFFC000  }
0xfd: {  	[tilespmem:s14], [sflag:$0x2] =	stream.indirect.gather [hbm4b:s4+s12], $0x80, s19, s12, $0xb8;
	[tilespmem:$0x1D000] =	vst v63  }
0xfe: {  	_ =	swait.ge [sflag:s15], $0x4000  }
0xff: {  	[sflag:s15] =	ssyncset.done $0x0  }
0x100: {  	[sflag:s15] =	ssyncadd.s32 $0xFFFFC000  }
0x101: {  	[spmem:s2] =	stream.indirect.scatter.add.f32 [tilespmem:s13], [sflag:$0x3], $0x80, s20, s12, $0xb8;
	[tilespmem:$0x1D000] =	vst v63  }
0x102: {  	_ =	swait.ge [sflag:s10], $0x4000  }
0x103: {  	[sflag:s10] =	ssyncset.done $0x0  }
0x104: {  	[sflag:s10] =	ssyncadd.s32 $0xFFFFC000  }
0x105: {  	[tilespmem:s13], [sflag:$0x1] =	stream.indirect.gather [hbm4b:s4+s12], $0x80, s21, s12, $0xb8;
	[tilespmem:$0x1D000] =	vst v63  }
0x106: {  	_ =	swait.ge [sflag:s16], $0x4000  }
0x107: {  	[sflag:s16] =	ssyncset.done $0x0  }
0x108: {  	[sflag:s16] =	ssyncadd.s32 $0xFFFFC000  }
0x109: {  	[spmem:s2] =	stream.indirect.scatter.add.f32 [tilespmem:s14], [sflag:$0x3], $0x80, s22, s12, $0xb8;
	[tilespmem:$0x1D000] =	vst v63  }
0x10a: {  	_ =	swait.ge [sflag:s10], $0x4000  }
0x10b: {  	[sflag:s10] =	ssyncset.done $0x0  }
0x10c: {  	[sflag:s10] =	ssyncadd.s32 $0xFFFFC000  }
0x10d: {  	[tilespmem:s14], [sflag:$0x2] =	stream.indirect.gather [hbm4b:s4+s12], $0x80, s23, s12, $0xb8;
	[tilespmem:$0x1D000] =	vst v63  }
0x10e: {  	_ =	swait.ge [sflag:s15], $0x4000  }
0x10f: {  	[sflag:s15] =	ssyncset.done $0x0  }
0x110: {  	[sflag:s15] =	ssyncadd.s32 $0xFFFFC000  }
0x111: {  	[spmem:s2] =	stream.indirect.scatter.add.f32 [tilespmem:s13], [sflag:$0x3], $0x80, s24, s12, $0xb8;
	[tilespmem:$0x1D000] =	vst v63  }
0x112: {  	_ =	swait.ge [sflag:s10], $0x4000  }
0x113: {  	[sflag:s10] =	ssyncset.done $0x0  }
0x114: {  	[sflag:s10] =	ssyncadd.s32 $0xFFFFC000  }
0x115: {  	[tilespmem:s13], [sflag:$0x1] =	stream.indirect.gather [hbm4b:s4+s12], $0x80, s25, s12, $0xb8;
	[tilespmem:$0x1D000] =	vst v63  }
0x116: {  	_ =	swait.ge [sflag:s16], $0x4000  }
0x117: {  	[sflag:s16] =	ssyncset.done $0x0  }
0x118: {  	[sflag:s16] =	ssyncadd.s32 $0xFFFFC000  }
0x119: {  	[spmem:s2] =	stream.indirect.scatter.add.f32 [tilespmem:s14], [sflag:$0x3], $0x80, s26, s12, $0xb8;
	[tilespmem:$0x1D000] =	vst v63  }
0x11a: {  	_ =	swait.ge [sflag:s10], $0x4000  }
0x11b: {  	[sflag:s10] =	ssyncset.done $0x0  }
0x11c: {  	[sflag:s10] =	ssyncadd.s32 $0xFFFFC000  }
0x11d: {  	[tilespmem:s14], [sflag:$0x2] =	stream.indirect.gather [hbm4b:s4+s12], $0x80, s28, s12, $0xb8;
	[tilespmem:$0x1D000] =	vst v63  }
0x11e: {  	_ =	swait.ge [sflag:s15], $0x4000  }
0x11f: {  	[sflag:s15] =	ssyncset.done $0x0  }
0x120: {  	[sflag:s15] =	ssyncadd.s32 $0xFFFFC000  }
0x121: {  	[spmem:s2] =	stream.indirect.scatter.add.f32 [tilespmem:s13], [sflag:$0x3], $0x80, s29, s12, $0xb8;
	[tilespmem:$0x1D000] =	vst v63  }
0x122: {  	_ =	swait.ge [sflag:s10], $0x4000  }
0x123: {  	[sflag:s10] =	ssyncset.done $0x0  }
0x124: {  	[sflag:s10] =	ssyncadd.s32 $0xFFFFC000  }
0x125: {  	[tilespmem:s13], [sflag:$0x1] =	stream.indirect.gather [hbm4b:s4+s12], $0x80, s30, s12, $0xb8;
	[tilespmem:$0x1D000] =	vst v63  }
0x126: {  	_ =	swait.ge [sflag:s16], $0x4000  }
0x127: {  	[sflag:s16] =	ssyncset.done $0x0  }
0x128: {  	[sflag:s16] =	ssyncadd.s32 $0xFFFFC000  }
0x129: {  	[spmem:s2] =	stream.indirect.scatter.add.f32 [tilespmem:s14], [sflag:$0x3], $0x80, s31, s12, $0xb8;
	[tilespmem:$0x1D000] =	vst v63  }
0x12a: {  	_ =	swait.ge [sflag:s10], $0x4000  }
0x12b: {  	[sflag:s10] =	ssyncset.done $0x0  }
0x12c: {  	[sflag:s10] =	ssyncadd.s32 $0xFFFFC000  }
0x12d: {  	[tilespmem:s14], [sflag:$0x2] =	stream.indirect.gather [hbm4b:s4+s12], $0x80, s1, s12, $0xb8;
	[tilespmem:$0x1D000] =	vst v63  }
0x12e: {  	_ =	swait.ge [sflag:s15], $0x4000  }
0x12f: {  	[sflag:s15] =	ssyncset.done $0x0  }
0x130: {  	[sflag:s15] =	ssyncadd.s32 $0xFFFFC000  }
0x131: {  	[spmem:s2] =	stream.indirect.scatter.add.f32 [tilespmem:s13], [sflag:$0x3], $0x80, s0, s12, $0xb8;
	[tilespmem:$0x1D000] =	vst v63  }
0x132: {  	_ =	swait.ge [sflag:s10], $0x4000  }
0x133: {  	[sflag:s10] =	ssyncset.done $0x0  }
0x134: {  	[sflag:s10] =	ssyncadd.s32 $0xFFFFC000  }
0x135: {  	p0 =	sne.s32 s6, $0x400;
	_ =	swait.ge [sflag:s16], $0x4000  }
.Ltmp0:
0x136: {  	[sflag:s16] =	ssyncset.done $0x0;
	(pc) =	sbr.rel @p0 .LBB2_2-.Ltmp0, $4  }
0x137: {  	[sflag:s16] =	ssyncadd.s32 $0xFFFFC000  }
0x138: {  	[spmem:s2] =	stream.indirect.scatter.add.f32 [tilespmem:s14], [sflag:$0x3], $0x80, s5, s12, $0xb8;
	[tilespmem:$0x1D000] =	vst v63  }
0x139: {  	s7 =	smov.u32 s6;
	s6 =	sadd.s32 $0x100, s6;
	_ =	swait.ge [sflag:s10], $0x4000  }
0x13a: {  	s8 =	smov.u32 s7;
	s9 =	rddreg [dreg:$0x4];
	[sflag:s10] =	ssyncset.done $0x0  }
0x13b: {  	[sflag:s10] =	ssyncadd.s32 $0xFFFFC000;
	s6 =	sadd.s32 s8, s9  }
0x13c: {  	[tilespmem:s3], [sflag:$0x3] =	stream.linear.gather [hbm4b:s6+s3], $0x800, $0x38;
	[tilespmem:$0x1D000] =	vst v63  }
0x13d: {  	_ =	swait.ge [sflag:s10], $0x800  }
0x13e: {  	s7 =	rddreg [dreg:$0x5];
	[sflag:s10] =	ssyncset.done $0x0  }
0x13f: {  	s6 =	sadd.s32 s8, s7;
	[sflag:s10] =	ssyncadd.s32 $0xFFFFF800  }
0x140: {  	[tilespmem:s11], [sflag:$0x3] =	stream.linear.gather [hbm4b:s6+s3], $0x800, $0x38;
	[tilespmem:$0x1D000] =	vst v63  }
0x141: {  	_ =	swait.ge [sflag:s10], $0x800  }
0x142: {  	[sflag:s10] =	ssyncset.done $0x0  }
0x143: {  	[sflag:s10] =	ssyncadd.s32 $0xFFFFF800  }
0x144: {  	[tilespmem:s13], [sflag:$0x1] =	stream.indirect.gather [hbm4b:s4+s12], $0x80, s3, s12, $0xb8;
	[tilespmem:$0x1D000] =	vst v63  }
0x145: {  	_ = 	snop  }
0x146: {  	[tilespmem:s14], [sflag:$0x2] =	stream.indirect.gather [hbm4b:s4+s12], $0x80, s12, s12, $0xb8;
	[tilespmem:$0x1D000] =	vst v63  }
0x147: {  	_ =	swait.ge [sflag:s15], $0x4000  }
0x148: {  	[sflag:s15] =	ssyncset.done $0x0  }
0x149: {  	[sflag:s15] =	ssyncadd.s32 $0xFFFFC000  }
0x14a: {  	[spmem:s2] =	stream.indirect.scatter.add.f32 [tilespmem:s13], [sflag:$0x3], $0x80, s11, s12, $0xb8;
	[tilespmem:$0x1D000] =	vst v63  }
0x14b: {  	_ =	swait.ge [sflag:s10], $0x4000  }
0x14c: {  	[sflag:s10] =	ssyncset.done $0x0  }
0x14d: {  	s9 =	rddreg [dreg:$0x6];
	[sflag:s10] =	ssyncadd.s32 $0xFFFFC000  }
0x14e: {  	[tilespmem:s13], [sflag:$0x1] =	stream.indirect.gather [hbm4b:s4+s12], $0x80, s9, s12, $0xb8;
	[tilespmem:$0x1D000] =	vst v63  }
0x14f: {  	_ =	swait.ge [sflag:s16], $0x4000  }
0x150: {  	[sflag:s16] =	ssyncset.done $0x0  }
0x151: {  	s7 =	rddreg [dreg:$0x7];
	[sflag:s16] =	ssyncadd.s32 $0xFFFFC000  }
0x152: {  	[spmem:s2] =	stream.indirect.scatter.add.f32 [tilespmem:s14], [sflag:$0x3], $0x80, s7, s12, $0xb8;
	[tilespmem:$0x1D000] =	vst v63  }
0x153: {  	_ =	swait.ge [sflag:s10], $0x4000  }
0x154: {  	[sflag:s10] =	ssyncset.done $0x0  }
0x155: {  	s8 =	rddreg [dreg:$0x8];
	[sflag:s10] =	ssyncadd.s32 $0xFFFFC000  }
0x156: {  	[tilespmem:s14], [sflag:$0x2] =	stream.indirect.gather [hbm4b:s4+s12], $0x80, s8, s12, $0xb8;
	[tilespmem:$0x1D000] =	vst v63  }
0x157: {  	_ =	swait.ge [sflag:s15], $0x4000  }
0x158: {  	[sflag:s15] =	ssyncset.done $0x0  }
0x159: {  	s9 =	rddreg [dreg:$0x9];
	[sflag:s15] =	ssyncadd.s32 $0xFFFFC000  }
0x15a: {  	[spmem:s2] =	stream.indirect.scatter.add.f32 [tilespmem:s13], [sflag:$0x3], $0x80, s9, s12, $0xb8;
	[tilespmem:$0x1D000] =	vst v63  }
0x15b: {  	_ =	swait.ge [sflag:s10], $0x4000  }
0x15c: {  	[sflag:s10] =	ssyncset.done $0x0  }
0x15d: {  	s7 =	rddreg [dreg:$0xa];
	[sflag:s10] =	ssyncadd.s32 $0xFFFFC000  }
0x15e: {  	[tilespmem:s13], [sflag:$0x1] =	stream.indirect.gather [hbm4b:s4+s12], $0x80, s7, s12, $0xb8;
	[tilespmem:$0x1D000] =	vst v63  }
0x15f: {  	_ =	swait.ge [sflag:s16], $0x4000  }
0x160: {  	[sflag:s16] =	ssyncset.done $0x0  }
0x161: {  	s8 =	rddreg [dreg:$0xb];
	[sflag:s16] =	ssyncadd.s32 $0xFFFFC000  }
0x162: {  	[spmem:s2] =	stream.indirect.scatter.add.f32 [tilespmem:s14], [sflag:$0x3], $0x80, s8, s12, $0xb8;
	[tilespmem:$0x1D000] =	vst v63  }
0x163: {  	_ =	swait.ge [sflag:s10], $0x4000  }
0x164: {  	[sflag:s10] =	ssyncset.done $0x0  }
0x165: {  	s9 =	rddreg [dreg:$0xc];
	[sflag:s10] =	ssyncadd.s32 $0xFFFFC000  }
0x166: {  	[tilespmem:s14], [sflag:$0x2] =	stream.indirect.gather [hbm4b:s4+s12], $0x80, s9, s12, $0xb8;
	[tilespmem:$0x1D000] =	vst v63  }
0x167: {  	_ =	swait.ge [sflag:s15], $0x4000  }
0x168: {  	[sflag:s15] =	ssyncset.done $0x0  }
0x169: {  	s7 =	rddreg [dreg:$0xd];
	[sflag:s15] =	ssyncadd.s32 $0xFFFFC000  }
0x16a: {  	[spmem:s2] =	stream.indirect.scatter.add.f32 [tilespmem:s13], [sflag:$0x3], $0x80, s7, s12, $0xb8;
	[tilespmem:$0x1D000] =	vst v63  }
0x16b: {  	_ =	swait.ge [sflag:s10], $0x4000  }
0x16c: {  	[sflag:s10] =	ssyncset.done $0x0  }
0x16d: {  	s8 =	rddreg [dreg:$0xe];
	[sflag:s10] =	ssyncadd.s32 $0xFFFFC000  }
0x16e: {  	[tilespmem:s13], [sflag:$0x1] =	stream.indirect.gather [hbm4b:s4+s12], $0x80, s8, s12, $0xb8;
	[tilespmem:$0x1D000] =	vst v63  }
0x16f: {  	_ =	swait.ge [sflag:s16], $0x4000  }
0x170: {  	[sflag:s16] =	ssyncset.done $0x0  }
0x171: {  	s9 =	rddreg [dreg:$0xf];
	[sflag:s16] =	ssyncadd.s32 $0xFFFFC000  }
0x172: {  	[spmem:s2] =	stream.indirect.scatter.add.f32 [tilespmem:s14], [sflag:$0x3], $0x80, s9, s12, $0xb8;
	[tilespmem:$0x1D000] =	vst v63  }
0x173: {  	_ =	swait.ge [sflag:s10], $0x4000  }
0x174: {  	[sflag:s10] =	ssyncset.done $0x0  }
0x175: {  	s7 =	rddreg [dreg:$0x10];
	[sflag:s10] =	ssyncadd.s32 $0xFFFFC000  }
0x176: {  	[tilespmem:s14], [sflag:$0x2] =	stream.indirect.gather [hbm4b:s4+s12], $0x80, s7, s12, $0xb8;
	[tilespmem:$0x1D000] =	vst v63  }
0x177: {  	_ =	swait.ge [sflag:s15], $0x4000  }
0x178: {  	[sflag:s15] =	ssyncset.done $0x0  }
0x179: {  	s8 =	rddreg [dreg:$0x11];
	[sflag:s15] =	ssyncadd.s32 $0xFFFFC000  }
0x17a: {  	[spmem:s2] =	stream.indirect.scatter.add.f32 [tilespmem:s13], [sflag:$0x3], $0x80, s8, s12, $0xb8;
	[tilespmem:$0x1D000] =	vst v63  }
0x17b: {  	_ =	swait.ge [sflag:s10], $0x4000  }
0x17c: {  	[sflag:s10] =	ssyncset.done $0x0  }
0x17d: {  	[sflag:s10] =	ssyncadd.s32 $0xFFFFC000  }
0x17e: {  	[tilespmem:s13], [sflag:$0x1] =	stream.indirect.gather [hbm4b:s4+s12], $0x80, s17, s12, $0xb8;
	[tilespmem:$0x1D000] =	vst v63  }
0x17f: {  	_ =	swait.ge [sflag:s16], $0x4000  }
0x180: {  	[sflag:s16] =	ssyncset.done $0x0  }
0x181: {  	[sflag:s16] =	ssyncadd.s32 $0xFFFFC000  }
0x182: {  	[spmem:s2] =	stream.indirect.scatter.add.f32 [tilespmem:s14], [sflag:$0x3], $0x80, s18, s12, $0xb8;
	[tilespmem:$0x1D000] =	vst v63  }
0x183: {  	_ =	swait.ge [sflag:s10], $0x4000  }
0x184: {  	[sflag:s10] =	ssyncset.done $0x0  }
0x185: {  	[sflag:s10] =	ssyncadd.s32 $0xFFFFC000  }
0x186: {  	[tilespmem:s14], [sflag:$0x2] =	stream.indirect.gather [hbm4b:s4+s12], $0x80, s19, s12, $0xb8;
	[tilespmem:$0x1D000] =	vst v63  }
0x187: {  	_ =	swait.ge [sflag:s15], $0x4000  }
0x188: {  	[sflag:s15] =	ssyncset.done $0x0  }
0x189: {  	[sflag:s15] =	ssyncadd.s32 $0xFFFFC000  }
0x18a: {  	[spmem:s2] =	stream.indirect.scatter.add.f32 [tilespmem:s13], [sflag:$0x3], $0x80, s20, s12, $0xb8;
	[tilespmem:$0x1D000] =	vst v63  }
0x18b: {  	_ =	swait.ge [sflag:s10], $0x4000  }
0x18c: {  	[sflag:s10] =	ssyncset.done $0x0  }
0x18d: {  	[sflag:s10] =	ssyncadd.s32 $0xFFFFC000  }
0x18e: {  	[tilespmem:s13], [sflag:$0x1] =	stream.indirect.gather [hbm4b:s4+s12], $0x80, s21, s12, $0xb8;
	[tilespmem:$0x1D000] =	vst v63  }
0x18f: {  	_ =	swait.ge [sflag:s16], $0x4000  }
0x190: {  	[sflag:s16] =	ssyncset.done $0x0  }
0x191: {  	[sflag:s16] =	ssyncadd.s32 $0xFFFFC000  }
0x192: {  	[spmem:s2] =	stream.indirect.scatter.add.f32 [tilespmem:s14], [sflag:$0x3], $0x80, s22, s12, $0xb8;
	[tilespmem:$0x1D000] =	vst v63  }
0x193: {  	_ =	swait.ge [sflag:s10], $0x4000  }
0x194: {  	[sflag:s10] =	ssyncset.done $0x0  }
0x195: {  	[sflag:s10] =	ssyncadd.s32 $0xFFFFC000  }
0x196: {  	[tilespmem:s14], [sflag:$0x2] =	stream.indirect.gather [hbm4b:s4+s12], $0x80, s23, s12, $0xb8;
	[tilespmem:$0x1D000] =	vst v63  }
0x197: {  	_ =	swait.ge [sflag:s15], $0x4000  }
0x198: {  	[sflag:s15] =	ssyncset.done $0x0  }
0x199: {  	[sflag:s15] =	ssyncadd.s32 $0xFFFFC000  }
0x19a: {  	[spmem:s2] =	stream.indirect.scatter.add.f32 [tilespmem:s13], [sflag:$0x3], $0x80, s24, s12, $0xb8;
	[tilespmem:$0x1D000] =	vst v63  }
0x19b: {  	_ =	swait.ge [sflag:s10], $0x4000  }
0x19c: {  	[sflag:s10] =	ssyncset.done $0x0  }
0x19d: {  	[sflag:s10] =	ssyncadd.s32 $0xFFFFC000  }
0x19e: {  	[tilespmem:s13], [sflag:$0x1] =	stream.indirect.gather [hbm4b:s4+s12], $0x80, s25, s12, $0xb8;
	[tilespmem:$0x1D000] =	vst v63  }
0x19f: {  	_ =	swait.ge [sflag:s16], $0x4000  }
0x1a0: {  	[sflag:s16] =	ssyncset.done $0x0  }
0x1a1: {  	[sflag:s16] =	ssyncadd.s32 $0xFFFFC000  }
0x1a2: {  	[spmem:s2] =	stream.indirect.scatter.add.f32 [tilespmem:s14], [sflag:$0x3], $0x80, s26, s12, $0xb8;
	[tilespmem:$0x1D000] =	vst v63  }
0x1a3: {  	_ =	swait.ge [sflag:s10], $0x4000  }
0x1a4: {  	[sflag:s10] =	ssyncset.done $0x0  }
0x1a5: {  	[sflag:s10] =	ssyncadd.s32 $0xFFFFC000  }
0x1a6: {  	[tilespmem:s14], [sflag:$0x2] =	stream.indirect.gather [hbm4b:s4+s12], $0x80, s28, s12, $0xb8;
	[tilespmem:$0x1D000] =	vst v63  }
0x1a7: {  	_ =	swait.ge [sflag:s15], $0x4000  }
0x1a8: {  	[sflag:s15] =	ssyncset.done $0x0  }
0x1a9: {  	[sflag:s15] =	ssyncadd.s32 $0xFFFFC000  }
0x1aa: {  	[spmem:s2] =	stream.indirect.scatter.add.f32 [tilespmem:s13], [sflag:$0x3], $0x80, s29, s12, $0xb8;
	[tilespmem:$0x1D000] =	vst v63  }
0x1ab: {  	_ =	swait.ge [sflag:s10], $0x4000  }
0x1ac: {  	[sflag:s10] =	ssyncset.done $0x0  }
0x1ad: {  	[sflag:s10] =	ssyncadd.s32 $0xFFFFC000  }
0x1ae: {  	[tilespmem:s13], [sflag:$0x1] =	stream.indirect.gather [hbm4b:s4+s12], $0x80, s30, s12, $0xb8;
	[tilespmem:$0x1D000] =	vst v63  }
0x1af: {  	_ =	swait.ge [sflag:s16], $0x4000  }
0x1b0: {  	[sflag:s16] =	ssyncset.done $0x0  }
0x1b1: {  	[sflag:s16] =	ssyncadd.s32 $0xFFFFC000  }
0x1b2: {  	[spmem:s2] =	stream.indirect.scatter.add.f32 [tilespmem:s14], [sflag:$0x3], $0x80, s31, s12, $0xb8;
	[tilespmem:$0x1D000] =	vst v63  }
0x1b3: {  	_ =	swait.ge [sflag:s10], $0x4000  }
0x1b4: {  	[sflag:s10] =	ssyncset.done $0x0  }
0x1b5: {  	[sflag:s10] =	ssyncadd.s32 $0xFFFFC000  }
0x1b6: {  	[tilespmem:s14], [sflag:$0x2] =	stream.indirect.gather [hbm4b:s4+s12], $0x80, s1, s12, $0xb8;
	[tilespmem:$0x1D000] =	vst v63  }
0x1b7: {  	_ =	swait.ge [sflag:s15], $0x4000  }
0x1b8: {  	[sflag:s15] =	ssyncset.done $0x0  }
0x1b9: {  	[sflag:s15] =	ssyncadd.s32 $0xFFFFC000  }
0x1ba: {  	[spmem:s2] =	stream.indirect.scatter.add.f32 [tilespmem:s13], [sflag:$0x3], $0x80, s0, s12, $0xb8;
	[tilespmem:$0x1D000] =	vst v63  }
0x1bb: {  	_ =	swait.ge [sflag:s10], $0x4000  }
0x1bc: {  	[sflag:s10] =	ssyncset.done $0x0  }
0x1bd: {  	[sflag:s10] =	ssyncadd.s32 $0xFFFFC000  }
0x1be: {  	_ =	swait.ge [sflag:s16], $0x4000  }
0x1bf: {  	[sflag:s16] =	ssyncset.done $0x0  }
0x1c0: {  	[sflag:s16] =	ssyncadd.s32 $0xFFFFC000  }
0x1c1: {  	[spmem:s2] =	stream.indirect.scatter.add.f32 [tilespmem:s14], [sflag:$0x3], $0x80, s5, s12, $0xb8;
	[tilespmem:$0x1D000] =	vst v63  }
0x1c2: {  	_ =	swait.ge [sflag:s10], $0x4000  }
0x1c3: {  	[sflag:s10] =	ssyncset.done $0x0  }
0x1c4: {  	[sflag:s10] =	ssyncadd.s32 $0xFFFFC000  }
0x1c5: {  	[bflag:$0x0] =	sbarrier.arrive $0xFFFF  }
0x1c6: {  	s7 =	rddreg [dreg:$0x13]  }
0x1c7: {  	s9 =	rddreg [dreg:$0x14]  }
0x1c8: {  	s8 =	rddreg [dreg:$0x16]  }
0x1c9: {  	[hbm:s9], [sflag:s7] =	dma.local [spmem:s8], $0x2800  }
0x1ca: {  	_ =	swait.ge [sflag:s10], $0x2800  }
0x1cb: {  	s6 =	rddreg [dreg:$0x17]  }
0x1cc: {  	s9 =	sadd.s32 $0x1, s6;
	s6 =	rddreg [dreg:$0x15]  }
0x1cd: {  	p0 =	sne.s32 s9, s6  }
.Ltmp1:
0x1ce: {  	_ = 	snop;
	(pc) =	sbr.rel @p0 .LBB2_1-.Ltmp1, $3  }
0x1cf: {  	_ =	sdelay $0x1  }
0x1d0: {  	[sflag:s10] =	ssyncset.done $0x0  }
0x1d1: {  	[sflag:s10] =	ssyncadd.s32 $0xFFFFD800  }
0x1d2: {  	_ =	sfence.sel $0x180000  }
0x1d3: {  	[bflag:$0x0] =	sbarrier.arrive $0xFFFF  }
0x1d4: {  	_ =	strace $0x9000004A  }
0x1d5: {  	s0 =	stileid.u32;
	[bflag:$0x2] =	sbarrier.arrive $0xFFFF  }
0x1d6: {  	p0 =	sne.s32 s0, $0x0;
	s0 =	rddreg [dreg:$0x3]  }
0x1d7: {  	s0 =	sadd.s32 @!p0 $0x100000, s0  }
0x1d8: {  	[sflag:s0] =	ssyncadd.tile.s32 @!p0 $0x1;
	_ =	shalt  }
.Lfunc_end2:
_tile_overlayer_lowered:
.L_overlay_start_2:
0x1d9: {  	(tag) =	ssettag $0x2  }
0x1da: {  	s0 =	rddreg [dreg:$0x0];
	s2 =	stileid.u32  }
0x1db: {  	s1 =	rddreg [dreg:$0x1];
	p0 =	sne.s32 s2, $0x0  }
0x1dc: {  	s3 =	rddreg [dreg:$0x2];
	[bflag:$0x3] =	sbarrier.arrive $0xFFFF;
	s2 =	simm.s32 @!p0 $0x1C03  }
0x1dd: {  	[timem:s3], [sflag:s2] =	dma.local @!p0 [hbm:s0], s1  }
0x1de: {  	s0 =	simm.s32 @!p0 $0x3  }
0x1df: {  	_ =	swait.ge @!p0 [sflag:s0], s1  }
0x1e0: {  	s1 =	ssub.s32 @!p0 $0x0, s1;
	[sflag:s0] =	ssyncset.done @!p0 $0x0  }
0x1e1: {  	[sflag:s0] =	ssyncadd.s32 @!p0 s1  }
0x1e2: {  	[bflag:$0x3] =	sbarrier.arrive $0xFFFF  }
0x1e3: {  	_ =	shalt  }

// kernel: kernel.15.cloned.1.call-start
scs
__scs_entry_jumppad:
0x0: {  	(pc) =	sbr.rel $0x88, $3  }
0x1: {  	(tag) =	ssettag $0x0;
	lr =	simm.s32 $0x1  }
0x2: {  	[smem:$0x3F9C] =	sst lr;
	_ =	strace $0xD0000000  }
0x3: {  	_ = 	snop  }
0x4: {  	_ = 	snop  }
0x5: {  	_ = 	snop  }
0x6: {  	_ = 	snop  }
0x7: {  	_ = 	snop  }
__scs_overlays_trampoline_lowered:
0x8: {  	[smem:$0x3FAB] =	sst s0  }
0x9: {  	[smem:$0x3FAC] =	sst s1  }
0xa: {  	[smem:$0x3FAD] =	sst s2  }
0xb: {  	[smem:$0x3FAE] =	sst s3  }
0xc: {  	[smem:$0x3FAF] =	sst s4  }
0xd: {  	[smem:$0x3FB0] =	sst s5  }
0xe: {  	[smem:$0x3FB1] =	sst s6  }
0xf: {  	[smem:$0x3FB2] =	sst s7  }
0x10: {  	[smem:$0x3FB3] =	sst s8  }
0x11: {  	[smem:$0x3FB4] =	sst s9;
	s0 =	simm.s32 @!p0 $0x0  }
0x12: {  	s1 =	sld [smem:$0x3F9A];
	s0 =	simm.s32 @p0 $0x1  }
0x13: {  	[smem:$0x3FB5] =	sst s0;
	s0 =	simm.s32 @!p1 $0x0  }
0x14: {  	s2 =	sld [smem:$0x3F99];
	s0 =	simm.s32 @p1 $0x1  }
0x15: {  	[smem:$0x3FB6] =	sst s0;
	s0 =	simm.s32 @!p2 $0x0  }
0x16: {  	s3 =	sld [smem:$0x3FDB];
	s0 =	simm.s32 @p2 $0x1  }
0x17: {  	s4 =	simm.s32 $0x1BF5;
	[smem:$0x3FB8] =	sst s0  }
0x18: {  	s0 =	sld [smem:$0x3F9B];
	_ =	swait.ge [sflag:s4], $0x0  }
0x19: {  	s7 =	sld [smem:$0x3F9C]  }
0x1a: {  	s8 =	sadd.s32 $0xFFFFE003, lr  }
0x1b: {  	s9 =	sadd.s32 $0xFFFFFEF7, lr;
	s5 =	simm.s32 $0xFFFFFFFF;
	p2 =	slt.u32 s8, $0xFFFFF086  }
0x1c: {  	p1 =	slt.u32 s9, $0xF7A;
	s5 =	simm.s32 @!p2 $0x0  }
0x1d: {  	s5 =	simm.s32 @p1 $0x1;
	p0 =	seq.s32 s7, s2  }
0x1e: {  	s7 =	smul.u32 @!p0 $0xF7A, s2;
	p2 =	seq.s32 @!p0 s5, $0x0  }
0x1f: {  	s9 =	smul.u32 $0xF7A, s1;
	s8 =	simm.s32 @!p0 $0x1BF5;
	p2 =	por !p2, p0  }
0x20: {  	[sflag:s8] =	ssyncset.s32 @!p0 $0xFFFFF086;
	s6 =	sadd.s32 @!p0 s3, s7;
	s7 =	simm.s32 @!p0 $0x108  }
0x21: {  	s3 =	sadd.s32 s3, s9;
	s6 =	sadd.s32 @!p0 $0x88, s6;
	s7 =	simm.s32 @p2 $0x1082  }
0x22: {  	[simem:s7], [sflag:s8] =	dma.local @!p0 [hbm:s6], $0xF7A  }
0x23: {  	s9 =	sor.u32 $0xD0000000, s2;
	s6 =	simm.s32 $0x108;
	_ =	swait.ge @!p0 [sflag:s8], $0x0  }
0x24: {  	s3 =	sadd.s32 $0x88, s3;
	s6 =	simm.s32 @!p1 $0x1082;
	[sflag:s4] =	ssyncset.s32 $0xFFFFF086  }
0x25: {  	[simem:s6], [sflag:s4] =	dma.local [hbm:s3], $0xF7A  }
0x26: {  	[smem:$0x3F9C] =	sst s1;
	(tag) =	ssettag s2;
	_ =	strace s9  }
0x27: {  	s1 =	sld [smem:$0x3FAC]  }
0x28: {  	s2 =	sld [smem:$0x3FAD]  }
0x29: {  	s4 =	sld [smem:$0x3FAF]  }
0x2a: {  	p0 =	seq.s32 s5, $0x0;
	s5 =	sld [smem:$0x3FB0]  }
0x2b: {  	s6 =	sld [smem:$0x3FB1]  }
0x2c: {  	s7 =	sld [smem:$0x3FB2]  }
0x2d: {  	s3 =	simm.s32 $0x108;
	s8 =	sld [smem:$0x3FB3]  }
0x2e: {  	s3 =	simm.s32 @!p0 $0x1082;
	s9 =	sld [smem:$0x3FB4]  }
0x2f: {  	lr =	sadd.s32 s0, s3;
	s0 =	sld [smem:$0x3FAB]  }
0x30: {  	s3 =	sld [smem:$0x3FAE]  }
0x31: {  	[smem:$0x3FB7] =	sst s10  }
0x32: {  	s10 =	sld [smem:$0x3FB5];
	_ =	sdelay $0x3  }
0x33: {  	p0 =	seq.s32 s10, $0x1;
	s10 =	sld [smem:$0x3FB7];
	_ =	sdelay $0x3  }
0x34: {  	[smem:$0x3FB7] =	sst s10  }
0x35: {  	s10 =	sld [smem:$0x3FB6];
	_ =	sdelay $0x3  }
0x36: {  	p1 =	seq.s32 s10, $0x1;
	s10 =	sld [smem:$0x3FB7];
	_ =	sdelay $0x3  }
0x37: {  	[smem:$0x3FB7] =	sst s10  }
0x38: {  	s10 =	sld [smem:$0x3FB8]  }
0x39: {  	_ = 	snop;
	(pc) =	sbr.ind lr, $3  }
0x3a: {  	_ = 	snop  }
0x3b: {  	_ = 	snop  }
0x3c: {  	p2 =	seq.s32 s10, $0x1;
	s10 =	sld [smem:$0x3FB7]  }
0x3d: {  	_ =	shalt  }
0x3e: {  	_ =	shalt  }
0x3f: {  	_ =	shalt  }
0x40: {  	_ =	shalt  }
0x41: {  	_ =	shalt  }
0x42: {  	_ =	shalt  }
0x43: {  	_ =	shalt  }
0x44: {  	_ =	shalt  }
0x45: {  	_ =	shalt  }
0x46: {  	_ =	shalt  }
0x47: {  	_ =	shalt  }
0x48: {  	_ =	shalt  }
0x49: {  	_ =	shalt  }
0x4a: {  	_ =	shalt  }
0x4b: {  	_ =	shalt  }
0x4c: {  	_ =	shalt  }
0x4d: {  	_ =	shalt  }
0x4e: {  	_ =	shalt  }
0x4f: {  	_ =	shalt  }
0x50: {  	_ =	shalt  }
0x51: {  	_ =	shalt  }
0x52: {  	_ =	shalt  }
0x53: {  	_ =	shalt  }
0x54: {  	_ =	shalt  }
0x55: {  	_ =	shalt  }
0x56: {  	_ =	shalt  }
0x57: {  	_ =	shalt  }
0x58: {  	_ =	shalt  }
0x59: {  	_ =	shalt  }
0x5a: {  	_ =	shalt  }
0x5b: {  	_ =	shalt  }
0x5c: {  	_ =	shalt  }
0x5d: {  	_ =	shalt  }
0x5e: {  	_ =	shalt  }
0x5f: {  	_ =	shalt  }
0x60: {  	_ =	shalt  }
0x61: {  	_ =	shalt  }
0x62: {  	_ =	shalt  }
0x63: {  	_ =	shalt  }
0x64: {  	_ =	shalt  }
0x65: {  	_ =	shalt  }
0x66: {  	_ =	shalt  }
0x67: {  	_ =	shalt  }
0x68: {  	_ =	shalt  }
0x69: {  	_ =	shalt  }
0x6a: {  	_ =	shalt  }
0x6b: {  	_ =	shalt  }
0x6c: {  	_ =	shalt  }
0x6d: {  	_ =	shalt  }
0x6e: {  	_ =	shalt  }
0x6f: {  	_ =	shalt  }
0x70: {  	_ =	shalt  }
0x71: {  	_ =	shalt  }
0x72: {  	_ =	shalt  }
0x73: {  	_ =	shalt  }
0x74: {  	_ =	shalt  }
0x75: {  	_ =	shalt  }
0x76: {  	_ =	shalt  }
0x77: {  	_ =	shalt  }
0x78: {  	_ =	shalt  }
0x79: {  	_ =	shalt  }
0x7a: {  	_ =	shalt  }
0x7b: {  	_ =	shalt  }
0x7c: {  	_ =	shalt  }
0x7d: {  	_ =	shalt  }
0x7e: {  	_ =	shalt  }
0x7f: {  	_ =	shalt  }
0x80: {  	_ =	shalt  }
0x81: {  	_ =	shalt  }
0x82: {  	_ =	shalt  }
0x83: {  	_ =	shalt  }
0x84: {  	_ =	shalt  }
0x85: {  	_ =	shalt  }
0x86: {  	_ =	shalt  }
0x87: {  	_ =	shalt  }
.Lfunc_end0:
.L_simem_size_0:
called_computation.2_lowered:
.L_overlay_start_0:
0x88: {  	s2 =	sld [smem:$0x3FD9]  }
0x89: {  	s3 =	sld [smem:$0x3FFE];
	_ =	sdelay $0x1  }
0x8a: {  	s1 =	srdreg.scid  }
0x8b: {  	s0 =	sand.u32 $0x1, s1  }
0x8c: {  	s17 =	sshll.u32 s0, $0xA;
	s2 =	sadd.s32 s3, s2  }
0x8d: {  	s2 =	sadd.s32 s2, s17  }
0x8e: {  	[smem:$0x3FC3] =	sst s2  }
0x8f: {  	_ = 	snop  }
0x90: {  	s2 =	sld [smem:$0x3FD0];
	(tm) =	ssettm $0x1  }
0x91: {  	s18 =	sld [smem:$0x3FFB];
	_ =	sdelay $0x3  }
0x92: {  	_ =	strace s18  }
0x93: {  	s3 =	sld [smem:$0x3FFC];
	_ =	sdelay $0x3  }
0x94: {  	_ =	strace s3  }
0x95: {  	s3 =	sld [smem:$0x3FFD];
	_ =	sdelay $0x3  }
0x96: {  	_ =	strace s3  }
0x97: {  	_ =	strace $0x8FFFFFFF  }
0x98: {  	s19 =	sld [smem:$0x3FDB];
	_ =	sdelay $0x1  }
0x99: {  	s4 =	simm.s32 $_scs_section_size  }
0x9a: {  	s5 =	simm.s32 $_size__tile_overlayer_lowered;
	s6 =	simm.s32 $_tile_overlayer_lowered  }
0x9b: {  	s22 =	simm.s32 $0x1BFF;
	s21 =	sshll.u32 s6, $0x1;
	s3 =	sadd.s32 s4, s19  }
0x9c: {  	s7 =	simm.s32 $0x0;
	s20 =	sshll.u32 s5, $0x1;
	s5 =	sadd.s32 s21, s3  }
0x9d: {  	[timem:s7], [sflag:s22] =	dma.local [hbm:s5], s20  }
0x9e: {  	_ =	swait.ge [sflag:s22], s20  }
0x9f: {  	s4 =	ssub.s32 $0x0, s20;
	[sflag:s22] =	ssyncset.done $0x0  }
0xa0: {  	[sflag:s22] =	ssyncadd.s32 s4;
	_ =	sdelay $0x1  }
0xa1: {  	s23 =	simm.s32 $0x1B8B  }
0xa2: {  	_ =	swait.ge [sflag:s23], $0x1  }
0xa3: {  	[sflag:s23] =	ssyncset.done $0x0  }
0xa4: {  	s25 =	simm.s32 $0x1B8E;
	s24 =	sld [smem:$0x3FFE];
	[sflag:s23] =	ssyncadd.s32 $0xFFFFFFFF  }
0xa5: {  	s26 =	simm.s32 $execute0_lowered;
	[smem:$0x3FD2] =	sst s25  }
0xa6: {  	s5 =	sshll.u32 s26, $0x1;
	_ =	strace $0x8000004C;
	[dreg:$0x1] =	wrdreg $0xFFFFFFFF  }
0xa7: {  	s28 =	simm.s32 $_size_execute0_lowered;
	s3 =	sadd.s32 s3, s5;
	[dreg:$0x0] =	wrdreg $0x0  }
0xa8: {  	s5 =	sshll.u32 s28, $0x1;
	[dreg:$0x2] =	wrdreg s3  }
0xa9: {  	[dreg:$0x3] =	wrdreg s5  }
0xaa: {  	[dreg:$0x4] =	wrdreg $0xC0  }
0xab: {  	_ =	task [dreg:s7], $0x5FFFF  }
0xac: {  	[dreg:$0x1] =	wrdreg $0xFFFFFFFF  }
0xad: {  	[dreg:$0x0] =	wrdreg $0x60  }
0xae: {  	[dreg:$0x2] =	wrdreg s24  }
0xaf: {  	[dreg:$0x3] =	wrdreg s2  }
0xb0: {  	[dreg:$0x4] =	wrdreg $0x90000  }
0xb1: {  	[dreg:$0x5] =	wrdreg $0x9  }
0xb2: {  	_ =	task.clear_ibuf [dreg:s7], $0x6FFFF;
	_ =	strace $0x9000004C  }
0xb3: {  	s29 =	simm.s32 $0x9;
	_ =	strace $0x8000004E  }
0xb4: {  	_ =	swait.ge [sflag:s29], $0x1  }
0xb5: {  	[sflag:s29] =	ssyncadd.s32 $0xFFFFFFFF  }
0xb6: {  	_ =	strace $0x9000004E  }
0xb7: {  	_ =	sfence  }
0xb8: {  	s30 =	sld [smem:$0x0];
	_ =	sdelay $0x2  }
0xb9: {  	s31 =	sshll.u32 s1, $0xD;
	s1 =	sshrl.u32 s1, $0x2  }
0xba: {  	s3 =	sand.u32 $0x4000, s31;
	s1 =	sadd.s32 s1, s30  }
0xbb: {  	s0 =	sor.u32 s3, s0;
	s1 =	sshll.u32 s1, $0x11  }
0xbc: {  	s0 =	sor.u32 s1, s0  }
0xbd: {  	s0 =	sadd.s32 $0x8F2B, s0  }
0xbe: {  	[sflag:s0] =	ssyncadd.remote.s32 $0x1  }
0xbf: {  	_ =	sfence.sel $0xFFFF  }
0xc0: {  	[dreg:$0x0] =	wrdreg $0xFFFFFFFF;
	(pc) =	sbr.abs _section_cstart, $3  }
0xc1: {  	[dreg:$0x1] =	wrdreg $0xFFFFFFFF  }
0xc2: {  	_ =	task.clear_ibuf [dreg:s7], $0x2FFFF;
	_ =	strace $0x9FFFFFFF  }
0xc3: {  	(tm) =	ssettm $0x7FFFFFFF  }
tec
execute0_lowered:
.L_overlay_start_1:
0x0: {  	(tag) =	ssettag $0x1  }
0x1: {  	s1 =	rddreg [dreg:$0x0]  }
0x2: {  	s0 =	srdreg.scid;
	s5 =	rddreg [dreg:$0x1]  }
0x3: {  	s11 =	stileid.u32;
	s2 =	rddreg [dreg:$0x2];
	s3 =	simm.s32 $0x0  }
0x4: {  	s14 =	simm.s32 $0x100;
	s15 =	simm.s32 $0x880;
	s17 =	simm.s32 $0x180  }
0x5: {  	s18 =	simm.s32 $0x900;
	s19 =	simm.s32 $0x200;
	[smem:$0x7FF] =	sst s3  }
0x6: {  	s20 =	simm.s32 $0x980;
	_ =	strace $0x8000004D;
	[dreg:$0x6] =	wrdreg s14  }
0x7: {  	s21 =	simm.s32 $0x280;
	s22 =	simm.s32 $0xA00;
	[dreg:$0x7] =	wrdreg s15  }
0x8: {  	s23 =	simm.s32 $0x300;
	s24 =	simm.s32 $0xA80;
	[dreg:$0x8] =	wrdreg s17  }
0x9: {  	s25 =	simm.s32 $0x380;
	s28 =	simm.s32 $0x680;
	[dreg:$0x9] =	wrdreg s18  }
0xa: {  	s29 =	simm.s32 $0xE00;
	s6 =	smul.u32 $0x2800, s11;
	[dreg:$0xa] =	wrdreg s19  }
0xb: {  	s30 =	simm.s32 $0x700;
	s7 =	smul.u32 $0x500, s11;
	[dreg:$0xb] =	wrdreg s20  }
0xc: {  	s0 =	sand.u32 $0x1, s0;
	s8 =	smul.u32 $0x14000, s11;
	[dreg:$0xc] =	wrdreg s21  }
0xd: {  	s31 =	simm.s32 $0xE80;
	s4 =	smul.u32 $0x28000, s0;
	[dreg:$0xd] =	wrdreg s22  }
0xe: {  	s16 =	sshll.u32 s11, $0x6;
	s26 =	smul.u32 $0x140000, s0;
	[dreg:$0xe] =	wrdreg s23  }
0xf: {  	s0 =	ssub.s32 $0x2, s0;
	[dreg:$0xf] =	wrdreg s24;
	s14 =	simm.s32 $0x5000  }
0x10: {  	[dreg:$0x10] =	wrdreg s25;
	s15 =	simm.s32 $0x1;
	s17 =	simm.s32 $0x400  }
0x11: {  	s18 =	simm.s32 $0xB80;
	s19 =	simm.s32 $0x480;
	s20 =	simm.s32 $0xC00  }
0x12: {  	s21 =	simm.s32 $0x500;
	s22 =	simm.s32 $0xC80;
	s23 =	simm.s32 $0x580  }
0x13: {  	s24 =	simm.s32 $0xD00;
	s25 =	simm.s32 $0x600;
	s7 =	sadd.s32 s7, s1  }
0x14: {  	s12 =	sshrl.u32 s0, $0x1;
	s4 =	sadd.s32 s4, s6;
	s10 =	sadd.s32 s8, s26  }
0x15: {  	s0 =	ssub.s32 s0, s12;
	s7 =	sadd.s32 $0x5C800, s7;
	s8 =	sshrl.u32 s8, $0x3  }
0x16: {  	s12 =	simm.s32 $0x80;
	s26 =	simm.s32 $0xB00;
	s4 =	sshrl.u32 s4, $0x3  }
0x17: {  	s6 =	sshrl.u32 s10, $0x3;
	s10 =	smul.u32 $0x50000, s11;
	[dreg:$0x5] =	wrdreg s7  }
0x18: {  	s5 =	sadd.s32 s5, s8;
	s7 =	sor.u32 $0x1C03, s16;
	s0 =	smax.u32 s0, $0x1  }
0x19: {  	s11 =	simm.s32 $0x800;
	s16 =	simm.s32 $0x2;
	[dreg:$0x11] =	wrdreg s26  }
0x1a: {  	s26 =	simm.s32 $0xD80;
	s9 =	sadd.s32 s4, s1;
	[dreg:$0x12] =	wrdreg s5  }
0x1b: {  	s4 =	sadd.s32 $0xC000, s1;
	s1 =	sadd.s32 s6, s1;
	[dreg:$0x15] =	wrdreg s0  }
0x1c: {  	s0 =	simm.s32 $0xF00;
	s5 =	simm.s32 $0xF80;
	[dreg:$0x13] =	wrdreg s7  }
0x1d: {  	s13 =	sshrl.u32 s10, $0x2;
	s9 =	sadd.s32 $0x2000, s9;
	s1 =	sadd.s32 $0x101800, s1  }
0x1e: {  	s10 =	simm.s32 $0x3;
	s6 =	sadd.s32 s13, s2;
	[dreg:$0x4] =	wrdreg s9  }
0x1f: {  	[dreg:$0x14] =	wrdreg s1;
	s13 =	simm.s32 $0x1000;
	s8 =	sshrl.u32 s6, $0x3  }
0x20: {  	s1 =	simm.s32 $0x780;
	s9 =	simm.s32 $0x0;
	[dreg:$0x16] =	wrdreg s8  }
.LBB2_1:
0x21: {  	[dreg:$0x17] =	wrdreg s9  }
0x22: {  	s6 =	rddreg [dreg:$0x12]  }
0x23: {  	[spmem:s8], [sflag:s7] =	dma.local [hbm:s6], $0x2800  }
0x24: {  	_ =	swait.ge [sflag:s10], $0x2800  }
0x25: {  	[sflag:s10] =	ssyncset.done $0x0  }
0x26: {  	[sflag:s10] =	ssyncadd.s32 $0xFFFFD800  }
0x27: {  	[bflag:$0x0] =	sbarrier.arrive $0xFFFF  }
0x28: {  	s8 =	rddreg [dreg:$0x4]  }
0x29: {  	s6 =	sadd.s32 $0x0, s8  }
0x2a: {  	[tilespmem:s3], [sflag:$0x3] =	stream.linear.gather [hbm4b:s6+s3], $0x800, $0x38;
	[tilespmem:$0x1D000] =	vst v63  }
0x2b: {  	_ =	swait.ge [sflag:s10], $0x800  }
0x2c: {  	s9 =	rddreg [dreg:$0x5];
	[sflag:s10] =	ssyncset.done $0x0  }
0x2d: {  	[sflag:s10] =	ssyncadd.s32 $0xFFFFF800;
	s6 =	sadd.s32 $0x0, s9  }
0x2e: {  	[tilespmem:s11], [sflag:$0x3] =	stream.linear.gather [hbm4b:s6+s3], $0x800, $0x38;
	[tilespmem:$0x1D000] =	vst v63  }
0x2f: {  	_ =	swait.ge [sflag:s10], $0x800  }
0x30: {  	[sflag:s10] =	ssyncset.done $0x0  }
0x31: {  	[sflag:s10] =	ssyncadd.s32 $0xFFFFF800  }
0x32: {  	[tilespmem:s13], [sflag:$0x1] =	stream.indirect.gather [hbm4b:s4+s12], $0x80, s3, s12, $0xb8;
	[tilespmem:$0x1D000] =	vst v63  }
0x33: {  	_ = 	snop  }
0x34: {  	[tilespmem:s14], [sflag:$0x2] =	stream.indirect.gather [hbm4b:s4+s12], $0x80, s12, s12, $0xb8;
	[tilespmem:$0x1D000] =	vst v63  }
0x35: {  	_ =	swait.ge [sflag:s15], $0x4000  }
0x36: {  	[sflag:s15] =	ssyncset.done $0x0  }
0x37: {  	[sflag:s15] =	ssyncadd.s32 $0xFFFFC000  }
0x38: {  	[spmem:s2] =	stream.indirect.scatter.add.f32 [tilespmem:s13], [sflag:$0x3], $0x80, s11, s12, $0xb8;
	[tilespmem:$0x1D000] =	vst v63  }
0x39: {  	_ =	swait.ge [sflag:s10], $0x4000  }
0x3a: {  	[sflag:s10] =	ssyncset.done $0x0  }
0x3b: {  	s7 =	rddreg [dreg:$0x6];
	[sflag:s10] =	ssyncadd.s32 $0xFFFFC000  }
0x3c: {  	[tilespmem:s13], [sflag:$0x1] =	stream.indirect.gather [hbm4b:s4+s12], $0x80, s7, s12, $0xb8;
	[tilespmem:$0x1D000] =	vst v63  }
0x3d: {  	_ =	swait.ge [sflag:s16], $0x4000  }
0x3e: {  	[sflag:s16] =	ssyncset.done $0x0  }
0x3f: {  	s8 =	rddreg [dreg:$0x7];
	[sflag:s16] =	ssyncadd.s32 $0xFFFFC000  }
0x40: {  	[spmem:s2] =	stream.indirect.scatter.add.f32 [tilespmem:s14], [sflag:$0x3], $0x80, s8, s12, $0xb8;
	[tilespmem:$0x1D000] =	vst v63  }
0x41: {  	_ =	swait.ge [sflag:s10], $0x4000  }
0x42: {  	[sflag:s10] =	ssyncset.done $0x0  }
0x43: {  	s9 =	rddreg [dreg:$0x8];
	[sflag:s10] =	ssyncadd.s32 $0xFFFFC000  }
0x44: {  	[tilespmem:s14], [sflag:$0x2] =	stream.indirect.gather [hbm4b:s4+s12], $0x80, s9, s12, $0xb8;
	[tilespmem:$0x1D000] =	vst v63  }
0x45: {  	_ =	swait.ge [sflag:s15], $0x4000  }
0x46: {  	[sflag:s15] =	ssyncset.done $0x0  }
0x47: {  	s7 =	rddreg [dreg:$0x9];
	[sflag:s15] =	ssyncadd.s32 $0xFFFFC000  }
0x48: {  	[spmem:s2] =	stream.indirect.scatter.add.f32 [tilespmem:s13], [sflag:$0x3], $0x80, s7, s12, $0xb8;
	[tilespmem:$0x1D000] =	vst v63  }
0x49: {  	_ =	swait.ge [sflag:s10], $0x4000  }
0x4a: {  	[sflag:s10] =	ssyncset.done $0x0  }
0x4b: {  	s8 =	rddreg [dreg:$0xa];
	[sflag:s10] =	ssyncadd.s32 $0xFFFFC000  }
0x4c: {  	[tilespmem:s13], [sflag:$0x1] =	stream.indirect.gather [hbm4b:s4+s12], $0x80, s8, s12, $0xb8;
	[tilespmem:$0x1D000] =	vst v63  }
0x4d: {  	_ =	swait.ge [sflag:s16], $0x4000  }
0x4e: {  	[sflag:s16] =	ssyncset.done $0x0  }
0x4f: {  	s9 =	rddreg [dreg:$0xb];
	[sflag:s16] =	ssyncadd.s32 $0xFFFFC000  }
0x50: {  	[spmem:s2] =	stream.indirect.scatter.add.f32 [tilespmem:s14], [sflag:$0x3], $0x80, s9, s12, $0xb8;
	[tilespmem:$0x1D000] =	vst v63  }
0x51: {  	_ =	swait.ge [sflag:s10], $0x4000  }
0x52: {  	[sflag:s10] =	ssyncset.done $0x0  }
0x53: {  	s7 =	rddreg [dreg:$0xc];
	[sflag:s10] =	ssyncadd.s32 $0xFFFFC000  }
0x54: {  	[tilespmem:s14], [sflag:$0x2] =	stream.indirect.gather [hbm4b:s4+s12], $0x80, s7, s12, $0xb8;
	[tilespmem:$0x1D000] =	vst v63  }
0x55: {  	_ =	swait.ge [sflag:s15], $0x4000  }
0x56: {  	[sflag:s15] =	ssyncset.done $0x0  }
0x57: {  	s8 =	rddreg [dreg:$0xd];
	[sflag:s15] =	ssyncadd.s32 $0xFFFFC000  }
0x58: {  	[spmem:s2] =	stream.indirect.scatter.add.f32 [tilespmem:s13], [sflag:$0x3], $0x80, s8, s12, $0xb8;
	[tilespmem:$0x1D000] =	vst v63  }
0x59: {  	_ =	swait.ge [sflag:s10], $0x4000  }
0x5a: {  	[sflag:s10] =	ssyncset.done $0x0  }
0x5b: {  	s9 =	rddreg [dreg:$0xe];
	[sflag:s10] =	ssyncadd.s32 $0xFFFFC000  }
0x5c: {  	[tilespmem:s13], [sflag:$0x1] =	stream.indirect.gather [hbm4b:s4+s12], $0x80, s9, s12, $0xb8;
	[tilespmem:$0x1D000] =	vst v63  }
0x5d: {  	_ =	swait.ge [sflag:s16], $0x4000  }
0x5e: {  	[sflag:s16] =	ssyncset.done $0x0  }
0x5f: {  	s7 =	rddreg [dreg:$0xf];
	[sflag:s16] =	ssyncadd.s32 $0xFFFFC000  }
0x60: {  	[spmem:s2] =	stream.indirect.scatter.add.f32 [tilespmem:s14], [sflag:$0x3], $0x80, s7, s12, $0xb8;
	[tilespmem:$0x1D000] =	vst v63  }
0x61: {  	_ =	swait.ge [sflag:s10], $0x4000  }
0x62: {  	[sflag:s10] =	ssyncset.done $0x0  }
0x63: {  	s8 =	rddreg [dreg:$0x10];
	[sflag:s10] =	ssyncadd.s32 $0xFFFFC000  }
0x64: {  	[tilespmem:s14], [sflag:$0x2] =	stream.indirect.gather [hbm4b:s4+s12], $0x80, s8, s12, $0xb8;
	[tilespmem:$0x1D000] =	vst v63  }
0x65: {  	_ =	swait.ge [sflag:s15], $0x4000  }
0x66: {  	[sflag:s15] =	ssyncset.done $0x0  }
0x67: {  	s9 =	rddreg [dreg:$0x11];
	[sflag:s15] =	ssyncadd.s32 $0xFFFFC000  }
0x68: {  	[spmem:s2] =	stream.indirect.scatter.add.f32 [tilespmem:s13], [sflag:$0x3], $0x80, s9, s12, $0xb8;
	[tilespmem:$0x1D000] =	vst v63  }
0x69: {  	_ =	swait.ge [sflag:s10], $0x4000  }
0x6a: {  	[sflag:s10] =	ssyncset.done $0x0  }
0x6b: {  	[sflag:s10] =	ssyncadd.s32 $0xFFFFC000  }
0x6c: {  	[tilespmem:s13], [sflag:$0x1] =	stream.indirect.gather [hbm4b:s4+s12], $0x80, s17, s12, $0xb8;
	[tilespmem:$0x1D000] =	vst v63  }
0x6d: {  	_ =	swait.ge [sflag:s16], $0x4000  }
0x6e: {  	[sflag:s16] =	ssyncset.done $0x0  }
0x6f: {  	[sflag:s16] =	ssyncadd.s32 $0xFFFFC000  }
0x70: {  	[spmem:s2] =	stream.indirect.scatter.add.f32 [tilespmem:s14], [sflag:$0x3], $0x80, s18, s12, $0xb8;
	[tilespmem:$0x1D000] =	vst v63  }
0x71: {  	_ =	swait.ge [sflag:s10], $0x4000  }
0x72: {  	[sflag:s10] =	ssyncset.done $0x0  }
0x73: {  	[sflag:s10] =	ssyncadd.s32 $0xFFFFC000  }
0x74: {  	[tilespmem:s14], [sflag:$0x2] =	stream.indirect.gather [hbm4b:s4+s12], $0x80, s19, s12, $0xb8;
	[tilespmem:$0x1D000] =	vst v63  }
0x75: {  	_ =	swait.ge [sflag:s15], $0x4000  }
0x76: {  	[sflag:s15] =	ssyncset.done $0x0  }
0x77: {  	[sflag:s15] =	ssyncadd.s32 $0xFFFFC000  }
0x78: {  	[spmem:s2] =	stream.indirect.scatter.add.f32 [tilespmem:s13], [sflag:$0x3], $0x80, s20, s12, $0xb8;
	[tilespmem:$0x1D000] =	vst v63  }
0x79: {  	_ =	swait.ge [sflag:s10], $0x4000  }
0x7a: {  	[sflag:s10] =	ssyncset.done $0x0  }
0x7b: {  	[sflag:s10] =	ssyncadd.s32 $0xFFFFC000  }
0x7c: {  	[tilespmem:s13], [sflag:$0x1] =	stream.indirect.gather [hbm4b:s4+s12], $0x80, s21, s12, $0xb8;
	[tilespmem:$0x1D000] =	vst v63  }
0x7d: {  	_ =	swait.ge [sflag:s16], $0x4000  }
0x7e: {  	[sflag:s16] =	ssyncset.done $0x0  }
0x7f: {  	[sflag:s16] =	ssyncadd.s32 $0xFFFFC000  }
0x80: {  	[spmem:s2] =	stream.indirect.scatter.add.f32 [tilespmem:s14], [sflag:$0x3], $0x80, s22, s12, $0xb8;
	[tilespmem:$0x1D000] =	vst v63  }
0x81: {  	_ =	swait.ge [sflag:s10], $0x4000  }
0x82: {  	[sflag:s10] =	ssyncset.done $0x0  }
0x83: {  	[sflag:s10] =	ssyncadd.s32 $0xFFFFC000  }
0x84: {  	[tilespmem:s14], [sflag:$0x2] =	stream.indirect.gather [hbm4b:s4+s12], $0x80, s23, s12, $0xb8;
	[tilespmem:$0x1D000] =	vst v63  }
0x85: {  	_ =	swait.ge [sflag:s15], $0x4000  }
0x86: {  	[sflag:s15] =	ssyncset.done $0x0  }
0x87: {  	[sflag:s15] =	ssyncadd.s32 $0xFFFFC000  }
0x88: {  	[spmem:s2] =	stream.indirect.scatter.add.f32 [tilespmem:s13], [sflag:$0x3], $0x80, s24, s12, $0xb8;
	[tilespmem:$0x1D000] =	vst v63  }
0x89: {  	_ =	swait.ge [sflag:s10], $0x4000  }
0x8a: {  	[sflag:s10] =	ssyncset.done $0x0  }
0x8b: {  	[sflag:s10] =	ssyncadd.s32 $0xFFFFC000  }
0x8c: {  	[tilespmem:s13], [sflag:$0x1] =	stream.indirect.gather [hbm4b:s4+s12], $0x80, s25, s12, $0xb8;
	[tilespmem:$0x1D000] =	vst v63  }
0x8d: {  	_ =	swait.ge [sflag:s16], $0x4000  }
0x8e: {  	[sflag:s16] =	ssyncset.done $0x0  }
0x8f: {  	[sflag:s16] =	ssyncadd.s32 $0xFFFFC000  }
0x90: {  	[spmem:s2] =	stream.indirect.scatter.add.f32 [tilespmem:s14], [sflag:$0x3], $0x80, s26, s12, $0xb8;
	[tilespmem:$0x1D000] =	vst v63  }
0x91: {  	_ =	swait.ge [sflag:s10], $0x4000  }
0x92: {  	[sflag:s10] =	ssyncset.done $0x0  }
0x93: {  	[sflag:s10] =	ssyncadd.s32 $0xFFFFC000  }
0x94: {  	[tilespmem:s14], [sflag:$0x2] =	stream.indirect.gather [hbm4b:s4+s12], $0x80, s28, s12, $0xb8;
	[tilespmem:$0x1D000] =	vst v63  }
0x95: {  	_ =	swait.ge [sflag:s15], $0x4000  }
0x96: {  	[sflag:s15] =	ssyncset.done $0x0  }
0x97: {  	[sflag:s15] =	ssyncadd.s32 $0xFFFFC000  }
0x98: {  	[spmem:s2] =	stream.indirect.scatter.add.f32 [tilespmem:s13], [sflag:$0x3], $0x80, s29, s12, $0xb8;
	[tilespmem:$0x1D000] =	vst v63  }
0x99: {  	_ =	swait.ge [sflag:s10], $0x4000  }
0x9a: {  	[sflag:s10] =	ssyncset.done $0x0  }
0x9b: {  	[sflag:s10] =	ssyncadd.s32 $0xFFFFC000  }
0x9c: {  	[tilespmem:s13], [sflag:$0x1] =	stream.indirect.gather [hbm4b:s4+s12], $0x80, s30, s12, $0xb8;
	[tilespmem:$0x1D000] =	vst v63  }
0x9d: {  	_ =	swait.ge [sflag:s16], $0x4000  }
0x9e: {  	[sflag:s16] =	ssyncset.done $0x0  }
0x9f: {  	[sflag:s16] =	ssyncadd.s32 $0xFFFFC000  }
0xa0: {  	[spmem:s2] =	stream.indirect.scatter.add.f32 [tilespmem:s14], [sflag:$0x3], $0x80, s31, s12, $0xb8;
	[tilespmem:$0x1D000] =	vst v63  }
0xa1: {  	_ =	swait.ge [sflag:s10], $0x4000  }
0xa2: {  	[sflag:s10] =	ssyncset.done $0x0  }
0xa3: {  	[sflag:s10] =	ssyncadd.s32 $0xFFFFC000  }
0xa4: {  	[tilespmem:s14], [sflag:$0x2] =	stream.indirect.gather [hbm4b:s4+s12], $0x80, s1, s12, $0xb8;
	[tilespmem:$0x1D000] =	vst v63  }
0xa5: {  	_ =	swait.ge [sflag:s15], $0x4000  }
0xa6: {  	[sflag:s15] =	ssyncset.done $0x0  }
0xa7: {  	[sflag:s15] =	ssyncadd.s32 $0xFFFFC000  }
0xa8: {  	[spmem:s2] =	stream.indirect.scatter.add.f32 [tilespmem:s13], [sflag:$0x3], $0x80, s0, s12, $0xb8;
	[tilespmem:$0x1D000] =	vst v63  }
0xa9: {  	_ =	swait.ge [sflag:s10], $0x4000  }
0xaa: {  	[sflag:s10] =	ssyncset.done $0x0  }
0xab: {  	[sflag:s10] =	ssyncadd.s32 $0xFFFFC000  }
0xac: {  	_ =	swait.ge [sflag:s16], $0x4000  }
0xad: {  	[sflag:s16] =	ssyncset.done $0x0  }
0xae: {  	[sflag:s16] =	ssyncadd.s32 $0xFFFFC000  }
0xaf: {  	[spmem:s2] =	stream.indirect.scatter.add.f32 [tilespmem:s14], [sflag:$0x3], $0x80, s5, s12, $0xb8;
	[tilespmem:$0x1D000] =	vst v63  }
0xb0: {  	s6 =	simm.s32 $0x200;
	_ =	swait.ge [sflag:s10], $0x4000  }
0xb1: {  	s8 =	simm.s32 $0x100;
	s9 =	rddreg [dreg:$0x4];
	[sflag:s10] =	ssyncset.done $0x0  }
.LBB2_2:
0xb2: {  	[sflag:s10] =	ssyncadd.s32 $0xFFFFC000;
	s9 =	sadd.s32 s8, s9  }
0xb3: {  	[tilespmem:s3], [sflag:$0x3] =	stream.linear.gather [hbm4b:s9+s3], $0x800, $0x38;
	[tilespmem:$0x1D000] =	vst v63  }
0xb4: {  	_ =	swait.ge [sflag:s10], $0x800  }
0xb5: {  	s9 =	rddreg [dreg:$0x5];
	[sflag:s10] =	ssyncset.done $0x0  }
0xb6: {  	[sflag:s10] =	ssyncadd.s32 $0xFFFFF800;
	s9 =	sadd.s32 s8, s9  }
0xb7: {  	[tilespmem:s11], [sflag:$0x3] =	stream.linear.gather [hbm4b:s9+s3], $0x800, $0x38;
	[tilespmem:$0x1D000] =	vst v63  }
0xb8: {  	_ =	swait.ge [sflag:s10], $0x800  }
0xb9: {  	[sflag:s10] =	ssyncset.done $0x0  }
0xba: {  	[sflag:s10] =	ssyncadd.s32 $0xFFFFF800  }
0xbb: {  	[tilespmem:s13], [sflag:$0x1] =	stream.indirect.gather [hbm4b:s4+s12], $0x80, s3, s12, $0xb8;
	[tilespmem:$0x1D000] =	vst v63  }
0xbc: {  	_ = 	snop  }
0xbd: {  	[tilespmem:s14], [sflag:$0x2] =	stream.indirect.gather [hbm4b:s4+s12], $0x80, s12, s12, $0xb8;
	[tilespmem:$0x1D000] =	vst v63  }
0xbe: {  	_ =	swait.ge [sflag:s15], $0x4000  }
0xbf: {  	[sflag:s15] =	ssyncset.done $0x0  }
0xc0: {  	[sflag:s15] =	ssyncadd.s32 $0xFFFFC000  }
0xc1: {  	[spmem:s2] =	stream.indirect.scatter.add.f32 [tilespmem:s13], [sflag:$0x3], $0x80, s11, s12, $0xb8;
	[tilespmem:$0x1D000] =	vst v63  }
0xc2: {  	_ =	swait.ge [sflag:s10], $0x4000  }
0xc3: {  	[sflag:s10] =	ssyncset.done $0x0  }
0xc4: {  	s9 =	rddreg [dreg:$0x6];
	[sflag:s10] =	ssyncadd.s32 $0xFFFFC000  }
0xc5: {  	[tilespmem:s13], [sflag:$0x1] =	stream.indirect.gather [hbm4b:s4+s12], $0x80, s9, s12, $0xb8;
	[tilespmem:$0x1D000] =	vst v63  }
0xc6: {  	_ =	swait.ge [sflag:s16], $0x4000  }
0xc7: {  	[sflag:s16] =	ssyncset.done $0x0  }
0xc8: {  	s9 =	rddreg [dreg:$0x7];
	[sflag:s16] =	ssyncadd.s32 $0xFFFFC000  }
0xc9: {  	[spmem:s2] =	stream.indirect.scatter.add.f32 [tilespmem:s14], [sflag:$0x3], $0x80, s9, s12, $0xb8;
	[tilespmem:$0x1D000] =	vst v63  }
0xca: {  	_ =	swait.ge [sflag:s10], $0x4000  }
0xcb: {  	[sflag:s10] =	ssyncset.done $0x0  }
0xcc: {  	s9 =	rddreg [dreg:$0x8];
	[sflag:s10] =	ssyncadd.s32 $0xFFFFC000  }
0xcd: {  	[tilespmem:s14], [sflag:$0x2] =	stream.indirect.gather [hbm4b:s4+s12], $0x80, s9, s12, $0xb8;
	[tilespmem:$0x1D000] =	vst v63  }
0xce: {  	_ =	swait.ge [sflag:s15], $0x4000  }
0xcf: {  	[sflag:s15] =	ssyncset.done $0x0  }
0xd0: {  	s9 =	rddreg [dreg:$0x9];
	[sflag:s15] =	ssyncadd.s32 $0xFFFFC000  }
0xd1: {  	[spmem:s2] =	stream.indirect.scatter.add.f32 [tilespmem:s13], [sflag:$0x3], $0x80, s9, s12, $0xb8;
	[tilespmem:$0x1D000] =	vst v63  }
0xd2: {  	_ =	swait.ge [sflag:s10], $0x4000  }
0xd3: {  	[sflag:s10] =	ssyncset.done $0x0  }
0xd4: {  	s9 =	rddreg [dreg:$0xa];
	[sflag:s10] =	ssyncadd.s32 $0xFFFFC000  }
0xd5: {  	[tilespmem:s13], [sflag:$0x1] =	stream.indirect.gather [hbm4b:s4+s12], $0x80, s9, s12, $0xb8;
	[tilespmem:$0x1D000] =	vst v63  }
0xd6: {  	_ =	swait.ge [sflag:s16], $0x4000  }
0xd7: {  	[sflag:s16] =	ssyncset.done $0x0  }
0xd8: {  	s9 =	rddreg [dreg:$0xb];
	[sflag:s16] =	ssyncadd.s32 $0xFFFFC000  }
0xd9: {  	[spmem:s2] =	stream.indirect.scatter.add.f32 [tilespmem:s14], [sflag:$0x3], $0x80, s9, s12, $0xb8;
	[tilespmem:$0x1D000] =	vst v63  }
0xda: {  	_ =	swait.ge [sflag:s10], $0x4000  }
0xdb: {  	[sflag:s10] =	ssyncset.done $0x0  }
0xdc: {  	s9 =	rddreg [dreg:$0xc];
	[sflag:s10] =	ssyncadd.s32 $0xFFFFC000  }
0xdd: {  	[tilespmem:s14], [sflag:$0x2] =	stream.indirect.gather [hbm4b:s4+s12], $0x80, s9, s12, $0xb8;
	[tilespmem:$0x1D000] =	vst v63  }
0xde: {  	_ =	swait.ge [sflag:s15], $0x4000  }
0xdf: {  	[sflag:s15] =	ssyncset.done $0x0  }
0xe0: {  	s9 =	rddreg [dreg:$0xd];
	[sflag:s15] =	ssyncadd.s32 $0xFFFFC000  }
0xe1: {  	[spmem:s2] =	stream.indirect.scatter.add.f32 [tilespmem:s13], [sflag:$0x3], $0x80, s9, s12, $0xb8;
	[tilespmem:$0x1D000] =	vst v63  }
0xe2: {  	_ =	swait.ge [sflag:s10], $0x4000  }
0xe3: {  	[sflag:s10] =	ssyncset.done $0x0  }
0xe4: {  	s9 =	rddreg [dreg:$0xe];
	[sflag:s10] =	ssyncadd.s32 $0xFFFFC000  }
0xe5: {  	[tilespmem:s13], [sflag:$0x1] =	stream.indirect.gather [hbm4b:s4+s12], $0x80, s9, s12, $0xb8;
	[tilespmem:$0x1D000] =	vst v63  }
0xe6: {  	_ =	swait.ge [sflag:s16], $0x4000  }
0xe7: {  	[sflag:s16] =	ssyncset.done $0x0  }
0xe8: {  	s9 =	rddreg [dreg:$0xf];
	[sflag:s16] =	ssyncadd.s32 $0xFFFFC000  }
0xe9: {  	[spmem:s2] =	stream.indirect.scatter.add.f32 [tilespmem:s14], [sflag:$0x3], $0x80, s9, s12, $0xb8;
	[tilespmem:$0x1D000] =	vst v63  }
0xea: {  	_ =	swait.ge [sflag:s10], $0x4000  }
0xeb: {  	[sflag:s10] =	ssyncset.done $0x0  }
0xec: {  	s9 =	rddreg [dreg:$0x10];
	[sflag:s10] =	ssyncadd.s32 $0xFFFFC000  }
0xed: {  	[tilespmem:s14], [sflag:$0x2] =	stream.indirect.gather [hbm4b:s4+s12], $0x80, s9, s12, $0xb8;
	[tilespmem:$0x1D000] =	vst v63  }
0xee: {  	_ =	swait.ge [sflag:s15], $0x4000  }
0xef: {  	[sflag:s15] =	ssyncset.done $0x0  }
0xf0: {  	s9 =	rddreg [dreg:$0x11];
	[sflag:s15] =	ssyncadd.s32 $0xFFFFC000  }
0xf1: {  	[spmem:s2] =	stream.indirect.scatter.add.f32 [tilespmem:s13], [sflag:$0x3], $0x80, s9, s12, $0xb8;
	[tilespmem:$0x1D000] =	vst v63  }
0xf2: {  	_ =	swait.ge [sflag:s10], $0x4000  }
0xf3: {  	[sflag:s10] =	ssyncset.done $0x0  }
0xf4: {  	[sflag:s10] =	ssyncadd.s32 $0xFFFFC000  }
0xf5: {  	[tilespmem:s13], [sflag:$0x1] =	stream.indirect.gather [hbm4b:s4+s12], $0x80, s17, s12, $0xb8;
	[tilespmem:$0x1D000] =	vst v63  }
0xf6: {  	_ =	swait.ge [sflag:s16], $0x4000  }
0xf7: {  	[sflag:s16] =	ssyncset.done $0x0  }
0xf8: {  	[sflag:s16] =	ssyncadd.s32 $0xFFFFC000  }
0xf9: {  	[spmem:s2] =	stream.indirect.scatter.add.f32 [tilespmem:s14], [sflag:$0x3], $0x80, s18, s12, $0xb8;
	[tilespmem:$0x1D000] =	vst v63  }
0xfa: {  	_ =	swait.ge [sflag:s10], $0x4000  }
0xfb: {  	[sflag:s10] =	ssyncset.done $0x0  }
0xfc: {  	[sflag:s10] =	ssyncadd.s32 $0xFFFFC000  }
0xfd: {  	[tilespmem:s14], [sflag:$0x2] =	stream.indirect.gather [hbm4b:s4+s12], $0x80, s19, s12, $0xb8;
	[tilespmem:$0x1D000] =	vst v63  }
0xfe: {  	_ =	swait.ge [sflag:s15], $0x4000  }
0xff: {  	[sflag:s15] =	ssyncset.done $0x0  }
0x100: {  	[sflag:s15] =	ssyncadd.s32 $0xFFFFC000  }
0x101: {  	[spmem:s2] =	stream.indirect.scatter.add.f32 [tilespmem:s13], [sflag:$0x3], $0x80, s20, s12, $0xb8;
	[tilespmem:$0x1D000] =	vst v63  }
0x102: {  	_ =	swait.ge [sflag:s10], $0x4000  }
0x103: {  	[sflag:s10] =	ssyncset.done $0x0  }
0x104: {  	[sflag:s10] =	ssyncadd.s32 $0xFFFFC000  }
0x105: {  	[tilespmem:s13], [sflag:$0x1] =	stream.indirect.gather [hbm4b:s4+s12], $0x80, s21, s12, $0xb8;
	[tilespmem:$0x1D000] =	vst v63  }
0x106: {  	_ =	swait.ge [sflag:s16], $0x4000  }
0x107: {  	[sflag:s16] =	ssyncset.done $0x0  }
0x108: {  	[sflag:s16] =	ssyncadd.s32 $0xFFFFC000  }
0x109: {  	[spmem:s2] =	stream.indirect.scatter.add.f32 [tilespmem:s14], [sflag:$0x3], $0x80, s22, s12, $0xb8;
	[tilespmem:$0x1D000] =	vst v63  }
0x10a: {  	_ =	swait.ge [sflag:s10], $0x4000  }
0x10b: {  	[sflag:s10] =	ssyncset.done $0x0  }
0x10c: {  	[sflag:s10] =	ssyncadd.s32 $0xFFFFC000  }
0x10d: {  	[tilespmem:s14], [sflag:$0x2] =	stream.indirect.gather [hbm4b:s4+s12], $0x80, s23, s12, $0xb8;
	[tilespmem:$0x1D000] =	vst v63  }
0x10e: {  	_ =	swait.ge [sflag:s15], $0x4000  }
0x10f: {  	[sflag:s15] =	ssyncset.done $0x0  }
0x110: {  	[sflag:s15] =	ssyncadd.s32 $0xFFFFC000  }
0x111: {  	[spmem:s2] =	stream.indirect.scatter.add.f32 [tilespmem:s13], [sflag:$0x3], $0x80, s24, s12, $0xb8;
	[tilespmem:$0x1D000] =	vst v63  }
0x112: {  	_ =	swait.ge [sflag:s10], $0x4000  }
0x113: {  	[sflag:s10] =	ssyncset.done $0x0  }
0x114: {  	[sflag:s10] =	ssyncadd.s32 $0xFFFFC000  }
0x115: {  	[tilespmem:s13], [sflag:$0x1] =	stream.indirect.gather [hbm4b:s4+s12], $0x80, s25, s12, $0xb8;
	[tilespmem:$0x1D000] =	vst v63  }
0x116: {  	_ =	swait.ge [sflag:s16], $0x4000  }
0x117: {  	[sflag:s16] =	ssyncset.done $0x0  }
0x118: {  	[sflag:s16] =	ssyncadd.s32 $0xFFFFC000  }
0x119: {  	[spmem:s2] =	stream.indirect.scatter.add.f32 [tilespmem:s14], [sflag:$0x3], $0x80, s26, s12, $0xb8;
	[tilespmem:$0x1D000] =	vst v63  }
0x11a: {  	_ =	swait.ge [sflag:s10], $0x4000  }
0x11b: {  	[sflag:s10] =	ssyncset.done $0x0  }
0x11c: {  	[sflag:s10] =	ssyncadd.s32 $0xFFFFC000  }
0x11d: {  	[tilespmem:s14], [sflag:$0x2] =	stream.indirect.gather [hbm4b:s4+s12], $0x80, s28, s12, $0xb8;
	[tilespmem:$0x1D000] =	vst v63  }
0x11e: {  	_ =	swait.ge [sflag:s15], $0x4000  }
0x11f: {  	[sflag:s15] =	ssyncset.done $0x0  }
0x120: {  	[sflag:s15] =	ssyncadd.s32 $0xFFFFC000  }
0x121: {  	[spmem:s2] =	stream.indirect.scatter.add.f32 [tilespmem:s13], [sflag:$0x3], $0x80, s29, s12, $0xb8;
	[tilespmem:$0x1D000] =	vst v63  }
0x122: {  	_ =	swait.ge [sflag:s10], $0x4000  }
0x123: {  	[sflag:s10] =	ssyncset.done $0x0  }
0x124: {  	[sflag:s10] =	ssyncadd.s32 $0xFFFFC000  }
0x125: {  	[tilespmem:s13], [sflag:$0x1] =	stream.indirect.gather [hbm4b:s4+s12], $0x80, s30, s12, $0xb8;
	[tilespmem:$0x1D000] =	vst v63  }
0x126: {  	_ =	swait.ge [sflag:s16], $0x4000  }
0x127: {  	[sflag:s16] =	ssyncset.done $0x0  }
0x128: {  	[sflag:s16] =	ssyncadd.s32 $0xFFFFC000  }
0x129: {  	[spmem:s2] =	stream.indirect.scatter.add.f32 [tilespmem:s14], [sflag:$0x3], $0x80, s31, s12, $0xb8;
	[tilespmem:$0x1D000] =	vst v63  }
0x12a: {  	_ =	swait.ge [sflag:s10], $0x4000  }
0x12b: {  	[sflag:s10] =	ssyncset.done $0x0  }
0x12c: {  	[sflag:s10] =	ssyncadd.s32 $0xFFFFC000  }
0x12d: {  	[tilespmem:s14], [sflag:$0x2] =	stream.indirect.gather [hbm4b:s4+s12], $0x80, s1, s12, $0xb8;
	[tilespmem:$0x1D000] =	vst v63  }
0x12e: {  	_ =	swait.ge [sflag:s15], $0x4000  }
0x12f: {  	[sflag:s15] =	ssyncset.done $0x0  }
0x130: {  	[sflag:s15] =	ssyncadd.s32 $0xFFFFC000  }
0x131: {  	[spmem:s2] =	stream.indirect.scatter.add.f32 [tilespmem:s13], [sflag:$0x3], $0x80, s0, s12, $0xb8;
	[tilespmem:$0x1D000] =	vst v63  }
0x132: {  	_ =	swait.ge [sflag:s10], $0x4000  }
0x133: {  	[sflag:s10] =	ssyncset.done $0x0  }
0x134: {  	[sflag:s10] =	ssyncadd.s32 $0xFFFFC000  }
0x135: {  	p0 =	sne.s32 s6, $0x400;
	_ =	swait.ge [sflag:s16], $0x4000  }
.Ltmp0:
0x136: {  	[sflag:s16] =	ssyncset.done $0x0;
	(pc) =	sbr.rel @p0 .LBB2_2-.Ltmp0, $4  }
0x137: {  	[sflag:s16] =	ssyncadd.s32 $0xFFFFC000  }
0x138: {  	[spmem:s2] =	stream.indirect.scatter.add.f32 [tilespmem:s14], [sflag:$0x3], $0x80, s5, s12, $0xb8;
	[tilespmem:$0x1D000] =	vst v63  }
0x139: {  	s7 =	smov.u32 s6;
	s6 =	sadd.s32 $0x100, s6;
	_ =	swait.ge [sflag:s10], $0x4000  }
0x13a: {  	s8 =	smov.u32 s7;
	s9 =	rddreg [dreg:$0x4];
	[sflag:s10] =	ssyncset.done $0x0  }
0x13b: {  	[sflag:s10] =	ssyncadd.s32 $0xFFFFC000;
	s6 =	sadd.s32 s8, s9  }
0x13c: {  	[tilespmem:s3], [sflag:$0x3] =	stream.linear.gather [hbm4b:s6+s3], $0x800, $0x38;
	[tilespmem:$0x1D000] =	vst v63  }
0x13d: {  	_ =	swait.ge [sflag:s10], $0x800  }
0x13e: {  	s7 =	rddreg [dreg:$0x5];
	[sflag:s10] =	ssyncset.done $0x0  }
0x13f: {  	s6 =	sadd.s32 s8, s7;
	[sflag:s10] =	ssyncadd.s32 $0xFFFFF800  }
0x140: {  	[tilespmem:s11], [sflag:$0x3] =	stream.linear.gather [hbm4b:s6+s3], $0x800, $0x38;
	[tilespmem:$0x1D000] =	vst v63  }
0x141: {  	_ =	swait.ge [sflag:s10], $0x800  }
0x142: {  	[sflag:s10] =	ssyncset.done $0x0  }
0x143: {  	[sflag:s10] =	ssyncadd.s32 $0xFFFFF800  }
0x144: {  	[tilespmem:s13], [sflag:$0x1] =	stream.indirect.gather [hbm4b:s4+s12], $0x80, s3, s12, $0xb8;
	[tilespmem:$0x1D000] =	vst v63  }
0x145: {  	_ = 	snop  }
0x146: {  	[tilespmem:s14], [sflag:$0x2] =	stream.indirect.gather [hbm4b:s4+s12], $0x80, s12, s12, $0xb8;
	[tilespmem:$0x1D000] =	vst v63  }
0x147: {  	_ =	swait.ge [sflag:s15], $0x4000  }
0x148: {  	[sflag:s15] =	ssyncset.done $0x0  }
0x149: {  	[sflag:s15] =	ssyncadd.s32 $0xFFFFC000  }
0x14a: {  	[spmem:s2] =	stream.indirect.scatter.add.f32 [tilespmem:s13], [sflag:$0x3], $0x80, s11, s12, $0xb8;
	[tilespmem:$0x1D000] =	vst v63  }
0x14b: {  	_ =	swait.ge [sflag:s10], $0x4000  }
0x14c: {  	[sflag:s10] =	ssyncset.done $0x0  }
0x14d: {  	s9 =	rddreg [dreg:$0x6];
	[sflag:s10] =	ssyncadd.s32 $0xFFFFC000  }
0x14e: {  	[tilespmem:s13], [sflag:$0x1] =	stream.indirect.gather [hbm4b:s4+s12], $0x80, s9, s12, $0xb8;
	[tilespmem:$0x1D000] =	vst v63  }
0x14f: {  	_ =	swait.ge [sflag:s16], $0x4000  }
0x150: {  	[sflag:s16] =	ssyncset.done $0x0  }
0x151: {  	s7 =	rddreg [dreg:$0x7];
	[sflag:s16] =	ssyncadd.s32 $0xFFFFC000  }
0x152: {  	[spmem:s2] =	stream.indirect.scatter.add.f32 [tilespmem:s14], [sflag:$0x3], $0x80, s7, s12, $0xb8;
	[tilespmem:$0x1D000] =	vst v63  }
0x153: {  	_ =	swait.ge [sflag:s10], $0x4000  }
0x154: {  	[sflag:s10] =	ssyncset.done $0x0  }
0x155: {  	s8 =	rddreg [dreg:$0x8];
	[sflag:s10] =	ssyncadd.s32 $0xFFFFC000  }
0x156: {  	[tilespmem:s14], [sflag:$0x2] =	stream.indirect.gather [hbm4b:s4+s12], $0x80, s8, s12, $0xb8;
	[tilespmem:$0x1D000] =	vst v63  }
0x157: {  	_ =	swait.ge [sflag:s15], $0x4000  }
0x158: {  	[sflag:s15] =	ssyncset.done $0x0  }
0x159: {  	s9 =	rddreg [dreg:$0x9];
	[sflag:s15] =	ssyncadd.s32 $0xFFFFC000  }
0x15a: {  	[spmem:s2] =	stream.indirect.scatter.add.f32 [tilespmem:s13], [sflag:$0x3], $0x80, s9, s12, $0xb8;
	[tilespmem:$0x1D000] =	vst v63  }
0x15b: {  	_ =	swait.ge [sflag:s10], $0x4000  }
0x15c: {  	[sflag:s10] =	ssyncset.done $0x0  }
0x15d: {  	s7 =	rddreg [dreg:$0xa];
	[sflag:s10] =	ssyncadd.s32 $0xFFFFC000  }
0x15e: {  	[tilespmem:s13], [sflag:$0x1] =	stream.indirect.gather [hbm4b:s4+s12], $0x80, s7, s12, $0xb8;
	[tilespmem:$0x1D000] =	vst v63  }
0x15f: {  	_ =	swait.ge [sflag:s16], $0x4000  }
0x160: {  	[sflag:s16] =	ssyncset.done $0x0  }
0x161: {  	s8 =	rddreg [dreg:$0xb];
	[sflag:s16] =	ssyncadd.s32 $0xFFFFC000  }
0x162: {  	[spmem:s2] =	stream.indirect.scatter.add.f32 [tilespmem:s14], [sflag:$0x3], $0x80, s8, s12, $0xb8;
	[tilespmem:$0x1D000] =	vst v63  }
0x163: {  	_ =	swait.ge [sflag:s10], $0x4000  }
0x164: {  	[sflag:s10] =	ssyncset.done $0x0  }
0x165: {  	s9 =	rddreg [dreg:$0xc];
	[sflag:s10] =	ssyncadd.s32 $0xFFFFC000  }
0x166: {  	[tilespmem:s14], [sflag:$0x2] =	stream.indirect.gather [hbm4b:s4+s12], $0x80, s9, s12, $0xb8;
	[tilespmem:$0x1D000] =	vst v63  }
0x167: {  	_ =	swait.ge [sflag:s15], $0x4000  }
0x168: {  	[sflag:s15] =	ssyncset.done $0x0  }
0x169: {  	s7 =	rddreg [dreg:$0xd];
	[sflag:s15] =	ssyncadd.s32 $0xFFFFC000  }
0x16a: {  	[spmem:s2] =	stream.indirect.scatter.add.f32 [tilespmem:s13], [sflag:$0x3], $0x80, s7, s12, $0xb8;
	[tilespmem:$0x1D000] =	vst v63  }
0x16b: {  	_ =	swait.ge [sflag:s10], $0x4000  }
0x16c: {  	[sflag:s10] =	ssyncset.done $0x0  }
0x16d: {  	s8 =	rddreg [dreg:$0xe];
	[sflag:s10] =	ssyncadd.s32 $0xFFFFC000  }
0x16e: {  	[tilespmem:s13], [sflag:$0x1] =	stream.indirect.gather [hbm4b:s4+s12], $0x80, s8, s12, $0xb8;
	[tilespmem:$0x1D000] =	vst v63  }
0x16f: {  	_ =	swait.ge [sflag:s16], $0x4000  }
0x170: {  	[sflag:s16] =	ssyncset.done $0x0  }
0x171: {  	s9 =	rddreg [dreg:$0xf];
	[sflag:s16] =	ssyncadd.s32 $0xFFFFC000  }
0x172: {  	[spmem:s2] =	stream.indirect.scatter.add.f32 [tilespmem:s14], [sflag:$0x3], $0x80, s9, s12, $0xb8;
	[tilespmem:$0x1D000] =	vst v63  }
0x173: {  	_ =	swait.ge [sflag:s10], $0x4000  }
0x174: {  	[sflag:s10] =	ssyncset.done $0x0  }
0x175: {  	s7 =	rddreg [dreg:$0x10];
	[sflag:s10] =	ssyncadd.s32 $0xFFFFC000  }
0x176: {  	[tilespmem:s14], [sflag:$0x2] =	stream.indirect.gather [hbm4b:s4+s12], $0x80, s7, s12, $0xb8;
	[tilespmem:$0x1D000] =	vst v63  }
0x177: {  	_ =	swait.ge [sflag:s15], $0x4000  }
0x178: {  	[sflag:s15] =	ssyncset.done $0x0  }
0x179: {  	s8 =	rddreg [dreg:$0x11];
	[sflag:s15] =	ssyncadd.s32 $0xFFFFC000  }
0x17a: {  	[spmem:s2] =	stream.indirect.scatter.add.f32 [tilespmem:s13], [sflag:$0x3], $0x80, s8, s12, $0xb8;
	[tilespmem:$0x1D000] =	vst v63  }
0x17b: {  	_ =	swait.ge [sflag:s10], $0x4000  }
0x17c: {  	[sflag:s10] =	ssyncset.done $0x0  }
0x17d: {  	[sflag:s10] =	ssyncadd.s32 $0xFFFFC000  }
0x17e: {  	[tilespmem:s13], [sflag:$0x1] =	stream.indirect.gather [hbm4b:s4+s12], $0x80, s17, s12, $0xb8;
	[tilespmem:$0x1D000] =	vst v63  }
0x17f: {  	_ =	swait.ge [sflag:s16], $0x4000  }
0x180: {  	[sflag:s16] =	ssyncset.done $0x0  }
0x181: {  	[sflag:s16] =	ssyncadd.s32 $0xFFFFC000  }
0x182: {  	[spmem:s2] =	stream.indirect.scatter.add.f32 [tilespmem:s14], [sflag:$0x3], $0x80, s18, s12, $0xb8;
	[tilespmem:$0x1D000] =	vst v63  }
0x183: {  	_ =	swait.ge [sflag:s10], $0x4000  }
0x184: {  	[sflag:s10] =	ssyncset.done $0x0  }
0x185: {  	[sflag:s10] =	ssyncadd.s32 $0xFFFFC000  }
0x186: {  	[tilespmem:s14], [sflag:$0x2] =	stream.indirect.gather [hbm4b:s4+s12], $0x80, s19, s12, $0xb8;
	[tilespmem:$0x1D000] =	vst v63  }
0x187: {  	_ =	swait.ge [sflag:s15], $0x4000  }
0x188: {  	[sflag:s15] =	ssyncset.done $0x0  }
0x189: {  	[sflag:s15] =	ssyncadd.s32 $0xFFFFC000  }
0x18a: {  	[spmem:s2] =	stream.indirect.scatter.add.f32 [tilespmem:s13], [sflag:$0x3], $0x80, s20, s12, $0xb8;
	[tilespmem:$0x1D000] =	vst v63  }
0x18b: {  	_ =	swait.ge [sflag:s10], $0x4000  }
0x18c: {  	[sflag:s10] =	ssyncset.done $0x0  }
0x18d: {  	[sflag:s10] =	ssyncadd.s32 $0xFFFFC000  }
0x18e: {  	[tilespmem:s13], [sflag:$0x1] =	stream.indirect.gather [hbm4b:s4+s12], $0x80, s21, s12, $0xb8;
	[tilespmem:$0x1D000] =	vst v63  }
0x18f: {  	_ =	swait.ge [sflag:s16], $0x4000  }
0x190: {  	[sflag:s16] =	ssyncset.done $0x0  }
0x191: {  	[sflag:s16] =	ssyncadd.s32 $0xFFFFC000  }
0x192: {  	[spmem:s2] =	stream.indirect.scatter.add.f32 [tilespmem:s14], [sflag:$0x3], $0x80, s22, s12, $0xb8;
	[tilespmem:$0x1D000] =	vst v63  }
0x193: {  	_ =	swait.ge [sflag:s10], $0x4000  }
0x194: {  	[sflag:s10] =	ssyncset.done $0x0  }
0x195: {  	[sflag:s10] =	ssyncadd.s32 $0xFFFFC000  }
0x196: {  	[tilespmem:s14], [sflag:$0x2] =	stream.indirect.gather [hbm4b:s4+s12], $0x80, s23, s12, $0xb8;
	[tilespmem:$0x1D000] =	vst v63  }
0x197: {  	_ =	swait.ge [sflag:s15], $0x4000  }
0x198: {  	[sflag:s15] =	ssyncset.done $0x0  }
0x199: {  	[sflag:s15] =	ssyncadd.s32 $0xFFFFC000  }
0x19a: {  	[spmem:s2] =	stream.indirect.scatter.add.f32 [tilespmem:s13], [sflag:$0x3], $0x80, s24, s12, $0xb8;
	[tilespmem:$0x1D000] =	vst v63  }
0x19b: {  	_ =	swait.ge [sflag:s10], $0x4000  }
0x19c: {  	[sflag:s10] =	ssyncset.done $0x0  }
0x19d: {  	[sflag:s10] =	ssyncadd.s32 $0xFFFFC000  }
0x19e: {  	[tilespmem:s13], [sflag:$0x1] =	stream.indirect.gather [hbm4b:s4+s12], $0x80, s25, s12, $0xb8;
	[tilespmem:$0x1D000] =	vst v63  }
0x19f: {  	_ =	swait.ge [sflag:s16], $0x4000  }
0x1a0: {  	[sflag:s16] =	ssyncset.done $0x0  }
0x1a1: {  	[sflag:s16] =	ssyncadd.s32 $0xFFFFC000  }
0x1a2: {  	[spmem:s2] =	stream.indirect.scatter.add.f32 [tilespmem:s14], [sflag:$0x3], $0x80, s26, s12, $0xb8;
	[tilespmem:$0x1D000] =	vst v63  }
0x1a3: {  	_ =	swait.ge [sflag:s10], $0x4000  }
0x1a4: {  	[sflag:s10] =	ssyncset.done $0x0  }
0x1a5: {  	[sflag:s10] =	ssyncadd.s32 $0xFFFFC000  }
0x1a6: {  	[tilespmem:s14], [sflag:$0x2] =	stream.indirect.gather [hbm4b:s4+s12], $0x80, s28, s12, $0xb8;
	[tilespmem:$0x1D000] =	vst v63  }
0x1a7: {  	_ =	swait.ge [sflag:s15], $0x4000  }
0x1a8: {  	[sflag:s15] =	ssyncset.done $0x0  }
0x1a9: {  	[sflag:s15] =	ssyncadd.s32 $0xFFFFC000  }
0x1aa: {  	[spmem:s2] =	stream.indirect.scatter.add.f32 [tilespmem:s13], [sflag:$0x3], $0x80, s29, s12, $0xb8;
	[tilespmem:$0x1D000] =	vst v63  }
0x1ab: {  	_ =	swait.ge [sflag:s10], $0x4000  }
0x1ac: {  	[sflag:s10] =	ssyncset.done $0x0  }
0x1ad: {  	[sflag:s10] =	ssyncadd.s32 $0xFFFFC000  }
0x1ae: {  	[tilespmem:s13], [sflag:$0x1] =	stream.indirect.gather [hbm4b:s4+s12], $0x80, s30, s12, $0xb8;
	[tilespmem:$0x1D000] =	vst v63  }
0x1af: {  	_ =	swait.ge [sflag:s16], $0x4000  }
0x1b0: {  	[sflag:s16] =	ssyncset.done $0x0  }
0x1b1: {  	[sflag:s16] =	ssyncadd.s32 $0xFFFFC000  }
0x1b2: {  	[spmem:s2] =	stream.indirect.scatter.add.f32 [tilespmem:s14], [sflag:$0x3], $0x80, s31, s12, $0xb8;
	[tilespmem:$0x1D000] =	vst v63  }
0x1b3: {  	_ =	swait.ge [sflag:s10], $0x4000  }
0x1b4: {  	[sflag:s10] =	ssyncset.done $0x0  }
0x1b5: {  	[sflag:s10] =	ssyncadd.s32 $0xFFFFC000  }
0x1b6: {  	[tilespmem:s14], [sflag:$0x2] =	stream.indirect.gather [hbm4b:s4+s12], $0x80, s1, s12, $0xb8;
	[tilespmem:$0x1D000] =	vst v63  }
0x1b7: {  	_ =	swait.ge [sflag:s15], $0x4000  }
0x1b8: {  	[sflag:s15] =	ssyncset.done $0x0  }
0x1b9: {  	[sflag:s15] =	ssyncadd.s32 $0xFFFFC000  }
0x1ba: {  	[spmem:s2] =	stream.indirect.scatter.add.f32 [tilespmem:s13], [sflag:$0x3], $0x80, s0, s12, $0xb8;
	[tilespmem:$0x1D000] =	vst v63  }
0x1bb: {  	_ =	swait.ge [sflag:s10], $0x4000  }
0x1bc: {  	[sflag:s10] =	ssyncset.done $0x0  }
0x1bd: {  	[sflag:s10] =	ssyncadd.s32 $0xFFFFC000  }
0x1be: {  	_ =	swait.ge [sflag:s16], $0x4000  }
0x1bf: {  	[sflag:s16] =	ssyncset.done $0x0  }
0x1c0: {  	[sflag:s16] =	ssyncadd.s32 $0xFFFFC000  }
0x1c1: {  	[spmem:s2] =	stream.indirect.scatter.add.f32 [tilespmem:s14], [sflag:$0x3], $0x80, s5, s12, $0xb8;
	[tilespmem:$0x1D000] =	vst v63  }
0x1c2: {  	_ =	swait.ge [sflag:s10], $0x4000  }
0x1c3: {  	[sflag:s10] =	ssyncset.done $0x0  }
0x1c4: {  	[sflag:s10] =	ssyncadd.s32 $0xFFFFC000  }
0x1c5: {  	[bflag:$0x0] =	sbarrier.arrive $0xFFFF  }
0x1c6: {  	s7 =	rddreg [dreg:$0x13]  }
0x1c7: {  	s9 =	rddreg [dreg:$0x14]  }
0x1c8: {  	s8 =	rddreg [dreg:$0x16]  }
0x1c9: {  	[hbm:s9], [sflag:s7] =	dma.local [spmem:s8], $0x2800  }
0x1ca: {  	_ =	swait.ge [sflag:s10], $0x2800  }
0x1cb: {  	s6 =	rddreg [dreg:$0x17]  }
0x1cc: {  	s9 =	sadd.s32 $0x1, s6;
	s6 =	rddreg [dreg:$0x15]  }
0x1cd: {  	p0 =	sne.s32 s9, s6  }
.Ltmp1:
0x1ce: {  	_ = 	snop;
	(pc) =	sbr.rel @p0 .LBB2_1-.Ltmp1, $3  }
0x1cf: {  	_ =	sdelay $0x1  }
0x1d0: {  	[sflag:s10] =	ssyncset.done $0x0  }
0x1d1: {  	[sflag:s10] =	ssyncadd.s32 $0xFFFFD800  }
0x1d2: {  	_ =	sfence.sel $0x180000  }
0x1d3: {  	[bflag:$0x0] =	sbarrier.arrive $0xFFFF  }
0x1d4: {  	_ =	strace $0x9000004D  }
0x1d5: {  	s0 =	stileid.u32;
	[bflag:$0x2] =	sbarrier.arrive $0xFFFF  }
0x1d6: {  	p0 =	sne.s32 s0, $0x0;
	s0 =	rddreg [dreg:$0x3]  }
0x1d7: {  	s0 =	sadd.s32 @!p0 $0x100000, s0  }
0x1d8: {  	[sflag:s0] =	ssyncadd.tile.s32 @!p0 $0x1;
	_ =	shalt  }
.Lfunc_end2:
_tile_overlayer_lowered:
.L_overlay_start_2:
0x1d9: {  	(tag) =	ssettag $0x2  }
0x1da: {  	s0 =	rddreg [dreg:$0x0];
	s2 =	stileid.u32  }
0x1db: {  	s1 =	rddreg [dreg:$0x1];
	p0 =	sne.s32 s2, $0x0  }
0x1dc: {  	s3 =	rddreg [dreg:$0x2];
	[bflag:$0x3] =	sbarrier.arrive $0xFFFF;
	s2 =	simm.s32 @!p0 $0x1C03  }
0x1dd: {  	[timem:s3], [sflag:s2] =	dma.local @!p0 [hbm:s0], s1  }
0x1de: {  	s0 =	simm.s32 @!p0 $0x3  }
0x1df: {  	_ =	swait.ge @!p0 [sflag:s0], s1  }
0x1e0: {  	s1 =	ssub.s32 @!p0 $0x0, s1;
	[sflag:s0] =	ssyncset.done @!p0 $0x0  }
0x1e1: {  	[sflag:s0] =	ssyncadd.s32 @!p0 s1  }
0x1e2: {  	[bflag:$0x3] =	sbarrier.arrive $0xFFFF  }
0x1e3: {  	_ =	shalt  }

// kernel: kernel.9.cloned.1.call-start
scs
__scs_entry_jumppad:
0x0: {  	(pc) =	sbr.rel $0x88, $3  }
0x1: {  	(tag) =	ssettag $0x0;
	lr =	simm.s32 $0x1  }
0x2: {  	[smem:$0x3F9C] =	sst lr;
	_ =	strace $0xD0000000  }
0x3: {  	_ = 	snop  }
0x4: {  	_ = 	snop  }
0x5: {  	_ = 	snop  }
0x6: {  	_ = 	snop  }
0x7: {  	_ = 	snop  }
__scs_overlays_trampoline_lowered:
0x8: {  	[smem:$0x3FAB] =	sst s0  }
0x9: {  	[smem:$0x3FAC] =	sst s1  }
0xa: {  	[smem:$0x3FAD] =	sst s2  }
0xb: {  	[smem:$0x3FAE] =	sst s3  }
0xc: {  	[smem:$0x3FAF] =	sst s4  }
0xd: {  	[smem:$0x3FB0] =	sst s5  }
0xe: {  	[smem:$0x3FB1] =	sst s6  }
0xf: {  	[smem:$0x3FB2] =	sst s7  }
0x10: {  	[smem:$0x3FB3] =	sst s8  }
0x11: {  	[smem:$0x3FB4] =	sst s9;
	s0 =	simm.s32 @!p0 $0x0  }
0x12: {  	s1 =	sld [smem:$0x3F9A];
	s0 =	simm.s32 @p0 $0x1  }
0x13: {  	[smem:$0x3FB5] =	sst s0;
	s0 =	simm.s32 @!p1 $0x0  }
0x14: {  	s2 =	sld [smem:$0x3F99];
	s0 =	simm.s32 @p1 $0x1  }
0x15: {  	[smem:$0x3FB6] =	sst s0;
	s0 =	simm.s32 @!p2 $0x0  }
0x16: {  	s3 =	sld [smem:$0x3FDB];
	s0 =	simm.s32 @p2 $0x1  }
0x17: {  	s4 =	simm.s32 $0x1BF5;
	[smem:$0x3FB8] =	sst s0  }
0x18: {  	s0 =	sld [smem:$0x3F9B];
	_ =	swait.ge [sflag:s4], $0x0  }
0x19: {  	s7 =	sld [smem:$0x3F9C]  }
0x1a: {  	s8 =	sadd.s32 $0xFFFFE003, lr  }
0x1b: {  	s9 =	sadd.s32 $0xFFFFFEF7, lr;
	s5 =	simm.s32 $0xFFFFFFFF;
	p2 =	slt.u32 s8, $0xFFFFF086  }
0x1c: {  	p1 =	slt.u32 s9, $0xF7A;
	s5 =	simm.s32 @!p2 $0x0  }
0x1d: {  	s5 =	simm.s32 @p1 $0x1;
	p0 =	seq.s32 s7, s2  }
0x1e: {  	s7 =	smul.u32 @!p0 $0xF7A, s2;
	p2 =	seq.s32 @!p0 s5, $0x0  }
0x1f: {  	s9 =	smul.u32 $0xF7A, s1;
	s8 =	simm.s32 @!p0 $0x1BF5;
	p2 =	por !p2, p0  }
0x20: {  	[sflag:s8] =	ssyncset.s32 @!p0 $0xFFFFF086;
	s6 =	sadd.s32 @!p0 s3, s7;
	s7 =	simm.s32 @!p0 $0x108  }
0x21: {  	s3 =	sadd.s32 s3, s9;
	s6 =	sadd.s32 @!p0 $0x88, s6;
	s7 =	simm.s32 @p2 $0x1082  }
0x22: {  	[simem:s7], [sflag:s8] =	dma.local @!p0 [hbm:s6], $0xF7A  }
0x23: {  	s9 =	sor.u32 $0xD0000000, s2;
	s6 =	simm.s32 $0x108;
	_ =	swait.ge @!p0 [sflag:s8], $0x0  }
0x24: {  	s3 =	sadd.s32 $0x88, s3;
	s6 =	simm.s32 @!p1 $0x1082;
	[sflag:s4] =	ssyncset.s32 $0xFFFFF086  }
0x25: {  	[simem:s6], [sflag:s4] =	dma.local [hbm:s3], $0xF7A  }
0x26: {  	[smem:$0x3F9C] =	sst s1;
	(tag) =	ssettag s2;
	_ =	strace s9  }
0x27: {  	s1 =	sld [smem:$0x3FAC]  }
0x28: {  	s2 =	sld [smem:$0x3FAD]  }
0x29: {  	s4 =	sld [smem:$0x3FAF]  }
0x2a: {  	p0 =	seq.s32 s5, $0x0;
	s5 =	sld [smem:$0x3FB0]  }
0x2b: {  	s6 =	sld [smem:$0x3FB1]  }
0x2c: {  	s7 =	sld [smem:$0x3FB2]  }
0x2d: {  	s3 =	simm.s32 $0x108;
	s8 =	sld [smem:$0x3FB3]  }
0x2e: {  	s3 =	simm.s32 @!p0 $0x1082;
	s9 =	sld [smem:$0x3FB4]  }
0x2f: {  	lr =	sadd.s32 s0, s3;
	s0 =	sld [smem:$0x3FAB]  }
0x30: {  	s3 =	sld [smem:$0x3FAE]  }
0x31: {  	[smem:$0x3FB7] =	sst s10  }
0x32: {  	s10 =	sld [smem:$0x3FB5];
	_ =	sdelay $0x3  }
0x33: {  	p0 =	seq.s32 s10, $0x1;
	s10 =	sld [smem:$0x3FB7];
	_ =	sdelay $0x3  }
0x34: {  	[smem:$0x3FB7] =	sst s10  }
0x35: {  	s10 =	sld [smem:$0x3FB6];
	_ =	sdelay $0x3  }
0x36: {  	p1 =	seq.s32 s10, $0x1;
	s10 =	sld [smem:$0x3FB7];
	_ =	sdelay $0x3  }
0x37: {  	[smem:$0x3FB7] =	sst s10  }
0x38: {  	s10 =	sld [smem:$0x3FB8]  }
0x39: {  	_ = 	snop;
	(pc) =	sbr.ind lr, $3  }
0x3a: {  	_ = 	snop  }
0x3b: {  	_ = 	snop  }
0x3c: {  	p2 =	seq.s32 s10, $0x1;
	s10 =	sld [smem:$0x3FB7]  }
0x3d: {  	_ =	shalt  }
0x3e: {  	_ =	shalt  }
0x3f: {  	_ =	shalt  }
0x40: {  	_ =	shalt  }
0x41: {  	_ =	shalt  }
0x42: {  	_ =	shalt  }
0x43: {  	_ =	shalt  }
0x44: {  	_ =	shalt  }
0x45: {  	_ =	shalt  }
0x46: {  	_ =	shalt  }
0x47: {  	_ =	shalt  }
0x48: {  	_ =	shalt  }
0x49: {  	_ =	shalt  }
0x4a: {  	_ =	shalt  }
0x4b: {  	_ =	shalt  }
0x4c: {  	_ =	shalt  }
0x4d: {  	_ =	shalt  }
0x4e: {  	_ =	shalt  }
0x4f: {  	_ =	shalt  }
0x50: {  	_ =	shalt  }
0x51: {  	_ =	shalt  }
0x52: {  	_ =	shalt  }
0x53: {  	_ =	shalt  }
0x54: {  	_ =	shalt  }
0x55: {  	_ =	shalt  }
0x56: {  	_ =	shalt  }
0x57: {  	_ =	shalt  }
0x58: {  	_ =	shalt  }
0x59: {  	_ =	shalt  }
0x5a: {  	_ =	shalt  }
0x5b: {  	_ =	shalt  }
0x5c: {  	_ =	shalt  }
0x5d: {  	_ =	shalt  }
0x5e: {  	_ =	shalt  }
0x5f: {  	_ =	shalt  }
0x60: {  	_ =	shalt  }
0x61: {  	_ =	shalt  }
0x62: {  	_ =	shalt  }
0x63: {  	_ =	shalt  }
0x64: {  	_ =	shalt  }
0x65: {  	_ =	shalt  }
0x66: {  	_ =	shalt  }
0x67: {  	_ =	shalt  }
0x68: {  	_ =	shalt  }
0x69: {  	_ =	shalt  }
0x6a: {  	_ =	shalt  }
0x6b: {  	_ =	shalt  }
0x6c: {  	_ =	shalt  }
0x6d: {  	_ =	shalt  }
0x6e: {  	_ =	shalt  }
0x6f: {  	_ =	shalt  }
0x70: {  	_ =	shalt  }
0x71: {  	_ =	shalt  }
0x72: {  	_ =	shalt  }
0x73: {  	_ =	shalt  }
0x74: {  	_ =	shalt  }
0x75: {  	_ =	shalt  }
0x76: {  	_ =	shalt  }
0x77: {  	_ =	shalt  }
0x78: {  	_ =	shalt  }
0x79: {  	_ =	shalt  }
0x7a: {  	_ =	shalt  }
0x7b: {  	_ =	shalt  }
0x7c: {  	_ =	shalt  }
0x7d: {  	_ =	shalt  }
0x7e: {  	_ =	shalt  }
0x7f: {  	_ =	shalt  }
0x80: {  	_ =	shalt  }
0x81: {  	_ =	shalt  }
0x82: {  	_ =	shalt  }
0x83: {  	_ =	shalt  }
0x84: {  	_ =	shalt  }
0x85: {  	_ =	shalt  }
0x86: {  	_ =	shalt  }
0x87: {  	_ =	shalt  }
.Lfunc_end0:
.L_simem_size_0:
called_computation_lowered:
.L_overlay_start_0:
0x88: {  	s2 =	sld [smem:$0x3FD9]  }
0x89: {  	s3 =	sld [smem:$0x3FFE];
	_ =	sdelay $0x1  }
0x8a: {  	s1 =	srdreg.scid  }
0x8b: {  	s0 =	sand.u32 $0x1, s1  }
0x8c: {  	s17 =	sshll.u32 s0, $0xA;
	s2 =	sadd.s32 s3, s2  }
0x8d: {  	s2 =	sadd.s32 s2, s17  }
0x8e: {  	[smem:$0x3FC3] =	sst s2  }
0x8f: {  	_ = 	snop  }
0x90: {  	s2 =	sld [smem:$0x3FD0];
	(tm) =	ssettm $0x1  }
0x91: {  	s18 =	sld [smem:$0x3FFB];
	_ =	sdelay $0x3  }
0x92: {  	_ =	strace s18  }
0x93: {  	s3 =	sld [smem:$0x3FFC];
	_ =	sdelay $0x3  }
0x94: {  	_ =	strace s3  }
0x95: {  	s3 =	sld [smem:$0x3FFD];
	_ =	sdelay $0x3  }
0x96: {  	_ =	strace s3  }
0x97: {  	_ =	strace $0x8FFFFFFF  }
0x98: {  	s19 =	sld [smem:$0x3FDB];
	_ =	sdelay $0x1  }
0x99: {  	s4 =	simm.s32 $_scs_section_size  }
0x9a: {  	s5 =	simm.s32 $_size__tile_overlayer_lowered;
	s6 =	simm.s32 $_tile_overlayer_lowered  }
0x9b: {  	s22 =	simm.s32 $0x1BFF;
	s21 =	sshll.u32 s6, $0x1;
	s3 =	sadd.s32 s4, s19  }
0x9c: {  	s7 =	simm.s32 $0x0;
	s20 =	sshll.u32 s5, $0x1;
	s5 =	sadd.s32 s21, s3  }
0x9d: {  	[timem:s7], [sflag:s22] =	dma.local [hbm:s5], s20  }
0x9e: {  	_ =	swait.ge [sflag:s22], s20  }
0x9f: {  	s4 =	ssub.s32 $0x0, s20;
	[sflag:s22] =	ssyncset.done $0x0  }
0xa0: {  	[sflag:s22] =	ssyncadd.s32 s4;
	_ =	sdelay $0x1  }
0xa1: {  	s23 =	simm.s32 $0x1B8B  }
0xa2: {  	_ =	swait.ge [sflag:s23], $0x1  }
0xa3: {  	[sflag:s23] =	ssyncset.done $0x0  }
0xa4: {  	s25 =	simm.s32 $0x1B8E;
	s24 =	sld [smem:$0x3FFE];
	[sflag:s23] =	ssyncadd.s32 $0xFFFFFFFF  }
0xa5: {  	s26 =	simm.s32 $execute0_lowered;
	[smem:$0x3FD2] =	sst s25  }
0xa6: {  	s5 =	sshll.u32 s26, $0x1;
	_ =	strace $0x80000046;
	[dreg:$0x1] =	wrdreg $0xFFFFFFFF  }
0xa7: {  	s28 =	simm.s32 $_size_execute0_lowered;
	s3 =	sadd.s32 s3, s5;
	[dreg:$0x0] =	wrdreg $0x0  }
0xa8: {  	s5 =	sshll.u32 s28, $0x1;
	[dreg:$0x2] =	wrdreg s3  }
0xa9: {  	[dreg:$0x3] =	wrdreg s5  }
0xaa: {  	[dreg:$0x4] =	wrdreg $0xC0  }
0xab: {  	_ =	task [dreg:s7], $0x5FFFF  }
0xac: {  	[dreg:$0x1] =	wrdreg $0xFFFFFFFF  }
0xad: {  	[dreg:$0x0] =	wrdreg $0x60  }
0xae: {  	[dreg:$0x2] =	wrdreg s24  }
0xaf: {  	[dreg:$0x3] =	wrdreg s2  }
0xb0: {  	[dreg:$0x4] =	wrdreg $0x54000  }
0xb1: {  	[dreg:$0x5] =	wrdreg $0x9  }
0xb2: {  	_ =	task.clear_ibuf [dreg:s7], $0x6FFFF;
	_ =	strace $0x90000046  }
0xb3: {  	s29 =	simm.s32 $0x9;
	_ =	strace $0x80000048  }
0xb4: {  	_ =	swait.ge [sflag:s29], $0x1  }
0xb5: {  	[sflag:s29] =	ssyncadd.s32 $0xFFFFFFFF  }
0xb6: {  	_ =	strace $0x90000048  }
0xb7: {  	_ =	sfence  }
0xb8: {  	s30 =	sld [smem:$0x0];
	_ =	sdelay $0x2  }
0xb9: {  	s31 =	sshll.u32 s1, $0xD;
	s1 =	sshrl.u32 s1, $0x2  }
0xba: {  	s3 =	sand.u32 $0x4000, s31;
	s1 =	sadd.s32 s1, s30  }
0xbb: {  	s0 =	sor.u32 s3, s0;
	s1 =	sshll.u32 s1, $0x11  }
0xbc: {  	s0 =	sor.u32 s1, s0  }
0xbd: {  	s0 =	sadd.s32 $0x8F2B, s0  }
0xbe: {  	[sflag:s0] =	ssyncadd.remote.s32 $0x1  }
0xbf: {  	_ =	sfence.sel $0xFFFF  }
0xc0: {  	[dreg:$0x0] =	wrdreg $0xFFFFFFFF;
	(pc) =	sbr.abs _section_cstart, $3  }
0xc1: {  	[dreg:$0x1] =	wrdreg $0xFFFFFFFF  }
0xc2: {  	_ =	task.clear_ibuf [dreg:s7], $0x2FFFF;
	_ =	strace $0x9FFFFFFF  }
0xc3: {  	(tm) =	ssettm $0x7FFFFFFF  }
tec
execute0_lowered:
.L_overlay_start_1:
0x0: {  	(tag) =	ssettag $0x1  }
0x1: {  	s0 =	rddreg [dreg:$0x0]  }
0x2: {  	s1 =	srdreg.scid;
	s3 =	rddreg [dreg:$0x1]  }
0x3: {  	s9 =	stileid.u32;
	s2 =	rddreg [dreg:$0x2]  }
0x4: {  	s31 =	simm.s32 $0x0;
	s8 =	simm.s32 $0x300;
	s11 =	simm.s32 $0x380  }
0x5: {  	s13 =	simm.s32 $0x400;
	[smem:$0x7FF] =	sst s31;
	s7 =	sadd.s32 $0xC000, s0  }
0x6: {  	s14 =	simm.s32 $0x480;
	_ =	strace $0x80000047;
	[dreg:$0x4] =	wrdreg s7  }
0x7: {  	s16 =	simm.s32 $0x500;
	s18 =	simm.s32 $0x580;
	[dreg:$0xc] =	wrdreg s8  }
0x8: {  	s19 =	simm.s32 $0x600;
	s20 =	simm.s32 $0x680;
	[dreg:$0xd] =	wrdreg s11  }
0x9: {  	s21 =	simm.s32 $0x700;
	s23 =	simm.s32 $0x780;
	[dreg:$0xe] =	wrdreg s13  }
0xa: {  	s24 =	simm.s32 $0x800;
	s25 =	simm.s32 $0x880;
	[dreg:$0xf] =	wrdreg s14  }
0xb: {  	s28 =	simm.s32 $0xA00;
	s29 =	simm.s32 $0xA80;
	[dreg:$0x10] =	wrdreg s16  }
0xc: {  	s30 =	simm.s32 $0xB00;
	s4 =	smul.u32 $0x2800, s9;
	[dreg:$0x11] =	wrdreg s18  }
0xd: {  	p0 =	por $0x0, $0x0;
	s6 =	smul.u32 $0x14000, s9;
	[dreg:$0x12] =	wrdreg s19  }
0xe: {  	s1 =	sand.u32 $0x1, s1;
	s12 =	smul.u32 $0x50000, s9;
	[dreg:$0x13] =	wrdreg s20  }
0xf: {  	s22 =	sshll.u32 s9, $0x6;
	s5 =	smul.u32 $0x1400, s1;
	[dreg:$0x14] =	wrdreg s21  }
0x10: {  	s26 =	smul.u32 $0x140000, s1;
	s7 =	simm.s32 $0x280;
	[dreg:$0x15] =	wrdreg s23  }
0x11: {  	s1 =	ssub.s32 $0x2, s1;
	[dreg:$0x16] =	wrdreg s24;
	s8 =	simm.s32 $0x80  }
0x12: {  	[dreg:$0x17] =	wrdreg s25;
	s18 =	simm.s32 $0xB80;
	s19 =	simm.s32 $0xC80  }
0x13: {  	s20 =	simm.s32 $0xD00;
	s21 =	simm.s32 $0xD80;
	s23 =	simm.s32 $0xE80  }
0x14: {  	s24 =	simm.s32 $0xF00;
	s25 =	simm.s32 $0xF80;
	s11 =	simm.s32 $0x1080  }
0x15: {  	s13 =	simm.s32 $0x1180;
	s14 =	simm.s32 $0x1200;
	s16 =	simm.s32 $0x1300  }
0x16: {  	[dreg:$0xb] =	wrdreg s7;
	s10 =	sshrl.u32 s1, $0x1;
	s15 =	sshrl.u32 s12, $0x2  }
0x17: {  	s7 =	simm.s32 $0x1400;
	s12 =	simm.s32 $0x1100;
	s4 =	sadd.s32 s5, s4  }
0x18: {  	s5 =	sadd.s32 s6, s26;
	s6 =	sshrl.u32 s6, $0x3;
	s1 =	ssub.s32 s1, s10  }
0x19: {  	s17 =	sadd.s32 s15, s2;
	s26 =	simm.s32 $0x900;
	s10 =	simm.s32 $0x1000  }
0x1a: {  	s15 =	simm.s32 $0x1280;
	s4 =	sshrl.u32 s4, $0x3;
	s5 =	sshrl.u32 s5, $0x3  }
0x1b: {  	s3 =	sadd.s32 s3, s6;
	s6 =	simm.s32 $0x200;
	s1 =	smax.u32 s1, $0x1  }
0x1c: {  	[dreg:$0x18] =	wrdreg s26;
	s26 =	simm.s32 $0x980;
	s4 =	sadd.s32 s4, s0  }
0x1d: {  	s0 =	sadd.s32 s5, s0;
	[dreg:$0x6] =	wrdreg s3;
	s5 =	simm.s32 $0x180  }
0x1e: {  	[dreg:$0xa] =	wrdreg s6;
	s3 =	simm.s32 $0x2;
	p1 =	sne.s32 s1, $0x1  }
.Ltmp0:
0x1f: {  	s4 =	sadd.s32 $0x2000, s4;
	[dreg:$0x9] =	wrdreg s5;
	(pc) =	sbr.rel @!p1 .LBB2_1-.Ltmp0, $4  }
0x20: {  	s6 =	simm.s32 $0x1;
	s0 =	sadd.s32 $0xC800, s0;
	[dreg:$0x5] =	wrdreg s4  }
0x21: {  	s1 =	sadd.s32 $0xFFFFFFFF, s1;
	[dreg:$0x7] =	wrdreg s0;
	s4 =	simm.s32 $0x100  }
0x22: {  	s5 =	sshrl.u32 s17, $0x3;
	s17 =	simm.s32 $0x1380;
	[dreg:$0x8] =	wrdreg s4  }
0x23: {  	s4 =	sor.u32 $0x1C02, s22;
	s22 =	simm.s32 $0xE00;
	s0 =	rddreg [dreg:$0x5]  }
0x24: {  	[tilespmem:s31], [sflag:$0x2] =	stream.linear.gather [hbm4b:s0+s31], $0x1400, $0x38;
	[tilespmem:$0x19400] =	vst v63  }
0x25: {  	_ =	swait.ge [sflag:s3], $0x1400  }
0x26: {  	[sflag:s3] =	ssyncset.done $0x0  }
0x27: {  	s9 =	rddreg [dreg:$0x4];
	[sflag:s3] =	ssyncadd.s32 $0xFFFFEC00  }
0x28: {  	[tilespmem:s7], [sflag:$0x2] =	stream.linear.gather [hbm4b:s9+s31], $0x4000, $0x38;
	[tilespmem:$0x19400] =	vst v63  }
0x29: {  	_ =	swait.ge [sflag:s3], $0x4000  }
0x2a: {  	[sflag:s3] =	ssyncset.done $0x0  }
0x2b: {  	s9 =	rddreg [dreg:$0x6];
	[sflag:s3] =	ssyncadd.s32 $0xFFFFC000  }
0x2c: {  	[spmem:s5], [sflag:s4] =	dma.local [hbm:s9], $0x2800  }
0x2d: {  	_ =	swait.ge [sflag:s3], $0x2800  }
0x2e: {  	[sflag:s3] =	ssyncset.done $0x0  }
0x2f: {  	[sflag:s3] =	ssyncadd.s32 $0xFFFFD800  }
0x30: {  	[bflag:$0x0] =	sbarrier.arrive $0xFFFF  }
0x31: {  	[spmem:s2] =	stream.indirect.scatter.add.f32 [tilespmem:s7], [sflag:$0x1], $0x80, s31, s8, $0xb8;
	[tilespmem:$0x19400] =	vst v63  }
0x32: {  	_ = 	snop  }
0x33: {  	[spmem:s2] =	stream.indirect.scatter.add.f32 [tilespmem:s7], [sflag:$0x1], $0x80, s8, s8, $0xb8;
	[tilespmem:$0x19400] =	vst v63  }
0x34: {  	s0 =	rddreg [dreg:$0x8]  }
0x35: {  	[spmem:s2] =	stream.indirect.scatter.add.f32 [tilespmem:s7], [sflag:$0x1], $0x80, s0, s8, $0xb8;
	[tilespmem:$0x19400] =	vst v63  }
0x36: {  	s9 =	smov.u32 s1;
	s1 =	rddreg [dreg:$0x9]  }
0x37: {  	[spmem:s2] =	stream.indirect.scatter.add.f32 [tilespmem:s7], [sflag:$0x1], $0x80, s1, s8, $0xb8;
	[tilespmem:$0x19400] =	vst v63  }
0x38: {  	s0 =	rddreg [dreg:$0xa]  }
0x39: {  	[spmem:s2] =	stream.indirect.scatter.add.f32 [tilespmem:s7], [sflag:$0x1], $0x80, s0, s8, $0xb8;
	[tilespmem:$0x19400] =	vst v63  }
0x3a: {  	s1 =	rddreg [dreg:$0xb]  }
0x3b: {  	[spmem:s2] =	stream.indirect.scatter.add.f32 [tilespmem:s7], [sflag:$0x1], $0x80, s1, s8, $0xb8;
	[tilespmem:$0x19400] =	vst v63  }
0x3c: {  	s0 =	rddreg [dreg:$0xc]  }
0x3d: {  	[spmem:s2] =	stream.indirect.scatter.add.f32 [tilespmem:s7], [sflag:$0x1], $0x80, s0, s8, $0xb8;
	[tilespmem:$0x19400] =	vst v63  }
0x3e: {  	s1 =	rddreg [dreg:$0xd]  }
0x3f: {  	[spmem:s2] =	stream.indirect.scatter.add.f32 [tilespmem:s7], [sflag:$0x1], $0x80, s1, s8, $0xb8;
	[tilespmem:$0x19400] =	vst v63  }
0x40: {  	_ =	swait.ge [sflag:s6], $0x4000  }
0x41: {  	[sflag:s6] =	ssyncset.done $0x0  }
0x42: {  	[sflag:s6] =	ssyncadd.s32 $0xFFFFC000  }
0x43: {  	_ =	swait.ge [sflag:s6], $0x4000  }
0x44: {  	[sflag:s6] =	ssyncset.done $0x0  }
0x45: {  	[sflag:s6] =	ssyncadd.s32 $0xFFFFC000  }
0x46: {  	_ =	swait.ge [sflag:s6], $0x4000  }
0x47: {  	[sflag:s6] =	ssyncset.done $0x0  }
0x48: {  	[sflag:s6] =	ssyncadd.s32 $0xFFFFC000  }
0x49: {  	_ =	swait.ge [sflag:s6], $0x4000  }
0x4a: {  	[sflag:s6] =	ssyncset.done $0x0  }
0x4b: {  	[sflag:s6] =	ssyncadd.s32 $0xFFFFC000  }
0x4c: {  	_ =	swait.ge [sflag:s6], $0x4000  }
0x4d: {  	[sflag:s6] =	ssyncset.done $0x0  }
0x4e: {  	[sflag:s6] =	ssyncadd.s32 $0xFFFFC000  }
0x4f: {  	_ =	swait.ge [sflag:s6], $0x4000  }
0x50: {  	[sflag:s6] =	ssyncset.done $0x0  }
0x51: {  	[sflag:s6] =	ssyncadd.s32 $0xFFFFC000  }
0x52: {  	_ =	swait.ge [sflag:s6], $0x4000  }
0x53: {  	[sflag:s6] =	ssyncset.done $0x0  }
0x54: {  	[sflag:s6] =	ssyncadd.s32 $0xFFFFC000  }
0x55: {  	_ =	swait.ge [sflag:s6], $0x4000  }
0x56: {  	[sflag:s6] =	ssyncset.done $0x0  }
0x57: {  	s0 =	rddreg [dreg:$0xe];
	[sflag:s6] =	ssyncadd.s32 $0xFFFFC000  }
0x58: {  	[spmem:s2] =	stream.indirect.scatter.add.f32 [tilespmem:s7], [sflag:$0x1], $0x80, s0, s8, $0xb8;
	[tilespmem:$0x19400] =	vst v63  }
0x59: {  	s1 =	rddreg [dreg:$0xf]  }
0x5a: {  	[spmem:s2] =	stream.indirect.scatter.add.f32 [tilespmem:s7], [sflag:$0x1], $0x80, s1, s8, $0xb8;
	[tilespmem:$0x19400] =	vst v63  }
0x5b: {  	s0 =	rddreg [dreg:$0x10]  }
0x5c: {  	[spmem:s2] =	stream.indirect.scatter.add.f32 [tilespmem:s7], [sflag:$0x1], $0x80, s0, s8, $0xb8;
	[tilespmem:$0x19400] =	vst v63  }
0x5d: {  	s1 =	rddreg [dreg:$0x11]  }
0x5e: {  	[spmem:s2] =	stream.indirect.scatter.add.f32 [tilespmem:s7], [sflag:$0x1], $0x80, s1, s8, $0xb8;
	[tilespmem:$0x19400] =	vst v63  }
0x5f: {  	s0 =	rddreg [dreg:$0x12]  }
0x60: {  	[spmem:s2] =	stream.indirect.scatter.add.f32 [tilespmem:s7], [sflag:$0x1], $0x80, s0, s8, $0xb8;
	[tilespmem:$0x19400] =	vst v63  }
0x61: {  	s1 =	rddreg [dreg:$0x13]  }
0x62: {  	[spmem:s2] =	stream.indirect.scatter.add.f32 [tilespmem:s7], [sflag:$0x1], $0x80, s1, s8, $0xb8;
	[tilespmem:$0x19400] =	vst v63  }
0x63: {  	s0 =	rddreg [dreg:$0x14]  }
0x64: {  	[spmem:s2] =	stream.indirect.scatter.add.f32 [tilespmem:s7], [sflag:$0x1], $0x80, s0, s8, $0xb8;
	[tilespmem:$0x19400] =	vst v63  }
0x65: {  	s1 =	rddreg [dreg:$0x15]  }
0x66: {  	[spmem:s2] =	stream.indirect.scatter.add.f32 [tilespmem:s7], [sflag:$0x1], $0x80, s1, s8, $0xb8;
	[tilespmem:$0x19400] =	vst v63  }
0x67: {  	_ =	swait.ge [sflag:s6], $0x4000  }
0x68: {  	[sflag:s6] =	ssyncset.done $0x0  }
0x69: {  	[sflag:s6] =	ssyncadd.s32 $0xFFFFC000  }
0x6a: {  	_ =	swait.ge [sflag:s6], $0x4000  }
0x6b: {  	[sflag:s6] =	ssyncset.done $0x0  }
0x6c: {  	[sflag:s6] =	ssyncadd.s32 $0xFFFFC000  }
0x6d: {  	_ =	swait.ge [sflag:s6], $0x4000  }
0x6e: {  	[sflag:s6] =	ssyncset.done $0x0  }
0x6f: {  	[sflag:s6] =	ssyncadd.s32 $0xFFFFC000  }
0x70: {  	_ =	swait.ge [sflag:s6], $0x4000  }
0x71: {  	[sflag:s6] =	ssyncset.done $0x0  }
0x72: {  	[sflag:s6] =	ssyncadd.s32 $0xFFFFC000  }
0x73: {  	_ =	swait.ge [sflag:s6], $0x4000  }
0x74: {  	[sflag:s6] =	ssyncset.done $0x0  }
0x75: {  	[sflag:s6] =	ssyncadd.s32 $0xFFFFC000  }
0x76: {  	_ =	swait.ge [sflag:s6], $0x4000  }
0x77: {  	[sflag:s6] =	ssyncset.done $0x0  }
0x78: {  	[sflag:s6] =	ssyncadd.s32 $0xFFFFC000  }
0x79: {  	_ =	swait.ge [sflag:s6], $0x4000  }
0x7a: {  	[sflag:s6] =	ssyncset.done $0x0  }
0x7b: {  	[sflag:s6] =	ssyncadd.s32 $0xFFFFC000  }
0x7c: {  	_ =	swait.ge [sflag:s6], $0x4000  }
0x7d: {  	[sflag:s6] =	ssyncset.done $0x0  }
0x7e: {  	s0 =	rddreg [dreg:$0x16];
	[sflag:s6] =	ssyncadd.s32 $0xFFFFC000  }
0x7f: {  	[spmem:s2] =	stream.indirect.scatter.add.f32 [tilespmem:s7], [sflag:$0x1], $0x80, s0, s8, $0xb8;
	[tilespmem:$0x19400] =	vst v63  }
0x80: {  	s1 =	rddreg [dreg:$0x17]  }
0x81: {  	[spmem:s2] =	stream.indirect.scatter.add.f32 [tilespmem:s7], [sflag:$0x1], $0x80, s1, s8, $0xb8;
	[tilespmem:$0x19400] =	vst v63  }
0x82: {  	s0 =	rddreg [dreg:$0x18]  }
0x83: {  	[spmem:s2] =	stream.indirect.scatter.add.f32 [tilespmem:s7], [sflag:$0x1], $0x80, s0, s8, $0xb8;
	[tilespmem:$0x19400] =	vst v63  }
0x84: {  	_ = 	snop  }
0x85: {  	[spmem:s2] =	stream.indirect.scatter.add.f32 [tilespmem:s7], [sflag:$0x1], $0x80, s26, s8, $0xb8;
	[tilespmem:$0x19400] =	vst v63  }
0x86: {  	_ = 	snop  }
0x87: {  	[spmem:s2] =	stream.indirect.scatter.add.f32 [tilespmem:s7], [sflag:$0x1], $0x80, s28, s8, $0xb8;
	[tilespmem:$0x19400] =	vst v63  }
0x88: {  	_ = 	snop  }
0x89: {  	[spmem:s2] =	stream.indirect.scatter.add.f32 [tilespmem:s7], [sflag:$0x1], $0x80, s29, s8, $0xb8;
	[tilespmem:$0x19400] =	vst v63  }
0x8a: {  	_ = 	snop  }
0x8b: {  	[spmem:s2] =	stream.indirect.scatter.add.f32 [tilespmem:s7], [sflag:$0x1], $0x80, s30, s8, $0xb8;
	[tilespmem:$0x19400] =	vst v63  }
0x8c: {  	_ = 	snop  }
0x8d: {  	[spmem:s2] =	stream.indirect.scatter.add.f32 [tilespmem:s7], [sflag:$0x1], $0x80, s18, s8, $0xb8;
	[tilespmem:$0x19400] =	vst v63  }
0x8e: {  	_ =	swait.ge [sflag:s6], $0x4000  }
0x8f: {  	[sflag:s6] =	ssyncset.done $0x0  }
0x90: {  	[sflag:s6] =	ssyncadd.s32 $0xFFFFC000  }
0x91: {  	_ =	swait.ge [sflag:s6], $0x4000  }
0x92: {  	[sflag:s6] =	ssyncset.done $0x0  }
0x93: {  	[sflag:s6] =	ssyncadd.s32 $0xFFFFC000  }
0x94: {  	_ =	swait.ge [sflag:s6], $0x4000  }
0x95: {  	[sflag:s6] =	ssyncset.done $0x0  }
0x96: {  	[sflag:s6] =	ssyncadd.s32 $0xFFFFC000  }
0x97: {  	_ =	swait.ge [sflag:s6], $0x4000  }
0x98: {  	[sflag:s6] =	ssyncset.done $0x0  }
0x99: {  	[sflag:s6] =	ssyncadd.s32 $0xFFFFC000  }
0x9a: {  	_ =	swait.ge [sflag:s6], $0x4000  }
0x9b: {  	[sflag:s6] =	ssyncset.done $0x0  }
0x9c: {  	[sflag:s6] =	ssyncadd.s32 $0xFFFFC000  }
0x9d: {  	_ =	swait.ge [sflag:s6], $0x4000  }
0x9e: {  	[sflag:s6] =	ssyncset.done $0x0  }
0x9f: {  	[sflag:s6] =	ssyncadd.s32 $0xFFFFC000  }
0xa0: {  	_ =	swait.ge [sflag:s6], $0x4000  }
0xa1: {  	[sflag:s6] =	ssyncset.done $0x0  }
0xa2: {  	[sflag:s6] =	ssyncadd.s32 $0xFFFFC000  }
0xa3: {  	_ =	swait.ge [sflag:s6], $0x4000  }
0xa4: {  	[sflag:s6] =	ssyncset.done $0x0  }
0xa5: {  	s1 =	simm.s32 $0xC00;
	[sflag:s6] =	ssyncadd.s32 $0xFFFFC000  }
0xa6: {  	[spmem:s2] =	stream.indirect.scatter.add.f32 [tilespmem:s7], [sflag:$0x1], $0x80, s1, s8, $0xb8;
	[tilespmem:$0x19400] =	vst v63  }
0xa7: {  	_ = 	snop  }
0xa8: {  	[spmem:s2] =	stream.indirect.scatter.add.f32 [tilespmem:s7], [sflag:$0x1], $0x80, s19, s8, $0xb8;
	[tilespmem:$0x19400] =	vst v63  }
0xa9: {  	_ = 	snop  }
0xaa: {  	[spmem:s2] =	stream.indirect.scatter.add.f32 [tilespmem:s7], [sflag:$0x1], $0x80, s20, s8, $0xb8;
	[tilespmem:$0x19400] =	vst v63  }
0xab: {  	_ = 	snop  }
0xac: {  	[spmem:s2] =	stream.indirect.scatter.add.f32 [tilespmem:s7], [sflag:$0x1], $0x80, s21, s8, $0xb8;
	[tilespmem:$0x19400] =	vst v63  }
0xad: {  	_ = 	snop  }
0xae: {  	[spmem:s2] =	stream.indirect.scatter.add.f32 [tilespmem:s7], [sflag:$0x1], $0x80, s22, s8, $0xb8;
	[tilespmem:$0x19400] =	vst v63  }
0xaf: {  	_ = 	snop  }
0xb0: {  	[spmem:s2] =	stream.indirect.scatter.add.f32 [tilespmem:s7], [sflag:$0x1], $0x80, s23, s8, $0xb8;
	[tilespmem:$0x19400] =	vst v63  }
0xb1: {  	_ = 	snop  }
0xb2: {  	[spmem:s2] =	stream.indirect.scatter.add.f32 [tilespmem:s7], [sflag:$0x1], $0x80, s24, s8, $0xb8;
	[tilespmem:$0x19400] =	vst v63  }
0xb3: {  	_ = 	snop  }
0xb4: {  	[spmem:s2] =	stream.indirect.scatter.add.f32 [tilespmem:s7], [sflag:$0x1], $0x80, s25, s8, $0xb8;
	[tilespmem:$0x19400] =	vst v63  }
0xb5: {  	_ =	swait.ge [sflag:s6], $0x4000  }
0xb6: {  	[sflag:s6] =	ssyncset.done $0x0  }
0xb7: {  	[sflag:s6] =	ssyncadd.s32 $0xFFFFC000  }
0xb8: {  	_ =	swait.ge [sflag:s6], $0x4000  }
0xb9: {  	[sflag:s6] =	ssyncset.done $0x0  }
0xba: {  	[sflag:s6] =	ssyncadd.s32 $0xFFFFC000  }
0xbb: {  	_ =	swait.ge [sflag:s6], $0x4000  }
0xbc: {  	[sflag:s6] =	ssyncset.done $0x0  }
0xbd: {  	[sflag:s6] =	ssyncadd.s32 $0xFFFFC000  }
0xbe: {  	_ =	swait.ge [sflag:s6], $0x4000  }
0xbf: {  	[sflag:s6] =	ssyncset.done $0x0  }
0xc0: {  	[sflag:s6] =	ssyncadd.s32 $0xFFFFC000  }
0xc1: {  	_ =	swait.ge [sflag:s6], $0x4000  }
0xc2: {  	[sflag:s6] =	ssyncset.done $0x0  }
0xc3: {  	[sflag:s6] =	ssyncadd.s32 $0xFFFFC000  }
0xc4: {  	_ =	swait.ge [sflag:s6], $0x4000  }
0xc5: {  	[sflag:s6] =	ssyncset.done $0x0  }
0xc6: {  	[sflag:s6] =	ssyncadd.s32 $0xFFFFC000  }
0xc7: {  	_ =	swait.ge [sflag:s6], $0x4000  }
0xc8: {  	[sflag:s6] =	ssyncset.done $0x0  }
0xc9: {  	[sflag:s6] =	ssyncadd.s32 $0xFFFFC000  }
0xca: {  	_ =	swait.ge [sflag:s6], $0x4000  }
0xcb: {  	[sflag:s6] =	ssyncset.done $0x0  }
0xcc: {  	[sflag:s6] =	ssyncadd.s32 $0xFFFFC000  }
0xcd: {  	[spmem:s2] =	stream.indirect.scatter.add.f32 [tilespmem:s7], [sflag:$0x1], $0x80, s10, s8, $0xb8;
	[tilespmem:$0x19400] =	vst v63  }
0xce: {  	_ = 	snop  }
0xcf: {  	[spmem:s2] =	stream.indirect.scatter.add.f32 [tilespmem:s7], [sflag:$0x1], $0x80, s11, s8, $0xb8;
	[tilespmem:$0x19400] =	vst v63  }
0xd0: {  	_ = 	snop  }
0xd1: {  	[spmem:s2] =	stream.indirect.scatter.add.f32 [tilespmem:s7], [sflag:$0x1], $0x80, s12, s8, $0xb8;
	[tilespmem:$0x19400] =	vst v63  }
0xd2: {  	_ = 	snop  }
0xd3: {  	[spmem:s2] =	stream.indirect.scatter.add.f32 [tilespmem:s7], [sflag:$0x1], $0x80, s13, s8, $0xb8;
	[tilespmem:$0x19400] =	vst v63  }
0xd4: {  	_ = 	snop  }
0xd5: {  	[spmem:s2] =	stream.indirect.scatter.add.f32 [tilespmem:s7], [sflag:$0x1], $0x80, s14, s8, $0xb8;
	[tilespmem:$0x19400] =	vst v63  }
0xd6: {  	_ = 	snop  }
0xd7: {  	[spmem:s2] =	stream.indirect.scatter.add.f32 [tilespmem:s7], [sflag:$0x1], $0x80, s15, s8, $0xb8;
	[tilespmem:$0x19400] =	vst v63  }
0xd8: {  	_ = 	snop  }
0xd9: {  	[spmem:s2] =	stream.indirect.scatter.add.f32 [tilespmem:s7], [sflag:$0x1], $0x80, s16, s8, $0xb8;
	[tilespmem:$0x19400] =	vst v63  }
0xda: {  	_ = 	snop  }
0xdb: {  	[spmem:s2] =	stream.indirect.scatter.add.f32 [tilespmem:s7], [sflag:$0x1], $0x80, s17, s8, $0xb8;
	[tilespmem:$0x19400] =	vst v63  }
0xdc: {  	_ =	swait.ge [sflag:s6], $0x4000  }
0xdd: {  	[sflag:s6] =	ssyncset.done $0x0  }
0xde: {  	[sflag:s6] =	ssyncadd.s32 $0xFFFFC000  }
0xdf: {  	_ =	swait.ge [sflag:s6], $0x4000  }
0xe0: {  	[sflag:s6] =	ssyncset.done $0x0  }
0xe1: {  	[sflag:s6] =	ssyncadd.s32 $0xFFFFC000  }
0xe2: {  	_ =	swait.ge [sflag:s6], $0x4000  }
0xe3: {  	[sflag:s6] =	ssyncset.done $0x0  }
0xe4: {  	[sflag:s6] =	ssyncadd.s32 $0xFFFFC000  }
0xe5: {  	_ =	swait.ge [sflag:s6], $0x4000  }
0xe6: {  	[sflag:s6] =	ssyncset.done $0x0  }
0xe7: {  	[sflag:s6] =	ssyncadd.s32 $0xFFFFC000  }
0xe8: {  	_ =	swait.ge [sflag:s6], $0x4000  }
0xe9: {  	[sflag:s6] =	ssyncset.done $0x0  }
0xea: {  	[sflag:s6] =	ssyncadd.s32 $0xFFFFC000  }
0xeb: {  	_ =	swait.ge [sflag:s6], $0x4000  }
0xec: {  	[sflag:s6] =	ssyncset.done $0x0  }
0xed: {  	[sflag:s6] =	ssyncadd.s32 $0xFFFFC000  }
0xee: {  	_ =	swait.ge [sflag:s6], $0x4000  }
0xef: {  	[sflag:s6] =	ssyncset.done $0x0  }
0xf0: {  	[sflag:s6] =	ssyncadd.s32 $0xFFFFC000  }
0xf1: {  	_ =	swait.ge [sflag:s6], $0x4000  }
0xf2: {  	[sflag:s6] =	ssyncset.done $0x0  }
0xf3: {  	p1 =	sne.s32 s9, $0x1;
	[sflag:s6] =	ssyncadd.s32 $0xFFFFC000  }
.Ltmp1:
0xf4: {  	[bflag:$0x0] =	sbarrier.arrive $0xFFFF;
	(pc) =	sbr.rel @!p1 .LBB2_3-.Ltmp1, $4  }
0xf5: {  	s1 =	rddreg [dreg:$0x7]  }
0xf6: {  	[hbm:s1], [sflag:s4] =	dma.local [spmem:s5], $0x2800  }
0xf7: {  	p0 =	por $0x1, $0x1;
	_ =	swait.ge [sflag:s3], $0x2800  }
0xf8: {  	s1 =	sadd.s32 $0xFFFFFFFF, s9;
	s0 =	rddreg [dreg:$0x5];
	[sflag:s3] =	ssyncset.done $0x0  }
.LBB2_4:
0xf9: {  	[sflag:s3] =	ssyncadd.s32 $0xFFFFD800  }
0xfa: {  	[tilespmem:s31], [sflag:$0x2] =	stream.linear.gather [hbm4b:s0+s31], $0x1400, $0x38;
	[tilespmem:$0x19400] =	vst v63  }
0xfb: {  	_ =	swait.ge [sflag:s3], $0x1400  }
0xfc: {  	[sflag:s3] =	ssyncset.done $0x0  }
0xfd: {  	s9 =	rddreg [dreg:$0x4];
	[sflag:s3] =	ssyncadd.s32 $0xFFFFEC00  }
0xfe: {  	[tilespmem:s7], [sflag:$0x2] =	stream.linear.gather [hbm4b:s9+s31], $0x4000, $0x38;
	[tilespmem:$0x19400] =	vst v63  }
0xff: {  	_ =	swait.ge [sflag:s3], $0x4000  }
0x100: {  	[sflag:s3] =	ssyncset.done $0x0  }
0x101: {  	s9 =	rddreg [dreg:$0x6];
	[sflag:s3] =	ssyncadd.s32 $0xFFFFC000  }
0x102: {  	[spmem:s5], [sflag:s4] =	dma.local [hbm:s9], $0x2800  }
0x103: {  	_ =	swait.ge [sflag:s3], $0x2800  }
0x104: {  	[sflag:s3] =	ssyncset.done $0x0  }
0x105: {  	[sflag:s3] =	ssyncadd.s32 $0xFFFFD800  }
0x106: {  	[bflag:$0x0] =	sbarrier.arrive $0xFFFF  }
0x107: {  	[spmem:s2] =	stream.indirect.scatter.add.f32 [tilespmem:s7], [sflag:$0x1], $0x80, s31, s8, $0xb8;
	[tilespmem:$0x19400] =	vst v63  }
0x108: {  	_ = 	snop  }
0x109: {  	[spmem:s2] =	stream.indirect.scatter.add.f32 [tilespmem:s7], [sflag:$0x1], $0x80, s8, s8, $0xb8;
	[tilespmem:$0x19400] =	vst v63  }
0x10a: {  	s0 =	rddreg [dreg:$0x8]  }
0x10b: {  	[spmem:s2] =	stream.indirect.scatter.add.f32 [tilespmem:s7], [sflag:$0x1], $0x80, s0, s8, $0xb8;
	[tilespmem:$0x19400] =	vst v63  }
0x10c: {  	s9 =	rddreg [dreg:$0x9]  }
0x10d: {  	[spmem:s2] =	stream.indirect.scatter.add.f32 [tilespmem:s7], [sflag:$0x1], $0x80, s9, s8, $0xb8;
	[tilespmem:$0x19400] =	vst v63  }
0x10e: {  	s0 =	rddreg [dreg:$0xa]  }
0x10f: {  	[spmem:s2] =	stream.indirect.scatter.add.f32 [tilespmem:s7], [sflag:$0x1], $0x80, s0, s8, $0xb8;
	[tilespmem:$0x19400] =	vst v63  }
0x110: {  	s9 =	rddreg [dreg:$0xb]  }
0x111: {  	[spmem:s2] =	stream.indirect.scatter.add.f32 [tilespmem:s7], [sflag:$0x1], $0x80, s9, s8, $0xb8;
	[tilespmem:$0x19400] =	vst v63  }
0x112: {  	s0 =	rddreg [dreg:$0xc]  }
0x113: {  	[spmem:s2] =	stream.indirect.scatter.add.f32 [tilespmem:s7], [sflag:$0x1], $0x80, s0, s8, $0xb8;
	[tilespmem:$0x19400] =	vst v63  }
0x114: {  	s9 =	rddreg [dreg:$0xd]  }
0x115: {  	[spmem:s2] =	stream.indirect.scatter.add.f32 [tilespmem:s7], [sflag:$0x1], $0x80, s9, s8, $0xb8;
	[tilespmem:$0x19400] =	vst v63  }
0x116: {  	_ =	swait.ge [sflag:s6], $0x4000  }
0x117: {  	[sflag:s6] =	ssyncset.done $0x0  }
0x118: {  	[sflag:s6] =	ssyncadd.s32 $0xFFFFC000  }
0x119: {  	_ =	swait.ge [sflag:s6], $0x4000  }
0x11a: {  	[sflag:s6] =	ssyncset.done $0x0  }
0x11b: {  	[sflag:s6] =	ssyncadd.s32 $0xFFFFC000  }
0x11c: {  	_ =	swait.ge [sflag:s6], $0x4000  }
0x11d: {  	[sflag:s6] =	ssyncset.done $0x0  }
0x11e: {  	[sflag:s6] =	ssyncadd.s32 $0xFFFFC000  }
0x11f: {  	_ =	swait.ge [sflag:s6], $0x4000  }
0x120: {  	[sflag:s6] =	ssyncset.done $0x0  }
0x121: {  	[sflag:s6] =	ssyncadd.s32 $0xFFFFC000  }
0x122: {  	_ =	swait.ge [sflag:s6], $0x4000  }
0x123: {  	[sflag:s6] =	ssyncset.done $0x0  }
0x124: {  	[sflag:s6] =	ssyncadd.s32 $0xFFFFC000  }
0x125: {  	_ =	swait.ge [sflag:s6], $0x4000  }
0x126: {  	[sflag:s6] =	ssyncset.done $0x0  }
0x127: {  	[sflag:s6] =	ssyncadd.s32 $0xFFFFC000  }
0x128: {  	_ =	swait.ge [sflag:s6], $0x4000  }
0x129: {  	[sflag:s6] =	ssyncset.done $0x0  }
0x12a: {  	[sflag:s6] =	ssyncadd.s32 $0xFFFFC000  }
0x12b: {  	_ =	swait.ge [sflag:s6], $0x4000  }
0x12c: {  	[sflag:s6] =	ssyncset.done $0x0  }
0x12d: {  	s0 =	rddreg [dreg:$0xe];
	[sflag:s6] =	ssyncadd.s32 $0xFFFFC000  }
0x12e: {  	[spmem:s2] =	stream.indirect.scatter.add.f32 [tilespmem:s7], [sflag:$0x1], $0x80, s0, s8, $0xb8;
	[tilespmem:$0x19400] =	vst v63  }
0x12f: {  	s9 =	rddreg [dreg:$0xf]  }
0x130: {  	[spmem:s2] =	stream.indirect.scatter.add.f32 [tilespmem:s7], [sflag:$0x1], $0x80, s9, s8, $0xb8;
	[tilespmem:$0x19400] =	vst v63  }
0x131: {  	s0 =	rddreg [dreg:$0x10]  }
0x132: {  	[spmem:s2] =	stream.indirect.scatter.add.f32 [tilespmem:s7], [sflag:$0x1], $0x80, s0, s8, $0xb8;
	[tilespmem:$0x19400] =	vst v63  }
0x133: {  	s9 =	rddreg [dreg:$0x11]  }
0x134: {  	[spmem:s2] =	stream.indirect.scatter.add.f32 [tilespmem:s7], [sflag:$0x1], $0x80, s9, s8, $0xb8;
	[tilespmem:$0x19400] =	vst v63  }
0x135: {  	s0 =	rddreg [dreg:$0x12]  }
0x136: {  	[spmem:s2] =	stream.indirect.scatter.add.f32 [tilespmem:s7], [sflag:$0x1], $0x80, s0, s8, $0xb8;
	[tilespmem:$0x19400] =	vst v63  }
0x137: {  	s9 =	rddreg [dreg:$0x13]  }
0x138: {  	[spmem:s2] =	stream.indirect.scatter.add.f32 [tilespmem:s7], [sflag:$0x1], $0x80, s9, s8, $0xb8;
	[tilespmem:$0x19400] =	vst v63  }
0x139: {  	s0 =	rddreg [dreg:$0x14]  }
0x13a: {  	[spmem:s2] =	stream.indirect.scatter.add.f32 [tilespmem:s7], [sflag:$0x1], $0x80, s0, s8, $0xb8;
	[tilespmem:$0x19400] =	vst v63  }
0x13b: {  	s9 =	rddreg [dreg:$0x15]  }
0x13c: {  	[spmem:s2] =	stream.indirect.scatter.add.f32 [tilespmem:s7], [sflag:$0x1], $0x80, s9, s8, $0xb8;
	[tilespmem:$0x19400] =	vst v63  }
0x13d: {  	_ =	swait.ge [sflag:s6], $0x4000  }
0x13e: {  	[sflag:s6] =	ssyncset.done $0x0  }
0x13f: {  	[sflag:s6] =	ssyncadd.s32 $0xFFFFC000  }
0x140: {  	_ =	swait.ge [sflag:s6], $0x4000  }
0x141: {  	[sflag:s6] =	ssyncset.done $0x0  }
0x142: {  	[sflag:s6] =	ssyncadd.s32 $0xFFFFC000  }
0x143: {  	_ =	swait.ge [sflag:s6], $0x4000  }
0x144: {  	[sflag:s6] =	ssyncset.done $0x0  }
0x145: {  	[sflag:s6] =	ssyncadd.s32 $0xFFFFC000  }
0x146: {  	_ =	swait.ge [sflag:s6], $0x4000  }
0x147: {  	[sflag:s6] =	ssyncset.done $0x0  }
0x148: {  	[sflag:s6] =	ssyncadd.s32 $0xFFFFC000  }
0x149: {  	_ =	swait.ge [sflag:s6], $0x4000  }
0x14a: {  	[sflag:s6] =	ssyncset.done $0x0  }
0x14b: {  	[sflag:s6] =	ssyncadd.s32 $0xFFFFC000  }
0x14c: {  	_ =	swait.ge [sflag:s6], $0x4000  }
0x14d: {  	[sflag:s6] =	ssyncset.done $0x0  }
0x14e: {  	[sflag:s6] =	ssyncadd.s32 $0xFFFFC000  }
0x14f: {  	_ =	swait.ge [sflag:s6], $0x4000  }
0x150: {  	[sflag:s6] =	ssyncset.done $0x0  }
0x151: {  	[sflag:s6] =	ssyncadd.s32 $0xFFFFC000  }
0x152: {  	_ =	swait.ge [sflag:s6], $0x4000  }
0x153: {  	[sflag:s6] =	ssyncset.done $0x0  }
0x154: {  	s0 =	rddreg [dreg:$0x16];
	[sflag:s6] =	ssyncadd.s32 $0xFFFFC000  }
0x155: {  	[spmem:s2] =	stream.indirect.scatter.add.f32 [tilespmem:s7], [sflag:$0x1], $0x80, s0, s8, $0xb8;
	[tilespmem:$0x19400] =	vst v63  }
0x156: {  	s9 =	rddreg [dreg:$0x17]  }
0x157: {  	[spmem:s2] =	stream.indirect.scatter.add.f32 [tilespmem:s7], [sflag:$0x1], $0x80, s9, s8, $0xb8;
	[tilespmem:$0x19400] =	vst v63  }
0x158: {  	s0 =	rddreg [dreg:$0x18]  }
0x159: {  	[spmem:s2] =	stream.indirect.scatter.add.f32 [tilespmem:s7], [sflag:$0x1], $0x80, s0, s8, $0xb8;
	[tilespmem:$0x19400] =	vst v63  }
0x15a: {  	_ = 	snop  }
0x15b: {  	[spmem:s2] =	stream.indirect.scatter.add.f32 [tilespmem:s7], [sflag:$0x1], $0x80, s26, s8, $0xb8;
	[tilespmem:$0x19400] =	vst v63  }
0x15c: {  	_ = 	snop  }
0x15d: {  	[spmem:s2] =	stream.indirect.scatter.add.f32 [tilespmem:s7], [sflag:$0x1], $0x80, s28, s8, $0xb8;
	[tilespmem:$0x19400] =	vst v63  }
0x15e: {  	_ = 	snop  }
0x15f: {  	[spmem:s2] =	stream.indirect.scatter.add.f32 [tilespmem:s7], [sflag:$0x1], $0x80, s29, s8, $0xb8;
	[tilespmem:$0x19400] =	vst v63  }
0x160: {  	_ = 	snop  }
0x161: {  	[spmem:s2] =	stream.indirect.scatter.add.f32 [tilespmem:s7], [sflag:$0x1], $0x80, s30, s8, $0xb8;
	[tilespmem:$0x19400] =	vst v63  }
0x162: {  	_ = 	snop  }
0x163: {  	[spmem:s2] =	stream.indirect.scatter.add.f32 [tilespmem:s7], [sflag:$0x1], $0x80, s18, s8, $0xb8;
	[tilespmem:$0x19400] =	vst v63  }
0x164: {  	_ =	swait.ge [sflag:s6], $0x4000  }
0x165: {  	[sflag:s6] =	ssyncset.done $0x0  }
0x166: {  	[sflag:s6] =	ssyncadd.s32 $0xFFFFC000  }
0x167: {  	_ =	swait.ge [sflag:s6], $0x4000  }
0x168: {  	[sflag:s6] =	ssyncset.done $0x0  }
0x169: {  	[sflag:s6] =	ssyncadd.s32 $0xFFFFC000  }
0x16a: {  	_ =	swait.ge [sflag:s6], $0x4000  }
0x16b: {  	[sflag:s6] =	ssyncset.done $0x0  }
0x16c: {  	[sflag:s6] =	ssyncadd.s32 $0xFFFFC000  }
0x16d: {  	_ =	swait.ge [sflag:s6], $0x4000  }
0x16e: {  	[sflag:s6] =	ssyncset.done $0x0  }
0x16f: {  	[sflag:s6] =	ssyncadd.s32 $0xFFFFC000  }
0x170: {  	_ =	swait.ge [sflag:s6], $0x4000  }
0x171: {  	[sflag:s6] =	ssyncset.done $0x0  }
0x172: {  	[sflag:s6] =	ssyncadd.s32 $0xFFFFC000  }
0x173: {  	_ =	swait.ge [sflag:s6], $0x4000  }
0x174: {  	[sflag:s6] =	ssyncset.done $0x0  }
0x175: {  	[sflag:s6] =	ssyncadd.s32 $0xFFFFC000  }
0x176: {  	_ =	swait.ge [sflag:s6], $0x4000  }
0x177: {  	[sflag:s6] =	ssyncset.done $0x0  }
0x178: {  	[sflag:s6] =	ssyncadd.s32 $0xFFFFC000  }
0x179: {  	_ =	swait.ge [sflag:s6], $0x4000  }
0x17a: {  	[sflag:s6] =	ssyncset.done $0x0  }
0x17b: {  	s9 =	simm.s32 $0xC00;
	[sflag:s6] =	ssyncadd.s32 $0xFFFFC000  }
0x17c: {  	[spmem:s2] =	stream.indirect.scatter.add.f32 [tilespmem:s7], [sflag:$0x1], $0x80, s9, s8, $0xb8;
	[tilespmem:$0x19400] =	vst v63  }
0x17d: {  	_ = 	snop  }
0x17e: {  	[spmem:s2] =	stream.indirect.scatter.add.f32 [tilespmem:s7], [sflag:$0x1], $0x80, s19, s8, $0xb8;
	[tilespmem:$0x19400] =	vst v63  }
0x17f: {  	_ = 	snop  }
0x180: {  	[spmem:s2] =	stream.indirect.scatter.add.f32 [tilespmem:s7], [sflag:$0x1], $0x80, s20, s8, $0xb8;
	[tilespmem:$0x19400] =	vst v63  }
0x181: {  	_ = 	snop  }
0x182: {  	[spmem:s2] =	stream.indirect.scatter.add.f32 [tilespmem:s7], [sflag:$0x1], $0x80, s21, s8, $0xb8;
	[tilespmem:$0x19400] =	vst v63  }
0x183: {  	_ = 	snop  }
0x184: {  	[spmem:s2] =	stream.indirect.scatter.add.f32 [tilespmem:s7], [sflag:$0x1], $0x80, s22, s8, $0xb8;
	[tilespmem:$0x19400] =	vst v63  }
0x185: {  	_ = 	snop  }
0x186: {  	[spmem:s2] =	stream.indirect.scatter.add.f32 [tilespmem:s7], [sflag:$0x1], $0x80, s23, s8, $0xb8;
	[tilespmem:$0x19400] =	vst v63  }
0x187: {  	_ = 	snop  }
0x188: {  	[spmem:s2] =	stream.indirect.scatter.add.f32 [tilespmem:s7], [sflag:$0x1], $0x80, s24, s8, $0xb8;
	[tilespmem:$0x19400] =	vst v63  }
0x189: {  	_ = 	snop  }
0x18a: {  	[spmem:s2] =	stream.indirect.scatter.add.f32 [tilespmem:s7], [sflag:$0x1], $0x80, s25, s8, $0xb8;
	[tilespmem:$0x19400] =	vst v63  }
0x18b: {  	_ =	swait.ge [sflag:s6], $0x4000  }
0x18c: {  	[sflag:s6] =	ssyncset.done $0x0  }
0x18d: {  	[sflag:s6] =	ssyncadd.s32 $0xFFFFC000  }
0x18e: {  	_ =	swait.ge [sflag:s6], $0x4000  }
0x18f: {  	[sflag:s6] =	ssyncset.done $0x0  }
0x190: {  	[sflag:s6] =	ssyncadd.s32 $0xFFFFC000  }
0x191: {  	_ =	swait.ge [sflag:s6], $0x4000  }
0x192: {  	[sflag:s6] =	ssyncset.done $0x0  }
0x193: {  	[sflag:s6] =	ssyncadd.s32 $0xFFFFC000  }
0x194: {  	_ =	swait.ge [sflag:s6], $0x4000  }
0x195: {  	[sflag:s6] =	ssyncset.done $0x0  }
0x196: {  	[sflag:s6] =	ssyncadd.s32 $0xFFFFC000  }
0x197: {  	_ =	swait.ge [sflag:s6], $0x4000  }
0x198: {  	[sflag:s6] =	ssyncset.done $0x0  }
0x199: {  	[sflag:s6] =	ssyncadd.s32 $0xFFFFC000  }
0x19a: {  	_ =	swait.ge [sflag:s6], $0x4000  }
0x19b: {  	[sflag:s6] =	ssyncset.done $0x0  }
0x19c: {  	[sflag:s6] =	ssyncadd.s32 $0xFFFFC000  }
0x19d: {  	_ =	swait.ge [sflag:s6], $0x4000  }
0x19e: {  	[sflag:s6] =	ssyncset.done $0x0  }
0x19f: {  	[sflag:s6] =	ssyncadd.s32 $0xFFFFC000  }
0x1a0: {  	_ =	swait.ge [sflag:s6], $0x4000  }
0x1a1: {  	[sflag:s6] =	ssyncset.done $0x0  }
0x1a2: {  	[sflag:s6] =	ssyncadd.s32 $0xFFFFC000  }
0x1a3: {  	[spmem:s2] =	stream.indirect.scatter.add.f32 [tilespmem:s7], [sflag:$0x1], $0x80, s10, s8, $0xb8;
	[tilespmem:$0x19400] =	vst v63  }
0x1a4: {  	_ = 	snop  }
0x1a5: {  	[spmem:s2] =	stream.indirect.scatter.add.f32 [tilespmem:s7], [sflag:$0x1], $0x80, s11, s8, $0xb8;
	[tilespmem:$0x19400] =	vst v63  }
0x1a6: {  	_ = 	snop  }
0x1a7: {  	[spmem:s2] =	stream.indirect.scatter.add.f32 [tilespmem:s7], [sflag:$0x1], $0x80, s12, s8, $0xb8;
	[tilespmem:$0x19400] =	vst v63  }
0x1a8: {  	_ = 	snop  }
0x1a9: {  	[spmem:s2] =	stream.indirect.scatter.add.f32 [tilespmem:s7], [sflag:$0x1], $0x80, s13, s8, $0xb8;
	[tilespmem:$0x19400] =	vst v63  }
0x1aa: {  	_ = 	snop  }
0x1ab: {  	[spmem:s2] =	stream.indirect.scatter.add.f32 [tilespmem:s7], [sflag:$0x1], $0x80, s14, s8, $0xb8;
	[tilespmem:$0x19400] =	vst v63  }
0x1ac: {  	_ = 	snop  }
0x1ad: {  	[spmem:s2] =	stream.indirect.scatter.add.f32 [tilespmem:s7], [sflag:$0x1], $0x80, s15, s8, $0xb8;
	[tilespmem:$0x19400] =	vst v63  }
0x1ae: {  	_ = 	snop  }
0x1af: {  	[spmem:s2] =	stream.indirect.scatter.add.f32 [tilespmem:s7], [sflag:$0x1], $0x80, s16, s8, $0xb8;
	[tilespmem:$0x19400] =	vst v63  }
0x1b0: {  	_ = 	snop  }
0x1b1: {  	[spmem:s2] =	stream.indirect.scatter.add.f32 [tilespmem:s7], [sflag:$0x1], $0x80, s17, s8, $0xb8;
	[tilespmem:$0x19400] =	vst v63  }
0x1b2: {  	_ =	swait.ge [sflag:s6], $0x4000  }
0x1b3: {  	[sflag:s6] =	ssyncset.done $0x0  }
0x1b4: {  	[sflag:s6] =	ssyncadd.s32 $0xFFFFC000  }
0x1b5: {  	_ =	swait.ge [sflag:s6], $0x4000  }
0x1b6: {  	[sflag:s6] =	ssyncset.done $0x0  }
0x1b7: {  	[sflag:s6] =	ssyncadd.s32 $0xFFFFC000  }
0x1b8: {  	_ =	swait.ge [sflag:s6], $0x4000  }
0x1b9: {  	[sflag:s6] =	ssyncset.done $0x0  }
0x1ba: {  	[sflag:s6] =	ssyncadd.s32 $0xFFFFC000  }
0x1bb: {  	_ =	swait.ge [sflag:s6], $0x4000  }
0x1bc: {  	[sflag:s6] =	ssyncset.done $0x0  }
0x1bd: {  	[sflag:s6] =	ssyncadd.s32 $0xFFFFC000  }
0x1be: {  	_ =	swait.ge [sflag:s6], $0x4000  }
0x1bf: {  	[sflag:s6] =	ssyncset.done $0x0  }
0x1c0: {  	[sflag:s6] =	ssyncadd.s32 $0xFFFFC000  }
0x1c1: {  	_ =	swait.ge [sflag:s6], $0x4000  }
0x1c2: {  	[sflag:s6] =	ssyncset.done $0x0  }
0x1c3: {  	[sflag:s6] =	ssyncadd.s32 $0xFFFFC000  }
0x1c4: {  	_ =	swait.ge [sflag:s6], $0x4000  }
0x1c5: {  	[sflag:s6] =	ssyncset.done $0x0  }
0x1c6: {  	[sflag:s6] =	ssyncadd.s32 $0xFFFFC000  }
0x1c7: {  	_ =	swait.ge [sflag:s6], $0x4000  }
0x1c8: {  	[sflag:s6] =	ssyncset.done $0x0  }
0x1c9: {  	p1 =	sne.s32 s1, $0x1;
	[sflag:s6] =	ssyncadd.s32 $0xFFFFC000  }
.Ltmp2:
0x1ca: {  	[bflag:$0x0] =	sbarrier.arrive $0xFFFF;
	(pc) =	sbr.rel @p1 .LBB2_4-.Ltmp2, $4  }
0x1cb: {  	s9 =	rddreg [dreg:$0x7]  }
0x1cc: {  	[hbm:s9], [sflag:s4] =	dma.local [spmem:s5], $0x2800  }
0x1cd: {  	_ =	swait.ge [sflag:s3], $0x2800  }
0x1ce: {  	s1 =	sadd.s32 $0xFFFFFFFF, s1;
	s0 =	rddreg [dreg:$0x5];
	[sflag:s3] =	ssyncset.done $0x0  }
0x1cf: {  	s17 =	simm.s32 $0xB80;
	s30 =	simm.s32 $0xB00;
	s29 =	simm.s32 $0xA80  }
0x1d0: {  	s28 =	simm.s32 $0xA00;
	s26 =	simm.s32 $0x980;
	s25 =	simm.s32 $0xF80  }
0x1d1: {  	s24 =	simm.s32 $0xF00;
	s23 =	simm.s32 $0xE80;
	s22 =	simm.s32 $0xE00  }
0x1d2: {  	s21 =	simm.s32 $0xD80;
	s20 =	simm.s32 $0xD00;
	s19 =	simm.s32 $0xC80  }
0x1d3: {  	s18 =	simm.s32 $0xC00;
	s16 =	simm.s32 $0x1300;
	s15 =	simm.s32 $0x1280  }
0x1d4: {  	s14 =	simm.s32 $0x1200;
	s13 =	simm.s32 $0x1180;
	s12 =	simm.s32 $0x1100  }
0x1d5: {  	s11 =	simm.s32 $0x1080;
	s10 =	simm.s32 $0x1000;
	s9 =	stileid.u32  }
.LBB2_6:
0x1d6: {  	[sflag:s3] =	ssyncadd.s32 @p0 $0xFFFFD800  }
0x1d7: {  	[tilespmem:s31], [sflag:$0x2] =	stream.linear.gather [hbm4b:s0+s31], $0x1400, $0x38;
	[tilespmem:$0x19400] =	vst v63  }
0x1d8: {  	_ =	swait.ge [sflag:s3], $0x1400  }
0x1d9: {  	[sflag:s3] =	ssyncset.done $0x0  }
0x1da: {  	s1 =	rddreg [dreg:$0x4];
	[sflag:s3] =	ssyncadd.s32 $0xFFFFEC00  }
0x1db: {  	[tilespmem:s7], [sflag:$0x2] =	stream.linear.gather [hbm4b:s1+s31], $0x4000, $0x38;
	[tilespmem:$0x19400] =	vst v63  }
0x1dc: {  	_ =	swait.ge [sflag:s3], $0x4000  }
0x1dd: {  	[sflag:s3] =	ssyncset.done $0x0  }
0x1de: {  	s1 =	rddreg [dreg:$0x6];
	[sflag:s3] =	ssyncadd.s32 $0xFFFFC000  }
0x1df: {  	[spmem:s5], [sflag:s4] =	dma.local [hbm:s1], $0x2800  }
0x1e0: {  	_ =	swait.ge [sflag:s3], $0x2800  }
0x1e1: {  	[sflag:s3] =	ssyncset.done $0x0  }
0x1e2: {  	[sflag:s3] =	ssyncadd.s32 $0xFFFFD800  }
0x1e3: {  	[bflag:$0x0] =	sbarrier.arrive $0xFFFF  }
0x1e4: {  	[spmem:s2] =	stream.indirect.scatter.add.f32 [tilespmem:s7], [sflag:$0x1], $0x80, s31, s8, $0xb8;
	[tilespmem:$0x19400] =	vst v63  }
0x1e5: {  	_ = 	snop  }
0x1e6: {  	[spmem:s2] =	stream.indirect.scatter.add.f32 [tilespmem:s7], [sflag:$0x1], $0x80, s8, s8, $0xb8;
	[tilespmem:$0x19400] =	vst v63  }
0x1e7: {  	s31 =	rddreg [dreg:$0x8]  }
0x1e8: {  	[spmem:s2] =	stream.indirect.scatter.add.f32 [tilespmem:s7], [sflag:$0x1], $0x80, s31, s8, $0xb8;
	[tilespmem:$0x19400] =	vst v63  }
0x1e9: {  	s1 =	rddreg [dreg:$0x9]  }
0x1ea: {  	[spmem:s2] =	stream.indirect.scatter.add.f32 [tilespmem:s7], [sflag:$0x1], $0x80, s1, s8, $0xb8;
	[tilespmem:$0x19400] =	vst v63  }
0x1eb: {  	s0 =	rddreg [dreg:$0xa]  }
0x1ec: {  	[spmem:s2] =	stream.indirect.scatter.add.f32 [tilespmem:s7], [sflag:$0x1], $0x80, s0, s8, $0xb8;
	[tilespmem:$0x19400] =	vst v63  }
0x1ed: {  	s31 =	rddreg [dreg:$0xb]  }
0x1ee: {  	[spmem:s2] =	stream.indirect.scatter.add.f32 [tilespmem:s7], [sflag:$0x1], $0x80, s31, s8, $0xb8;
	[tilespmem:$0x19400] =	vst v63  }
0x1ef: {  	s0 =	rddreg [dreg:$0xc]  }
0x1f0: {  	[spmem:s2] =	stream.indirect.scatter.add.f32 [tilespmem:s7], [sflag:$0x1], $0x80, s0, s8, $0xb8;
	[tilespmem:$0x19400] =	vst v63  }
0x1f1: {  	s31 =	rddreg [dreg:$0xd]  }
0x1f2: {  	[spmem:s2] =	stream.indirect.scatter.add.f32 [tilespmem:s7], [sflag:$0x1], $0x80, s31, s8, $0xb8;
	[tilespmem:$0x19400] =	vst v63  }
0x1f3: {  	_ =	swait.ge [sflag:s6], $0x4000  }
0x1f4: {  	[sflag:s6] =	ssyncset.done $0x0  }
0x1f5: {  	[sflag:s6] =	ssyncadd.s32 $0xFFFFC000  }
0x1f6: {  	_ =	swait.ge [sflag:s6], $0x4000  }
0x1f7: {  	[sflag:s6] =	ssyncset.done $0x0  }
0x1f8: {  	[sflag:s6] =	ssyncadd.s32 $0xFFFFC000  }
0x1f9: {  	_ =	swait.ge [sflag:s6], $0x4000  }
0x1fa: {  	[sflag:s6] =	ssyncset.done $0x0  }
0x1fb: {  	[sflag:s6] =	ssyncadd.s32 $0xFFFFC000  }
0x1fc: {  	_ =	swait.ge [sflag:s6], $0x4000  }
0x1fd: {  	[sflag:s6] =	ssyncset.done $0x0  }
0x1fe: {  	[sflag:s6] =	ssyncadd.s32 $0xFFFFC000  }
0x1ff: {  	_ =	swait.ge [sflag:s6], $0x4000  }
0x200: {  	[sflag:s6] =	ssyncset.done $0x0  }
0x201: {  	[sflag:s6] =	ssyncadd.s32 $0xFFFFC000  }
0x202: {  	_ =	swait.ge [sflag:s6], $0x4000  }
0x203: {  	[sflag:s6] =	ssyncset.done $0x0  }
0x204: {  	[sflag:s6] =	ssyncadd.s32 $0xFFFFC000  }
0x205: {  	_ =	swait.ge [sflag:s6], $0x4000  }
0x206: {  	[sflag:s6] =	ssyncset.done $0x0  }
0x207: {  	[sflag:s6] =	ssyncadd.s32 $0xFFFFC000  }
0x208: {  	_ =	swait.ge [sflag:s6], $0x4000  }
0x209: {  	[sflag:s6] =	ssyncset.done $0x0  }
0x20a: {  	s1 =	rddreg [dreg:$0xe];
	[sflag:s6] =	ssyncadd.s32 $0xFFFFC000  }
0x20b: {  	[spmem:s2] =	stream.indirect.scatter.add.f32 [tilespmem:s7], [sflag:$0x1], $0x80, s1, s8, $0xb8;
	[tilespmem:$0x19400] =	vst v63  }
0x20c: {  	s31 =	rddreg [dreg:$0xf]  }
0x20d: {  	[spmem:s2] =	stream.indirect.scatter.add.f32 [tilespmem:s7], [sflag:$0x1], $0x80, s31, s8, $0xb8;
	[tilespmem:$0x19400] =	vst v63  }
0x20e: {  	s0 =	rddreg [dreg:$0x10]  }
0x20f: {  	[spmem:s2] =	stream.indirect.scatter.add.f32 [tilespmem:s7], [sflag:$0x1], $0x80, s0, s8, $0xb8;
	[tilespmem:$0x19400] =	vst v63  }
0x210: {  	s31 =	rddreg [dreg:$0x11]  }
0x211: {  	[spmem:s2] =	stream.indirect.scatter.add.f32 [tilespmem:s7], [sflag:$0x1], $0x80, s31, s8, $0xb8;
	[tilespmem:$0x19400] =	vst v63  }
0x212: {  	s0 =	rddreg [dreg:$0x12]  }
0x213: {  	[spmem:s2] =	stream.indirect.scatter.add.f32 [tilespmem:s7], [sflag:$0x1], $0x80, s0, s8, $0xb8;
	[tilespmem:$0x19400] =	vst v63  }
0x214: {  	s31 =	rddreg [dreg:$0x13]  }
0x215: {  	[spmem:s2] =	stream.indirect.scatter.add.f32 [tilespmem:s7], [sflag:$0x1], $0x80, s31, s8, $0xb8;
	[tilespmem:$0x19400] =	vst v63  }
0x216: {  	s0 =	rddreg [dreg:$0x14]  }
0x217: {  	[spmem:s2] =	stream.indirect.scatter.add.f32 [tilespmem:s7], [sflag:$0x1], $0x80, s0, s8, $0xb8;
	[tilespmem:$0x19400] =	vst v63  }
0x218: {  	s31 =	rddreg [dreg:$0x15]  }
0x219: {  	[spmem:s2] =	stream.indirect.scatter.add.f32 [tilespmem:s7], [sflag:$0x1], $0x80, s31, s8, $0xb8;
	[tilespmem:$0x19400] =	vst v63  }
0x21a: {  	_ =	swait.ge [sflag:s6], $0x4000  }
0x21b: {  	[sflag:s6] =	ssyncset.done $0x0  }
0x21c: {  	[sflag:s6] =	ssyncadd.s32 $0xFFFFC000  }
0x21d: {  	_ =	swait.ge [sflag:s6], $0x4000  }
0x21e: {  	[sflag:s6] =	ssyncset.done $0x0  }
0x21f: {  	[sflag:s6] =	ssyncadd.s32 $0xFFFFC000  }
0x220: {  	_ =	swait.ge [sflag:s6], $0x4000  }
0x221: {  	[sflag:s6] =	ssyncset.done $0x0  }
0x222: {  	[sflag:s6] =	ssyncadd.s32 $0xFFFFC000  }
0x223: {  	_ =	swait.ge [sflag:s6], $0x4000  }
0x224: {  	[sflag:s6] =	ssyncset.done $0x0  }
0x225: {  	[sflag:s6] =	ssyncadd.s32 $0xFFFFC000  }
0x226: {  	_ =	swait.ge [sflag:s6], $0x4000  }
0x227: {  	[sflag:s6] =	ssyncset.done $0x0  }
0x228: {  	[sflag:s6] =	ssyncadd.s32 $0xFFFFC000  }
0x229: {  	_ =	swait.ge [sflag:s6], $0x4000  }
0x22a: {  	[sflag:s6] =	ssyncset.done $0x0  }
0x22b: {  	[sflag:s6] =	ssyncadd.s32 $0xFFFFC000  }
0x22c: {  	_ =	swait.ge [sflag:s6], $0x4000  }
0x22d: {  	[sflag:s6] =	ssyncset.done $0x0  }
0x22e: {  	[sflag:s6] =	ssyncadd.s32 $0xFFFFC000  }
0x22f: {  	_ =	swait.ge [sflag:s6], $0x4000  }
0x230: {  	[sflag:s6] =	ssyncset.done $0x0  }
0x231: {  	s31 =	rddreg [dreg:$0x16];
	[sflag:s6] =	ssyncadd.s32 $0xFFFFC000  }
0x232: {  	[spmem:s2] =	stream.indirect.scatter.add.f32 [tilespmem:s7], [sflag:$0x1], $0x80, s31, s8, $0xb8;
	[tilespmem:$0x19400] =	vst v63  }
0x233: {  	s1 =	rddreg [dreg:$0x17]  }
0x234: {  	[spmem:s2] =	stream.indirect.scatter.add.f32 [tilespmem:s7], [sflag:$0x1], $0x80, s1, s8, $0xb8;
	[tilespmem:$0x19400] =	vst v63  }
0x235: {  	s31 =	rddreg [dreg:$0x18]  }
0x236: {  	[spmem:s2] =	stream.indirect.scatter.add.f32 [tilespmem:s7], [sflag:$0x1], $0x80, s31, s8, $0xb8;
	[tilespmem:$0x19400] =	vst v63  }
0x237: {  	_ = 	snop  }
0x238: {  	[spmem:s2] =	stream.indirect.scatter.add.f32 [tilespmem:s7], [sflag:$0x1], $0x80, s26, s8, $0xb8;
	[tilespmem:$0x19400] =	vst v63  }
0x239: {  	_ = 	snop  }
0x23a: {  	[spmem:s2] =	stream.indirect.scatter.add.f32 [tilespmem:s7], [sflag:$0x1], $0x80, s28, s8, $0xb8;
	[tilespmem:$0x19400] =	vst v63  }
0x23b: {  	_ = 	snop  }
0x23c: {  	[spmem:s2] =	stream.indirect.scatter.add.f32 [tilespmem:s7], [sflag:$0x1], $0x80, s29, s8, $0xb8;
	[tilespmem:$0x19400] =	vst v63  }
0x23d: {  	_ = 	snop  }
0x23e: {  	[spmem:s2] =	stream.indirect.scatter.add.f32 [tilespmem:s7], [sflag:$0x1], $0x80, s30, s8, $0xb8;
	[tilespmem:$0x19400] =	vst v63  }
0x23f: {  	_ = 	snop  }
0x240: {  	[spmem:s2] =	stream.indirect.scatter.add.f32 [tilespmem:s7], [sflag:$0x1], $0x80, s17, s8, $0xb8;
	[tilespmem:$0x19400] =	vst v63  }
0x241: {  	_ =	swait.ge [sflag:s6], $0x4000  }
0x242: {  	[sflag:s6] =	ssyncset.done $0x0  }
0x243: {  	[sflag:s6] =	ssyncadd.s32 $0xFFFFC000  }
0x244: {  	_ =	swait.ge [sflag:s6], $0x4000  }
0x245: {  	[sflag:s6] =	ssyncset.done $0x0  }
0x246: {  	[sflag:s6] =	ssyncadd.s32 $0xFFFFC000  }
0x247: {  	_ =	swait.ge [sflag:s6], $0x4000  }
0x248: {  	[sflag:s6] =	ssyncset.done $0x0  }
0x249: {  	[sflag:s6] =	ssyncadd.s32 $0xFFFFC000  }
0x24a: {  	_ =	swait.ge [sflag:s6], $0x4000  }
0x24b: {  	[sflag:s6] =	ssyncset.done $0x0  }
0x24c: {  	[sflag:s6] =	ssyncadd.s32 $0xFFFFC000  }
0x24d: {  	_ =	swait.ge [sflag:s6], $0x4000  }
0x24e: {  	[sflag:s6] =	ssyncset.done $0x0  }
0x24f: {  	[sflag:s6] =	ssyncadd.s32 $0xFFFFC000  }
0x250: {  	_ =	swait.ge [sflag:s6], $0x4000  }
0x251: {  	[sflag:s6] =	ssyncset.done $0x0  }
0x252: {  	[sflag:s6] =	ssyncadd.s32 $0xFFFFC000  }
0x253: {  	_ =	swait.ge [sflag:s6], $0x4000  }
0x254: {  	[sflag:s6] =	ssyncset.done $0x0  }
0x255: {  	[sflag:s6] =	ssyncadd.s32 $0xFFFFC000  }
0x256: {  	_ =	swait.ge [sflag:s6], $0x4000  }
0x257: {  	[sflag:s6] =	ssyncset.done $0x0  }
0x258: {  	[sflag:s6] =	ssyncadd.s32 $0xFFFFC000  }
0x259: {  	[spmem:s2] =	stream.indirect.scatter.add.f32 [tilespmem:s7], [sflag:$0x1], $0x80, s18, s8, $0xb8;
	[tilespmem:$0x19400] =	vst v63  }
0x25a: {  	_ = 	snop  }
0x25b: {  	[spmem:s2] =	stream.indirect.scatter.add.f32 [tilespmem:s7], [sflag:$0x1], $0x80, s19, s8, $0xb8;
	[tilespmem:$0x19400] =	vst v63  }
0x25c: {  	_ = 	snop  }
0x25d: {  	[spmem:s2] =	stream.indirect.scatter.add.f32 [tilespmem:s7], [sflag:$0x1], $0x80, s20, s8, $0xb8;
	[tilespmem:$0x19400] =	vst v63  }
0x25e: {  	_ = 	snop  }
0x25f: {  	[spmem:s2] =	stream.indirect.scatter.add.f32 [tilespmem:s7], [sflag:$0x1], $0x80, s21, s8, $0xb8;
	[tilespmem:$0x19400] =	vst v63  }
0x260: {  	_ = 	snop  }
0x261: {  	[spmem:s2] =	stream.indirect.scatter.add.f32 [tilespmem:s7], [sflag:$0x1], $0x80, s22, s8, $0xb8;
	[tilespmem:$0x19400] =	vst v63  }
0x262: {  	_ = 	snop  }
0x263: {  	[spmem:s2] =	stream.indirect.scatter.add.f32 [tilespmem:s7], [sflag:$0x1], $0x80, s23, s8, $0xb8;
	[tilespmem:$0x19400] =	vst v63  }
0x264: {  	_ = 	snop  }
0x265: {  	[spmem:s2] =	stream.indirect.scatter.add.f32 [tilespmem:s7], [sflag:$0x1], $0x80, s24, s8, $0xb8;
	[tilespmem:$0x19400] =	vst v63  }
0x266: {  	_ = 	snop  }
0x267: {  	[spmem:s2] =	stream.indirect.scatter.add.f32 [tilespmem:s7], [sflag:$0x1], $0x80, s25, s8, $0xb8;
	[tilespmem:$0x19400] =	vst v63  }
0x268: {  	_ =	swait.ge [sflag:s6], $0x4000  }
0x269: {  	[sflag:s6] =	ssyncset.done $0x0  }
0x26a: {  	[sflag:s6] =	ssyncadd.s32 $0xFFFFC000  }
0x26b: {  	_ =	swait.ge [sflag:s6], $0x4000  }
0x26c: {  	[sflag:s6] =	ssyncset.done $0x0  }
0x26d: {  	[sflag:s6] =	ssyncadd.s32 $0xFFFFC000  }
0x26e: {  	_ =	swait.ge [sflag:s6], $0x4000  }
0x26f: {  	[sflag:s6] =	ssyncset.done $0x0  }
0x270: {  	[sflag:s6] =	ssyncadd.s32 $0xFFFFC000  }
0x271: {  	_ =	swait.ge [sflag:s6], $0x4000  }
0x272: {  	[sflag:s6] =	ssyncset.done $0x0  }
0x273: {  	[sflag:s6] =	ssyncadd.s32 $0xFFFFC000  }
0x274: {  	_ =	swait.ge [sflag:s6], $0x4000  }
0x275: {  	[sflag:s6] =	ssyncset.done $0x0  }
0x276: {  	[sflag:s6] =	ssyncadd.s32 $0xFFFFC000  }
0x277: {  	_ =	swait.ge [sflag:s6], $0x4000  }
0x278: {  	[sflag:s6] =	ssyncset.done $0x0  }
0x279: {  	[sflag:s6] =	ssyncadd.s32 $0xFFFFC000  }
0x27a: {  	_ =	swait.ge [sflag:s6], $0x4000  }
0x27b: {  	[sflag:s6] =	ssyncset.done $0x0  }
0x27c: {  	[sflag:s6] =	ssyncadd.s32 $0xFFFFC000  }
0x27d: {  	_ =	swait.ge [sflag:s6], $0x4000  }
0x27e: {  	[sflag:s6] =	ssyncset.done $0x0  }
0x27f: {  	[sflag:s6] =	ssyncadd.s32 $0xFFFFC000  }
0x280: {  	[spmem:s2] =	stream.indirect.scatter.add.f32 [tilespmem:s7], [sflag:$0x1], $0x80, s10, s8, $0xb8;
	[tilespmem:$0x19400] =	vst v63  }
0x281: {  	_ = 	snop  }
0x282: {  	[spmem:s2] =	stream.indirect.scatter.add.f32 [tilespmem:s7], [sflag:$0x1], $0x80, s11, s8, $0xb8;
	[tilespmem:$0x19400] =	vst v63  }
0x283: {  	_ = 	snop  }
0x284: {  	[spmem:s2] =	stream.indirect.scatter.add.f32 [tilespmem:s7], [sflag:$0x1], $0x80, s12, s8, $0xb8;
	[tilespmem:$0x19400] =	vst v63  }
0x285: {  	_ = 	snop  }
0x286: {  	[spmem:s2] =	stream.indirect.scatter.add.f32 [tilespmem:s7], [sflag:$0x1], $0x80, s13, s8, $0xb8;
	[tilespmem:$0x19400] =	vst v63  }
0x287: {  	_ = 	snop  }
0x288: {  	[spmem:s2] =	stream.indirect.scatter.add.f32 [tilespmem:s7], [sflag:$0x1], $0x80, s14, s8, $0xb8;
	[tilespmem:$0x19400] =	vst v63  }
0x289: {  	_ = 	snop  }
0x28a: {  	[spmem:s2] =	stream.indirect.scatter.add.f32 [tilespmem:s7], [sflag:$0x1], $0x80, s15, s8, $0xb8;
	[tilespmem:$0x19400] =	vst v63  }
0x28b: {  	_ = 	snop  }
0x28c: {  	[spmem:s2] =	stream.indirect.scatter.add.f32 [tilespmem:s7], [sflag:$0x1], $0x80, s16, s8, $0xb8;
	[tilespmem:$0x19400] =	vst v63  }
0x28d: {  	s30 =	simm.s32 $0x1380  }
0x28e: {  	[spmem:s2] =	stream.indirect.scatter.add.f32 [tilespmem:s7], [sflag:$0x1], $0x80, s30, s8, $0xb8;
	[tilespmem:$0x19400] =	vst v63  }
0x28f: {  	_ =	swait.ge [sflag:s6], $0x4000  }
0x290: {  	[sflag:s6] =	ssyncset.done $0x0  }
0x291: {  	[sflag:s6] =	ssyncadd.s32 $0xFFFFC000  }
0x292: {  	_ =	swait.ge [sflag:s6], $0x4000  }
0x293: {  	[sflag:s6] =	ssyncset.done $0x0  }
0x294: {  	[sflag:s6] =	ssyncadd.s32 $0xFFFFC000  }
0x295: {  	_ =	swait.ge [sflag:s6], $0x4000  }
0x296: {  	[sflag:s6] =	ssyncset.done $0x0  }
0x297: {  	[sflag:s6] =	ssyncadd.s32 $0xFFFFC000  }
0x298: {  	_ =	swait.ge [sflag:s6], $0x4000  }
0x299: {  	[sflag:s6] =	ssyncset.done $0x0  }
0x29a: {  	[sflag:s6] =	ssyncadd.s32 $0xFFFFC000  }
0x29b: {  	_ =	swait.ge [sflag:s6], $0x4000  }
0x29c: {  	[sflag:s6] =	ssyncset.done $0x0  }
0x29d: {  	[sflag:s6] =	ssyncadd.s32 $0xFFFFC000  }
0x29e: {  	_ =	swait.ge [sflag:s6], $0x4000  }
0x29f: {  	[sflag:s6] =	ssyncset.done $0x0  }
0x2a0: {  	[sflag:s6] =	ssyncadd.s32 $0xFFFFC000  }
0x2a1: {  	_ =	swait.ge [sflag:s6], $0x4000  }
0x2a2: {  	[sflag:s6] =	ssyncset.done $0x0  }
0x2a3: {  	[sflag:s6] =	ssyncadd.s32 $0xFFFFC000  }
0x2a4: {  	_ =	swait.ge [sflag:s6], $0x4000  }
0x2a5: {  	[sflag:s6] =	ssyncset.done $0x0  }
0x2a6: {  	[sflag:s6] =	ssyncadd.s32 $0xFFFFC000  }
0x2a7: {  	[bflag:$0x0] =	sbarrier.arrive $0xFFFF  }
0x2a8: {  	s31 =	rddreg [dreg:$0x7]  }
0x2a9: {  	[hbm:s31], [sflag:s4] =	dma.local [spmem:s5], $0x2800  }
0x2aa: {  	_ =	swait.ge [sflag:s3], $0x2800  }
0x2ab: {  	[sflag:s3] =	ssyncset.done $0x0  }
0x2ac: {  	[sflag:s3] =	ssyncadd.s32 $0xFFFFD800  }
0x2ad: {  	_ =	sfence.sel $0x180000  }
0x2ae: {  	[bflag:$0x0] =	sbarrier.arrive $0xFFFF  }
0x2af: {  	_ =	strace $0x90000047  }
0x2b0: {  	[bflag:$0x2] =	sbarrier.arrive $0xFFFF  }
0x2b1: {  	p0 =	sne.s32 s9, $0x0;
	s0 =	rddreg [dreg:$0x3]  }
0x2b2: {  	s0 =	sadd.s32 @!p0 $0x100000, s0  }
0x2b3: {  	[sflag:s0] =	ssyncadd.tile.s32 @!p0 $0x1;
	_ =	shalt  }
.LBB2_1:
0x2b4: {  	s17 =	simm.s32 $0xB80;
	s30 =	simm.s32 $0xB00;
	s29 =	simm.s32 $0xA80  }
0x2b5: {  	s28 =	simm.s32 $0xA00;
	s26 =	simm.s32 $0x980;
	s25 =	simm.s32 $0xF80  }
.Ltmp3:
0x2b6: {  	s24 =	simm.s32 $0xF00;
	s23 =	simm.s32 $0xE80;
	(pc) =	sbr.rel .LBB2_6-.Ltmp3, $4  }
0x2b7: {  	s22 =	simm.s32 $0xE00;
	s21 =	simm.s32 $0xD80;
	s20 =	simm.s32 $0xD00  }
0x2b8: {  	s19 =	simm.s32 $0xC80;
	s18 =	simm.s32 $0xC00;
	s16 =	simm.s32 $0x1300  }
0x2b9: {  	s15 =	simm.s32 $0x1280;
	s14 =	simm.s32 $0x1200;
	s13 =	simm.s32 $0x1180  }
0x2ba: {  	s12 =	simm.s32 $0x1100;
	s11 =	simm.s32 $0x1080;
	s10 =	simm.s32 $0x1000  }
.LBB2_3:
0x2bb: {  	s17 =	simm.s32 $0xB80  }
0x2bc: {  	s30 =	simm.s32 $0xB00;
	s29 =	simm.s32 $0xA80;
	s28 =	simm.s32 $0xA00  }
0x2bd: {  	s26 =	simm.s32 $0x980;
	s25 =	simm.s32 $0xF80;
	s24 =	simm.s32 $0xF00  }
.Ltmp4:
0x2be: {  	s23 =	simm.s32 $0xE80;
	s22 =	simm.s32 $0xE00;
	(pc) =	sbr.rel .LBB2_6-.Ltmp4, $4  }
0x2bf: {  	s21 =	simm.s32 $0xD80;
	s20 =	simm.s32 $0xD00;
	s19 =	simm.s32 $0xC80  }
0x2c0: {  	s18 =	simm.s32 $0xC00;
	s16 =	simm.s32 $0x1300;
	s15 =	simm.s32 $0x1280  }
0x2c1: {  	s14 =	simm.s32 $0x1200;
	s13 =	simm.s32 $0x1180;
	s12 =	simm.s32 $0x1100  }
0x2c2: {  	s11 =	simm.s32 $0x1080;
	s10 =	simm.s32 $0x1000;
	s9 =	stileid.u32  }
.Lfunc_end2:
_tile_overlayer_lowered:
.L_overlay_start_2:
0x2c3: {  	(tag) =	ssettag $0x2  }
0x2c4: {  	s0 =	rddreg [dreg:$0x0];
	s2 =	stileid.u32  }
0x2c5: {  	s1 =	rddreg [dreg:$0x1];
	p0 =	sne.s32 s2, $0x0  }
0x2c6: {  	s3 =	rddreg [dreg:$0x2];
	[bflag:$0x3] =	sbarrier.arrive $0xFFFF;
	s2 =	simm.s32 @!p0 $0x1C02  }
0x2c7: {  	[timem:s3], [sflag:s2] =	dma.local @!p0 [hbm:s0], s1  }
0x2c8: {  	s0 =	simm.s32 @!p0 $0x2  }
0x2c9: {  	_ =	swait.ge @!p0 [sflag:s0], s1  }
0x2ca: {  	s1 =	ssub.s32 @!p0 $0x0, s1;
	[sflag:s0] =	ssyncset.done @!p0 $0x0  }
0x2cb: {  	[sflag:s0] =	ssyncadd.s32 @!p0 s1  }
0x2cc: {  	[bflag:$0x3] =	sbarrier.arrive $0xFFFF  }
0x2cd: {  	_ =	shalt  }

</sc_bundles>
